<compile_context>
chip_gen: v7x
topology: tpu7x:2x2x1
jax: 0.10.2.dev20260603
libtpu: 0.0.44.dev20260713+nightly
codegen_flags: <defaults>
</compile_context>

<pallas_src>
import functools

import jax
import jax.numpy as jnp
from jax import lax
from jax.experimental import pallas as pl
from jax.experimental.pallas import tpu as pltpu
from jax.experimental.pallas import tpu_sc as plsc

N = 10000
E = 320000
C = 128
EPS_MIX = 0.1

NC = 2
NS = 16
NW = NC * NS
EPT = E // NW
K = 128
NBP = 80
EPP = NBP * K
SB = 8
NSB = NBP // SB
G16 = EPT // 16
STRIPE = 624
LAST = N - STRIPE * (NS - 1)
ZR = 8


def _gate_kernel(x_ref, w_ref, b_ref, o_ref):
    o_ref[...] = (
        jnp.dot(x_ref[...], w_ref[...], preferred_element_type=jnp.float32)
        + b_ref[...]
    )


def _combine_kernel(p_ref, d_ref, x_ref, o_ref):
    den = d_ref[0, :, 0:1]
    half = C // NC
    o_ref[:, :half] = ((1.0 - EPS_MIX) * p_ref[0] / (den + 1e-16)
                       + EPS_MIX * x_ref[:, :half])
    o_ref[:, half:] = ((1.0 - EPS_MIX) * p_ref[1] / (den + 1e-16)
                       + EPS_MIX * x_ref[:, half:])


def _sc_ex_body(row_hbm, col_hbm, srow_hbm, scol_hbm, ex_hbm,
                rowv, colv, srow, scol, exv):
    c = lax.axis_index("c")
    s = lax.axis_index("s")
    w = c * NS + s

    pltpu.sync_copy(row_hbm.at[w], rowv)
    pltpu.sync_copy(col_hbm.at[w], colv)
    pltpu.sync_copy(srow_hbm, srow)
    pltpu.sync_copy(scol_hbm, scol)

    def group(r, _):
        for j in range(K // 16):
            ri = rowv[r, pl.ds(j * 16, 16)]
            ci = colv[r, pl.ds(j * 16, 16)]
            a = plsc.load_gather(srow, [ri])
            b = plsc.load_gather(scol, [ci])
            z = a + b
            t = 1.0 - 2.0 / (1.0 + jnp.exp(2.0 * z))
            ex = jnp.exp(t)
            gid = jnp.full((16,), r * (K // 16) + j, jnp.int32)
            exv[r, pl.ds(j * 16, 16)] = jnp.where(gid < G16, ex, 0.0)
        return ()

    lax.fori_loop(0, NBP, group, ())
    pltpu.sync_copy(exv, ex_hbm.at[w])


_sc_ex = functools.partial(
    pl.kernel,
    out_type=jax.ShapeDtypeStruct((NW, NBP, K), jnp.float32),
    mesh=plsc.VectorSubcoreMesh(core_axis_name="c", subcore_axis_name="s"),
    compiler_params=pltpu.CompilerParams(needs_layout_passes=False),
    scratch_types=[
        pltpu.VMEM((NBP, K), jnp.int32),
        pltpu.VMEM((NBP, K), jnp.int32),
        pltpu.VMEM((N,), jnp.float32),
        pltpu.VMEM((N,), jnp.float32),
        pltpu.VMEM((NBP, K), jnp.float32),
    ],
)(_sc_ex_body)


CH = C // NC
NB2 = 160
NSB2 = NB2 // SB


def _sc_heavy_body(row_hbm, col_hbm, ex_hbm, xf_hbm,
                   prop_out, den_out,
                   rowc, colc, exc, idxc, xg, xg2, dbuf, zb, zdb,
                   propS, denS, sem, sem2, sem3, sem4):
    c = lax.axis_index("c")
    s = lax.axis_index("s")

    zeros16 = jnp.zeros((16,), jnp.float32)

    def zfill(i, _):
        for cc in range(CH // 16):
            zb[i, pl.ds(cc * 16, 16)] = zeros16
        zdb[i, pl.ds(0, 16)] = zeros16
        return ()

    lax.fori_loop(0, ZR, zfill, ())

    def zcopy(j, _):
        o = s * STRIPE + j * ZR
        pltpu.async_copy(zb, propS.at[pl.ds(o, ZR)], sem).wait()
        pltpu.async_copy(zdb, denS.at[pl.ds(o, ZR)], sem2).wait()
        return ()

    lax.fori_loop(0, STRIPE // ZR, zcopy, ())

    @pl.when(s == NS - 1)
    def _():
        for j in range((LAST - STRIPE) // ZR):
            o = N - LAST + STRIPE + j * ZR
            pltpu.async_copy(zb, propS.at[pl.ds(o, ZR)], sem).wait()
            pltpu.async_copy(zdb, denS.at[pl.ds(o, ZR)], sem2).wait()

    plsc.subcore_barrier()

    lane = lax.broadcasted_iota(jnp.int32, (16,), 0)

    def super_batch(sb, _):
        o = pl.multiple_of(sb * SB, SB)
        pltpu.sync_copy(row_hbm.at[s, pl.ds(o, SB)], rowc)
        pltpu.sync_copy(col_hbm.at[s, pl.ds(o, SB)], colc)
        pltpu.sync_copy(ex_hbm.at[s, pl.ds(o, SB)], exc)

        def adj(jr, _):
            for g in range(K // 16):
                idxc[jr, pl.ds(g * 16, 16)] = (
                    rowc[jr, pl.ds(g * 16, 16)] * 2 + c)
            return ()

        lax.fori_loop(0, SB, adj, ())

        bufs = (xg, xg2)
        sc_sems = (sem, sem2)
        pend = [None, None]
        pend_d = [None]
        g = pltpu.async_copy(xf_hbm.at[idxc.at[0]], bufs[0], sem3)
        for j in range(SB):
            g.wait()
            if j + 1 < SB:
                nxt = (j + 1) % 2
                if pend[nxt] is not None:
                    pend[nxt].wait()
                    pend[nxt] = None
                g = pltpu.async_copy(xf_hbm.at[idxc.at[j + 1]], bufs[nxt],
                                     sem3)
            buf = bufs[j % 2]
            if pend_d[0] is not None:
                pend_d[0].wait()
                pend_d[0] = None

            def rowloop(i, _, j=j, buf=buf):
                e = plsc.load_gather(
                    exc, [jnp.full((16,), j, jnp.int32),
                          jnp.full((16,), i, jnp.int32)])
                for cc in range(CH // 16):
                    buf[i, pl.ds(cc * 16, 16)] = buf[i, pl.ds(cc * 16, 16)] * e
                dbuf[i, pl.ds(0, 16)] = jnp.where(lane == 0, e, 0.0)
                return ()

            lax.fori_loop(0, K, rowloop, ())

            pend[j % 2] = pltpu.async_copy(
                buf, propS.at[colc.at[j]], sc_sems[j % 2], add=True)
            pend_d[0] = pltpu.async_copy(
                dbuf, denS.at[colc.at[j]], sem4, add=True)
        for p in pend:
            if p is not None:
                p.wait()
        pend_d[0].wait()
        return ()

    lax.fori_loop(0, NSB2, super_batch, ())

    plsc.subcore_barrier()

    def ocopy(j, _):
        o = s * STRIPE + j * ZR
        pltpu.async_copy(propS.at[pl.ds(o, ZR)],
                         prop_out.at[c, pl.ds(o, ZR)], sem).wait()
        pltpu.async_copy(denS.at[pl.ds(o, ZR)],
                         den_out.at[c, pl.ds(o, ZR)], sem2).wait()
        return ()

    lax.fori_loop(0, STRIPE // ZR, ocopy, ())

    @pl.when(s == NS - 1)
    def _():
        for j in range((LAST - STRIPE) // ZR):
            o = N - LAST + STRIPE + j * ZR
            pltpu.async_copy(propS.at[pl.ds(o, ZR)],
                             prop_out.at[c, pl.ds(o, ZR)], sem).wait()
            pltpu.async_copy(denS.at[pl.ds(o, ZR)],
                             den_out.at[c, pl.ds(o, ZR)], sem2).wait()


_sc_heavy = functools.partial(
    pl.kernel,
    out_type=(
        jax.ShapeDtypeStruct((NC, N, CH), jnp.float32),
        jax.ShapeDtypeStruct((NC, N, 16), jnp.float32),
    ),
    mesh=plsc.VectorSubcoreMesh(core_axis_name="c", subcore_axis_name="s"),
    compiler_params=pltpu.CompilerParams(
        needs_layout_passes=False, use_tc_tiling_on_sc=False),
    scratch_types=[
        pltpu.VMEM((SB, K), jnp.int32),
        pltpu.VMEM((SB, K), jnp.int32),
        pltpu.VMEM((SB, K), jnp.float32),
        pltpu.VMEM((SB, K), jnp.int32),
        pltpu.VMEM((K, CH), jnp.float32),
        pltpu.VMEM((K, CH), jnp.float32),
        pltpu.VMEM((K, 16), jnp.float32),
        pltpu.VMEM((ZR, CH), jnp.float32),
        pltpu.VMEM((ZR, 16), jnp.float32),
        pltpu.MemorySpace.VMEM_SHARED((N, CH), jnp.float32),
        pltpu.MemorySpace.VMEM_SHARED((N, 16), jnp.float32),
        pltpu.SemaphoreType.DMA,
        pltpu.SemaphoreType.DMA,
        pltpu.SemaphoreType.DMA,
        pltpu.SemaphoreType.DMA,
    ],
)(_sc_heavy_body)


@jax.jit
def kernel(x, edge_index, gate_w, gate_b):
    pad = NW * EPP - E
    row = jnp.pad(edge_index[0].astype(jnp.int32).reshape(NW, EPT),
                  ((0, 0), (0, EPP - EPT))).reshape(NW, NBP, K)
    col = jnp.pad(edge_index[1].astype(jnp.int32).reshape(NW, EPT),
                  ((0, 0), (0, EPP - EPT))).reshape(NW, NBP, K)
    del pad

    wcat = jnp.concatenate(
        [gate_w[0, :C, None], gate_w[0, C:, None]], axis=1)
    bias = jnp.stack([jnp.zeros((), jnp.float32), gate_b[0]])[None, :]
    BN = 2000
    s2 = pl.pallas_call(
        _gate_kernel,
        out_shape=jax.ShapeDtypeStruct((N, 2), jnp.float32),
        grid=(N // BN,),
        in_specs=[
            pl.BlockSpec((BN, C), lambda i: (i, 0)),
            pl.BlockSpec((C, 2), lambda i: (0, 0)),
            pl.BlockSpec((1, 2), lambda i: (0, 0)),
        ],
        out_specs=pl.BlockSpec((BN, 2), lambda i: (i, 0)),
    )(x, wcat, bias)
    s_row = s2[:, 0]
    s_col = s2[:, 1]

    ex = _sc_ex(row, col, s_row, s_col)

    row16 = row.reshape(NS, NB2, K)
    col16 = col.reshape(NS, NB2, K)
    ex16 = ex.reshape(NS, NB2, K)
    xf = x.reshape(2 * N, CH)
    prop, den = _sc_heavy(row16, col16, ex16, xf)

    R = 1000
    out = pl.pallas_call(
        _combine_kernel,
        out_shape=jax.ShapeDtypeStruct((N, C), jnp.float32),
        grid=(N // R,),
        in_specs=[
            pl.BlockSpec((NC, R, C // NC), lambda i: (0, i, 0)),
            pl.BlockSpec((NC, R, 16), lambda i: (0, i, 0)),
            pl.BlockSpec((R, C), lambda i: (i, 0)),
        ],
        out_specs=pl.BlockSpec((R, C), lambda i: (i, 0)),
    )(prop, den, x)
    return out

# --- scband reference (transcript-rebuilt; emitter-appended) ---
"""Pipeline reference for scband-fagcnconv-936302871061 (READ-ONLY COPY).

The authoritative reference and input builder live on the scoring server;
editing this copy changes nothing except your own understanding.
"""

import jax, jax.numpy as jnp
import numpy as np

N_NODES = 10000
N_EDGES = 320000
CHANNELS = 128
EPS = 0.1


def setup_inputs(seed: int = 0) -> dict:
    key = jax.random.key(seed)
    k_x, k_ei, k_w, k_b = jax.random.split(key, 4)
    x = jax.random.normal(k_x, (N_NODES, CHANNELS), dtype=jnp.float32)
    edge_index = jax.random.randint(k_ei, (2, N_EDGES), 0, N_NODES, dtype=jnp.int64)
    # nn.Linear(channels*2, 1): weight [1, 2*channels], bias [1]
    bound = 1.0 / np.sqrt(2 * CHANNELS)
    gate_w = jax.random.uniform(k_w, (1, 2 * CHANNELS), dtype=jnp.float32, minval=-bound, maxval=bound)
    gate_b = jax.random.uniform(k_b, (1,), dtype=jnp.float32, minval=-bound, maxval=bound)
    return {"x": x, "edge_index": edge_index, "gate_w": gate_w, "gate_b": gate_b}


def _edge_softmax(scores, dst, num_nodes):
    # softmax over edges grouped by destination node
    seg_max = jax.ops.segment_max(scores, dst, num_segments=num_nodes)
    seg_max = jnp.where(jnp.isfinite(seg_max), seg_max, 0.0)
    shifted = scores - seg_max[dst]
    ex = jnp.exp(shifted)
    denom = jax.ops.segment_sum(ex, dst, num_segments=num_nodes)
    return ex / (denom[dst] + 1e-16)


def reference(x, edge_index, gate_w, gate_b):
    row = edge_index[0]
    col = edge_index[1]
    pair = jnp.concatenate([x[row], x[col]], axis=-1)  # [E, 2C]
    scores = jnp.tanh(pair @ gate_w.T + gate_b).squeeze(-1)  # [E]
    weights = _edge_softmax(scores, col, x.shape[0])  # [E]
    msgs = x[row] * weights[:, None]  # [E, C]
    propagated = jnp.zeros_like(x).at[col].add(msgs)
    return (1.0 - EPS) * propagated + EPS * x

if __name__ == "__main__":
    import jax
    _d = setup_inputs()
    print(jax.jit(kernel)(*tuple(_d.values())))

</pallas_src>

<mosaic_0001>
#map = affine_map<(d0, d1) -> (0, 0, 0)>
#map1 = affine_map<(d0, d1) -> (0)>
module attributes {stable_mosaic.version = 14 : i64} {
  func.func @_sc_ex_body(%arg0: i32, %arg1: i32, %arg2: memref<32x80x128xi32, #tpu.memory_space<hbm>>, %arg3: memref<32x80x128xi32, #tpu.memory_space<hbm>>, %arg4: memref<10000xf32, #tpu.memory_space<hbm>>, %arg5: memref<10000xf32, #tpu.memory_space<hbm>>, %arg6: memref<32x80x128xf32, #tpu.memory_space<hbm>>, %arg7: memref<80x128xi32, #tpu.memory_space<vmem>>, %arg8: memref<80x128xi32, #tpu.memory_space<vmem>>, %arg9: memref<10000xf32, #tpu.memory_space<vmem>>, %arg10: memref<10000xf32, #tpu.memory_space<vmem>>, %arg11: memref<80x128xf32, #tpu.memory_space<vmem>>) attributes {dimension_semantics = [#tpu.dimension_semantics<core_parallel>, #tpu.dimension_semantics<subcore_parallel>], iteration_bounds = array<i64: 2, 16>, scalar_prefetch = 0 : i64, scratch_operands = 5 : i64, tpu.core_type = #tpu.core_type<sc_vector_subcore>, window_params = [{transform_indices = #map}, {transform_indices = #map}, {transform_indices = #map1}, {transform_indices = #map1}, {transform_indices = #map}]} {
    %mul3A = arith.constant 16 : i32
    %mul3A_0 = arith.muli %arg0, %mul3A : i32
    %add3A = arith.addi %mul3A_0, %arg1 : i32
    "tpu.region"() ({
      %run_scoped3A = tpu.sem_alloc : memref<!tpu.dma_semaphore, #tpu.memory_space<semaphore_mem>>
      %dma_start3A = arith.constant 0 : i32
      %dma_start3A_5 = arith.constant 0 : i32
      %dma_start3A_6 = tpu.memref_slice %arg2[%add3A, %dma_start3A, %dma_start3A_5] : memref<32x80x128xi32, #tpu.memory_space<hbm>> -> memref<1x80x128xi32, #tpu.memory_space<hbm>>
      %dma_start3A_7 = tpu.memref_squeeze %dma_start3A_6 : memref<1x80x128xi32, #tpu.memory_space<hbm>> -> memref<80x128xi32, #tpu.memory_space<hbm>>
      %dma_start3A_8 = arith.constant 0 : i32
      %dma_start3A_9 = arith.constant 0 : i32
      %dma_start3A_10 = tpu.memref_slice %arg2[%add3A, %dma_start3A_8, %dma_start3A_9] : memref<32x80x128xi32, #tpu.memory_space<hbm>> -> memref<1x80x128xi32, #tpu.memory_space<hbm>>
      %dma_start3A_11 = tpu.memref_squeeze %dma_start3A_10 : memref<1x80x128xi32, #tpu.memory_space<hbm>> -> memref<80x128xi32, #tpu.memory_space<hbm>>
      tpu.enqueue_dma source(%dma_start3A_11 : memref<80x128xi32, #tpu.memory_space<hbm>>) target(%arg7 : memref<80x128xi32, #tpu.memory_space<vmem>>) target_semaphore(%run_scoped3A : memref<!tpu.dma_semaphore, #tpu.memory_space<semaphore_mem>>)
      %dma_wait3A = arith.constant 0 : i32
      %dma_wait3A_12 = arith.constant 0 : i32
      %dma_wait3A_13 = tpu.memref_slice %arg2[%add3A, %dma_wait3A, %dma_wait3A_12] : memref<32x80x128xi32, #tpu.memory_space<hbm>> -> memref<1x80x128xi32, #tpu.memory_space<hbm>>
      %dma_wait3A_14 = tpu.memref_squeeze %dma_wait3A_13 : memref<1x80x128xi32, #tpu.memory_space<hbm>> -> memref<80x128xi32, #tpu.memory_space<hbm>>
      %dma_wait3A_15 = arith.constant 0 : i32
      %dma_wait3A_16 = arith.constant 0 : i32
      %dma_wait3A_17 = tpu.memref_slice %arg2[%add3A, %dma_wait3A_15, %dma_wait3A_16] : memref<32x80x128xi32, #tpu.memory_space<hbm>> -> memref<1x80x128xi32, #tpu.memory_space<hbm>>
      %dma_wait3A_18 = tpu.memref_squeeze %dma_wait3A_17 : memref<1x80x128xi32, #tpu.memory_space<hbm>> -> memref<80x128xi32, #tpu.memory_space<hbm>>
      tpu.wait_dma2 semaphore(%run_scoped3A : memref<!tpu.dma_semaphore, #tpu.memory_space<semaphore_mem>>) src(%dma_wait3A_18 : memref<80x128xi32, #tpu.memory_space<hbm>>) dst(%arg7 : memref<80x128xi32, #tpu.memory_space<vmem>>)
      tpu.yield
    }) : () -> ()
    "tpu.region"() ({
      %run_scoped3A = tpu.sem_alloc : memref<!tpu.dma_semaphore, #tpu.memory_space<semaphore_mem>>
      %dma_start3A = arith.constant 0 : i32
      %dma_start3A_5 = arith.constant 0 : i32
      %dma_start3A_6 = tpu.memref_slice %arg3[%add3A, %dma_start3A, %dma_start3A_5] : memref<32x80x128xi32, #tpu.memory_space<hbm>> -> memref<1x80x128xi32, #tpu.memory_space<hbm>>
      %dma_start3A_7 = tpu.memref_squeeze %dma_start3A_6 : memref<1x80x128xi32, #tpu.memory_space<hbm>> -> memref<80x128xi32, #tpu.memory_space<hbm>>
      %dma_start3A_8 = arith.constant 0 : i32
      %dma_start3A_9 = arith.constant 0 : i32
      %dma_start3A_10 = tpu.memref_slice %arg3[%add3A, %dma_start3A_8, %dma_start3A_9] : memref<32x80x128xi32, #tpu.memory_space<hbm>> -> memref<1x80x128xi32, #tpu.memory_space<hbm>>
      %dma_start3A_11 = tpu.memref_squeeze %dma_start3A_10 : memref<1x80x128xi32, #tpu.memory_space<hbm>> -> memref<80x128xi32, #tpu.memory_space<hbm>>
      tpu.enqueue_dma source(%dma_start3A_11 : memref<80x128xi32, #tpu.memory_space<hbm>>) target(%arg8 : memref<80x128xi32, #tpu.memory_space<vmem>>) target_semaphore(%run_scoped3A : memref<!tpu.dma_semaphore, #tpu.memory_space<semaphore_mem>>)
      %dma_wait3A = arith.constant 0 : i32
      %dma_wait3A_12 = arith.constant 0 : i32
      %dma_wait3A_13 = tpu.memref_slice %arg3[%add3A, %dma_wait3A, %dma_wait3A_12] : memref<32x80x128xi32, #tpu.memory_space<hbm>> -> memref<1x80x128xi32, #tpu.memory_space<hbm>>
      %dma_wait3A_14 = tpu.memref_squeeze %dma_wait3A_13 : memref<1x80x128xi32, #tpu.memory_space<hbm>> -> memref<80x128xi32, #tpu.memory_space<hbm>>
      %dma_wait3A_15 = arith.constant 0 : i32
      %dma_wait3A_16 = arith.constant 0 : i32
      %dma_wait3A_17 = tpu.memref_slice %arg3[%add3A, %dma_wait3A_15, %dma_wait3A_16] : memref<32x80x128xi32, #tpu.memory_space<hbm>> -> memref<1x80x128xi32, #tpu.memory_space<hbm>>
      %dma_wait3A_18 = tpu.memref_squeeze %dma_wait3A_17 : memref<1x80x128xi32, #tpu.memory_space<hbm>> -> memref<80x128xi32, #tpu.memory_space<hbm>>
      tpu.wait_dma2 semaphore(%run_scoped3A : memref<!tpu.dma_semaphore, #tpu.memory_space<semaphore_mem>>) src(%dma_wait3A_18 : memref<80x128xi32, #tpu.memory_space<hbm>>) dst(%arg8 : memref<80x128xi32, #tpu.memory_space<vmem>>)
      tpu.yield
    }) : () -> ()
    "tpu.region"() ({
      %run_scoped3A = tpu.sem_alloc : memref<!tpu.dma_semaphore, #tpu.memory_space<semaphore_mem>>
      tpu.enqueue_dma source(%arg4 : memref<10000xf32, #tpu.memory_space<hbm>>) target(%arg9 : memref<10000xf32, #tpu.memory_space<vmem>>) target_semaphore(%run_scoped3A : memref<!tpu.dma_semaphore, #tpu.memory_space<semaphore_mem>>)
      tpu.wait_dma2 semaphore(%run_scoped3A : memref<!tpu.dma_semaphore, #tpu.memory_space<semaphore_mem>>) src(%arg4 : memref<10000xf32, #tpu.memory_space<hbm>>) dst(%arg9 : memref<10000xf32, #tpu.memory_space<vmem>>)
      tpu.yield
    }) : () -> ()
    "tpu.region"() ({
      %run_scoped3A = tpu.sem_alloc : memref<!tpu.dma_semaphore, #tpu.memory_space<semaphore_mem>>
      tpu.enqueue_dma source(%arg5 : memref<10000xf32, #tpu.memory_space<hbm>>) target(%arg10 : memref<10000xf32, #tpu.memory_space<vmem>>) target_semaphore(%run_scoped3A : memref<!tpu.dma_semaphore, #tpu.memory_space<semaphore_mem>>)
      tpu.wait_dma2 semaphore(%run_scoped3A : memref<!tpu.dma_semaphore, #tpu.memory_space<semaphore_mem>>) src(%arg5 : memref<10000xf32, #tpu.memory_space<hbm>>) dst(%arg10 : memref<10000xf32, #tpu.memory_space<vmem>>)
      tpu.yield
    }) : () -> ()
    %scan3A = arith.constant 0 : i32
    %scan3A_1 = arith.constant 80 : i32
    %scan3A_2 = arith.addi %scan3A, %scan3A_1 : i32
    %scan3A_3 = arith.constant 1 : i32
    scf.for %scan3A_5 = %scan3A to %scan3A_2 step %scan3A_3  : i32 {
      %get3A = arith.index_cast %scan3A_5 : i32 to index
      %get3A_6 = arith.constant 0 : index
      %get3A_7 = tpu.vector_load %arg7[%get3A, %get3A_6] {strides = array<i32>} : memref<80x128xi32, #tpu.memory_space<vmem>>, vector<16xi32>,
      %get3A_8 = arith.index_cast %scan3A_5 : i32 to index
      %get3A_9 = arith.constant 0 : index
      %get3A_10 = tpu.vector_load %arg8[%get3A_8, %get3A_9] {strides = array<i32>} : memref<80x128xi32, #tpu.memory_space<vmem>>, vector<16xi32>,
      %gather3A = tpu.vector_load_idx %arg9[%get3A_7] : memref<10000xf32, #tpu.memory_space<vmem>>[vector<16xi32>], vector<16xf32>,
      %gather3A_11 = tpu.vector_load_idx %arg10[%get3A_10] : memref<10000xf32, #tpu.memory_space<vmem>>[vector<16xi32>], vector<16xf32>,
      %add3A_12 = arith.addf %gather3A, %gather3A_11 : vector<16xf32>
      %mul3A_13 = arith.constant 2.000000e+00 : f32
      %mul3A_14 = vector.broadcast %mul3A_13 : f32 to vector<16xf32>
      %mul3A_15 = arith.mulf %mul3A_14, %add3A_12 : vector<16xf32>
      %exp3A = math.exp %mul3A_15 : vector<16xf32>
      %add3A_16 = arith.constant 1.000000e+00 : f32
      %add3A_17 = vector.broadcast %add3A_16 : f32 to vector<16xf32>
      %add3A_18 = arith.addf %add3A_17, %exp3A : vector<16xf32>
      %div3A = arith.constant 2.000000e+00 : f32
      %div3A_19 = vector.broadcast %div3A : f32 to vector<16xf32>
      %div3A_20 = arith.divf %div3A_19, %add3A_18 : vector<16xf32>
      %sub3A = arith.constant 1.000000e+00 : f32
      %sub3A_21 = vector.broadcast %sub3A : f32 to vector<16xf32>
      %sub3A_22 = arith.subf %sub3A_21, %div3A_20 : vector<16xf32>
      %exp3A_23 = math.exp %sub3A_22 : vector<16xf32>
      %mul3A_24 = arith.constant 8 : i32
      %mul3A_25 = arith.muli %scan3A_5, %mul3A_24 : i32
      %add3A_26 = arith.constant 0 : i32
      %add3A_27 = arith.addi %mul3A_25, %add3A_26 : i32
      %broadcast_in_dim3A = vector.broadcast %add3A_27 : i32 to vector<16xi32>
      %lt3A = arith.constant 625 : i32
      %lt3A_28 = vector.broadcast %lt3A : i32 to vector<16xi32>
      %lt3A_29 = arith.cmpi slt, %broadcast_in_dim3A, %lt3A_28 : vector<16xi32>
      %jit3A = arith.constant 0.000000e+00 : f32
      %broadcast_in_dim3A_30 = vector.broadcast %jit3A : f32 to vector<16xf32>
      %select_n3A = arith.select %lt3A_29, %exp3A_23, %broadcast_in_dim3A_30 : vector<16xi1>, vector<16xf32>
      %swap3A = arith.index_cast %scan3A_5 : i32 to index
      %swap3A_31 = arith.constant 0 : index
      %swap3A_32 = tpu.vector_load %arg11[%swap3A, %swap3A_31] {strides = array<i32>} : memref<80x128xf32, #tpu.memory_space<vmem>>, vector<16xf32>,
      tpu.vector_store %arg11[%swap3A, %swap3A_31], %select_n3A {strides = array<i32>} : memref<80x128xf32, #tpu.memory_space<vmem>>, vector<16xf32>,
      %get3A_33 = arith.index_cast %scan3A_5 : i32 to index
      %get3A_34 = arith.constant 16 : index
      %get3A_35 = tpu.vector_load %arg7[%get3A_33, %get3A_34] {strides = array<i32>} : memref<80x128xi32, #tpu.memory_space<vmem>>, vector<16xi32>,
      %get3A_36 = arith.index_cast %scan3A_5 : i32 to index
      %get3A_37 = arith.constant 16 : index
      %get3A_38 = tpu.vector_load %arg8[%get3A_36, %get3A_37] {strides = array<i32>} : memref<80x128xi32, #tpu.memory_space<vmem>>, vector<16xi32>,
      %gather3A_39 = tpu.vector_load_idx %arg9[%get3A_35] : memref<10000xf32, #tpu.memory_space<vmem>>[vector<16xi32>], vector<16xf32>,
      %gather3A_40 = tpu.vector_load_idx %arg10[%get3A_38] : memref<10000xf32, #tpu.memory_space<vmem>>[vector<16xi32>], vector<16xf32>,
      %add3A_41 = arith.addf %gather3A_39, %gather3A_40 : vector<16xf32>
      %mul3A_42 = arith.constant 2.000000e+00 : f32
      %mul3A_43 = vector.broadcast %mul3A_42 : f32 to vector<16xf32>
      %mul3A_44 = arith.mulf %mul3A_43, %add3A_41 : vector<16xf32>
      %exp3A_45 = math.exp %mul3A_44 : vector<16xf32>
      %add3A_46 = arith.constant 1.000000e+00 : f32
      %add3A_47 = vector.broadcast %add3A_46 : f32 to vector<16xf32>
      %add3A_48 = arith.addf %add3A_47, %exp3A_45 : vector<16xf32>
      %div3A_49 = arith.constant 2.000000e+00 : f32
      %div3A_50 = vector.broadcast %div3A_49 : f32 to vector<16xf32>
      %div3A_51 = arith.divf %div3A_50, %add3A_48 : vector<16xf32>
      %sub3A_52 = arith.constant 1.000000e+00 : f32
      %sub3A_53 = vector.broadcast %sub3A_52 : f32 to vector<16xf32>
      %sub3A_54 = arith.subf %sub3A_53, %div3A_51 : vector<16xf32>
      %exp3A_55 = math.exp %sub3A_54 : vector<16xf32>
      %mul3A_56 = arith.constant 8 : i32
      %mul3A_57 = arith.muli %scan3A_5, %mul3A_56 : i32
      %add3A_58 = arith.constant 1 : i32
      %add3A_59 = arith.addi %mul3A_57, %add3A_58 : i32
      %broadcast_in_dim3A_60 = vector.broadcast %add3A_59 : i32 to vector<16xi32>
      %lt3A_61 = arith.constant 625 : i32
      %lt3A_62 = vector.broadcast %lt3A_61 : i32 to vector<16xi32>
      %lt3A_63 = arith.cmpi slt, %broadcast_in_dim3A_60, %lt3A_62 : vector<16xi32>
      %jit3A_64 = arith.constant 0.000000e+00 : f32
      %broadcast_in_dim3A_65 = vector.broadcast %jit3A_64 : f32 to vector<16xf32>
      %select_n3A_66 = arith.select %lt3A_63, %exp3A_55, %broadcast_in_dim3A_65 : vector<16xi1>, vector<16xf32>
      %swap3A_67 = arith.index_cast %scan3A_5 : i32 to index
      %swap3A_68 = arith.constant 16 : index
      %swap3A_69 = tpu.vector_load %arg11[%swap3A_67, %swap3A_68] {strides = array<i32>} : memref<80x128xf32, #tpu.memory_space<vmem>>, vector<16xf32>,
      tpu.vector_store %arg11[%swap3A_67, %swap3A_68], %select_n3A_66 {strides = array<i32>} : memref<80x128xf32, #tpu.memory_space<vmem>>, vector<16xf32>,
      %get3A_70 = arith.index_cast %scan3A_5 : i32 to index
      %get3A_71 = arith.constant 32 : index
      %get3A_72 = tpu.vector_load %arg7[%get3A_70, %get3A_71] {strides = array<i32>} : memref<80x128xi32, #tpu.memory_space<vmem>>, vector<16xi32>,
      %get3A_73 = arith.index_cast %scan3A_5 : i32 to index
      %get3A_74 = arith.constant 32 : index
      %get3A_75 = tpu.vector_load %arg8[%get3A_73, %get3A_74] {strides = array<i32>} : memref<80x128xi32, #tpu.memory_space<vmem>>, vector<16xi32>,
      %gather3A_76 = tpu.vector_load_idx %arg9[%get3A_72] : memref<10000xf32, #tpu.memory_space<vmem>>[vector<16xi32>], vector<16xf32>,
      %gather3A_77 = tpu.vector_load_idx %arg10[%get3A_75] : memref<10000xf32, #tpu.memory_space<vmem>>[vector<16xi32>], vector<16xf32>,
      %add3A_78 = arith.addf %gather3A_76, %gather3A_77 : vector<16xf32>
      %mul3A_79 = arith.constant 2.000000e+00 : f32
      %mul3A_80 = vector.broadcast %mul3A_79 : f32 to vector<16xf32>
      %mul3A_81 = arith.mulf %mul3A_80, %add3A_78 : vector<16xf32>
      %exp3A_82 = math.exp %mul3A_81 : vector<16xf32>
      %add3A_83 = arith.constant 1.000000e+00 : f32
      %add3A_84 = vector.broadcast %add3A_83 : f32 to vector<16xf32>
      %add3A_85 = arith.addf %add3A_84, %exp3A_82 : vector<16xf32>
      %div3A_86 = arith.constant 2.000000e+00 : f32
      %div3A_87 = vector.broadcast %div3A_86 : f32 to vector<16xf32>
      %div3A_88 = arith.divf %div3A_87, %add3A_85 : vector<16xf32>
      %sub3A_89 = arith.constant 1.000000e+00 : f32
      %sub3A_90 = vector.broadcast %sub3A_89 : f32 to vector<16xf32>
      %sub3A_91 = arith.subf %sub3A_90, %div3A_88 : vector<16xf32>
      %exp3A_92 = math.exp %sub3A_91 : vector<16xf32>
      %mul3A_93 = arith.constant 8 : i32
      %mul3A_94 = arith.muli %scan3A_5, %mul3A_93 : i32
      %add3A_95 = arith.constant 2 : i32
      %add3A_96 = arith.addi %mul3A_94, %add3A_95 : i32
      %broadcast_in_dim3A_97 = vector.broadcast %add3A_96 : i32 to vector<16xi32>
      %lt3A_98 = arith.constant 625 : i32
      %lt3A_99 = vector.broadcast %lt3A_98 : i32 to vector<16xi32>
      %lt3A_100 = arith.cmpi slt, %broadcast_in_dim3A_97, %lt3A_99 : vector<16xi32>
      %jit3A_101 = arith.constant 0.000000e+00 : f32
      %broadcast_in_dim3A_102 = vector.broadcast %jit3A_101 : f32 to vector<16xf32>
      %select_n3A_103 = arith.select %lt3A_100, %exp3A_92, %broadcast_in_dim3A_102 : vector<16xi1>, vector<16xf32>
      %swap3A_104 = arith.index_cast %scan3A_5 : i32 to index
      %swap3A_105 = arith.constant 32 : index
      %swap3A_106 = tpu.vector_load %arg11[%swap3A_104, %swap3A_105] {strides = array<i32>} : memref<80x128xf32, #tpu.memory_space<vmem>>, vector<16xf32>,
      tpu.vector_store %arg11[%swap3A_104, %swap3A_105], %select_n3A_103 {strides = array<i32>} : memref<80x128xf32, #tpu.memory_space<vmem>>, vector<16xf32>,
      %get3A_107 = arith.index_cast %scan3A_5 : i32 to index
      %get3A_108 = arith.constant 48 : index
      %get3A_109 = tpu.vector_load %arg7[%get3A_107, %get3A_108] {strides = array<i32>} : memref<80x128xi32, #tpu.memory_space<vmem>>, vector<16xi32>,
      %get3A_110 = arith.index_cast %scan3A_5 : i32 to index
      %get3A_111 = arith.constant 48 : index
      %get3A_112 = tpu.vector_load %arg8[%get3A_110, %get3A_111] {strides = array<i32>} : memref<80x128xi32, #tpu.memory_space<vmem>>, vector<16xi32>,
      %gather3A_113 = tpu.vector_load_idx %arg9[%get3A_109] : memref<10000xf32, #tpu.memory_space<vmem>>[vector<16xi32>], vector<16xf32>,
      %gather3A_114 = tpu.vector_load_idx %arg10[%get3A_112] : memref<10000xf32, #tpu.memory_space<vmem>>[vector<16xi32>], vector<16xf32>,
      %add3A_115 = arith.addf %gather3A_113, %gather3A_114 : vector<16xf32>
      %mul3A_116 = arith.constant 2.000000e+00 : f32
      %mul3A_117 = vector.broadcast %mul3A_116 : f32 to vector<16xf32>
      %mul3A_118 = arith.mulf %mul3A_117, %add3A_115 : vector<16xf32>
      %exp3A_119 = math.exp %mul3A_118 : vector<16xf32>
      %add3A_120 = arith.constant 1.000000e+00 : f32
      %add3A_121 = vector.broadcast %add3A_120 : f32 to vector<16xf32>
      %add3A_122 = arith.addf %add3A_121, %exp3A_119 : vector<16xf32>
      %div3A_123 = arith.constant 2.000000e+00 : f32
      %div3A_124 = vector.broadcast %div3A_123 : f32 to vector<16xf32>
      %div3A_125 = arith.divf %div3A_124, %add3A_122 : vector<16xf32>
      %sub3A_126 = arith.constant 1.000000e+00 : f32
      %sub3A_127 = vector.broadcast %sub3A_126 : f32 to vector<16xf32>
      %sub3A_128 = arith.subf %sub3A_127, %div3A_125 : vector<16xf32>
      %exp3A_129 = math.exp %sub3A_128 : vector<16xf32>
      %mul3A_130 = arith.constant 8 : i32
      %mul3A_131 = arith.muli %scan3A_5, %mul3A_130 : i32
      %add3A_132 = arith.constant 3 : i32
      %add3A_133 = arith.addi %mul3A_131, %add3A_132 : i32
      %broadcast_in_dim3A_134 = vector.broadcast %add3A_133 : i32 to vector<16xi32>
      %lt3A_135 = arith.constant 625 : i32
      %lt3A_136 = vector.broadcast %lt3A_135 : i32 to vector<16xi32>
      %lt3A_137 = arith.cmpi slt, %broadcast_in_dim3A_134, %lt3A_136 : vector<16xi32>
      %jit3A_138 = arith.constant 0.000000e+00 : f32
      %broadcast_in_dim3A_139 = vector.broadcast %jit3A_138 : f32 to vector<16xf32>
      %select_n3A_140 = arith.select %lt3A_137, %exp3A_129, %broadcast_in_dim3A_139 : vector<16xi1>, vector<16xf32>
      %swap3A_141 = arith.index_cast %scan3A_5 : i32 to index
      %swap3A_142 = arith.constant 48 : index
      %swap3A_143 = tpu.vector_load %arg11[%swap3A_141, %swap3A_142] {strides = array<i32>} : memref<80x128xf32, #tpu.memory_space<vmem>>, vector<16xf32>,
      tpu.vector_store %arg11[%swap3A_141, %swap3A_142], %select_n3A_140 {strides = array<i32>} : memref<80x128xf32, #tpu.memory_space<vmem>>, vector<16xf32>,
      %get3A_144 = arith.index_cast %scan3A_5 : i32 to index
      %get3A_145 = arith.constant 64 : index
      %get3A_146 = tpu.vector_load %arg7[%get3A_144, %get3A_145] {strides = array<i32>} : memref<80x128xi32, #tpu.memory_space<vmem>>, vector<16xi32>,
      %get3A_147 = arith.index_cast %scan3A_5 : i32 to index
      %get3A_148 = arith.constant 64 : index
      %get3A_149 = tpu.vector_load %arg8[%get3A_147, %get3A_148] {strides = array<i32>} : memref<80x128xi32, #tpu.memory_space<vmem>>, vector<16xi32>,
      %gather3A_150 = tpu.vector_load_idx %arg9[%get3A_146] : memref<10000xf32, #tpu.memory_space<vmem>>[vector<16xi32>], vector<16xf32>,
      %gather3A_151 = tpu.vector_load_idx %arg10[%get3A_149] : memref<10000xf32, #tpu.memory_space<vmem>>[vector<16xi32>], vector<16xf32>,
      %add3A_152 = arith.addf %gather3A_150, %gather3A_151 : vector<16xf32>
      %mul3A_153 = arith.constant 2.000000e+00 : f32
      %mul3A_154 = vector.broadcast %mul3A_153 : f32 to vector<16xf32>
      %mul3A_155 = arith.mulf %mul3A_154, %add3A_152 : vector<16xf32>
      %exp3A_156 = math.exp %mul3A_155 : vector<16xf32>
      %add3A_157 = arith.constant 1.000000e+00 : f32
      %add3A_158 = vector.broadcast %add3A_157 : f32 to vector<16xf32>
      %add3A_159 = arith.addf %add3A_158, %exp3A_156 : vector<16xf32>
      %div3A_160 = arith.constant 2.000000e+00 : f32
      %div3A_161 = vector.broadcast %div3A_160 : f32 to vector<16xf32>
      %div3A_162 = arith.divf %div3A_161, %add3A_159 : vector<16xf32>
      %sub3A_163 = arith.constant 1.000000e+00 : f32
      %sub3A_164 = vector.broadcast %sub3A_163 : f32 to vector<16xf32>
      %sub3A_165 = arith.subf %sub3A_164, %div3A_162 : vector<16xf32>
      %exp3A_166 = math.exp %sub3A_165 : vector<16xf32>
      %mul3A_167 = arith.constant 8 : i32
      %mul3A_168 = arith.muli %scan3A_5, %mul3A_167 : i32
      %add3A_169 = arith.constant 4 : i32
      %add3A_170 = arith.addi %mul3A_168, %add3A_169 : i32
      %broadcast_in_dim3A_171 = vector.broadcast %add3A_170 : i32 to vector<16xi32>
      %lt3A_172 = arith.constant 625 : i32
      %lt3A_173 = vector.broadcast %lt3A_172 : i32 to vector<16xi32>
      %lt3A_174 = arith.cmpi slt, %broadcast_in_dim3A_171, %lt3A_173 : vector<16xi32>
      %jit3A_175 = arith.constant 0.000000e+00 : f32
      %broadcast_in_dim3A_176 = vector.broadcast %jit3A_175 : f32 to vector<16xf32>
      %select_n3A_177 = arith.select %lt3A_174, %exp3A_166, %broadcast_in_dim3A_176 : vector<16xi1>, vector<16xf32>
      %swap3A_178 = arith.index_cast %scan3A_5 : i32 to index
      %swap3A_179 = arith.constant 64 : index
      %swap3A_180 = tpu.vector_load %arg11[%swap3A_178, %swap3A_179] {strides = array<i32>} : memref<80x128xf32, #tpu.memory_space<vmem>>, vector<16xf32>,
      tpu.vector_store %arg11[%swap3A_178, %swap3A_179], %select_n3A_177 {strides = array<i32>} : memref<80x128xf32, #tpu.memory_space<vmem>>, vector<16xf32>,
      %get3A_181 = arith.index_cast %scan3A_5 : i32 to index
      %get3A_182 = arith.constant 80 : index
      %get3A_183 = tpu.vector_load %arg7[%get3A_181, %get3A_182] {strides = array<i32>} : memref<80x128xi32, #tpu.memory_space<vmem>>, vector<16xi32>,
      %get3A_184 = arith.index_cast %scan3A_5 : i32 to index
      %get3A_185 = arith.constant 80 : index
      %get3A_186 = tpu.vector_load %arg8[%get3A_184, %get3A_185] {strides = array<i32>} : memref<80x128xi32, #tpu.memory_space<vmem>>, vector<16xi32>,
      %gather3A_187 = tpu.vector_load_idx %arg9[%get3A_183] : memref<10000xf32, #tpu.memory_space<vmem>>[vector<16xi32>], vector<16xf32>,
      %gather3A_188 = tpu.vector_load_idx %arg10[%get3A_186] : memref<10000xf32, #tpu.memory_space<vmem>>[vector<16xi32>], vector<16xf32>,
      %add3A_189 = arith.addf %gather3A_187, %gather3A_188 : vector<16xf32>
      %mul3A_190 = arith.constant 2.000000e+00 : f32
      %mul3A_191 = vector.broadcast %mul3A_190 : f32 to vector<16xf32>
      %mul3A_192 = arith.mulf %mul3A_191, %add3A_189 : vector<16xf32>
      %exp3A_193 = math.exp %mul3A_192 : vector<16xf32>
      %add3A_194 = arith.constant 1.000000e+00 : f32
      %add3A_195 = vector.broadcast %add3A_194 : f32 to vector<16xf32>
      %add3A_196 = arith.addf %add3A_195, %exp3A_193 : vector<16xf32>
      %div3A_197 = arith.constant 2.000000e+00 : f32
      %div3A_198 = vector.broadcast %div3A_197 : f32 to vector<16xf32>
      %div3A_199 = arith.divf %div3A_198, %add3A_196 : vector<16xf32>
      %sub3A_200 = arith.constant 1.000000e+00 : f32
      %sub3A_201 = vector.broadcast %sub3A_200 : f32 to vector<16xf32>
      %sub3A_202 = arith.subf %sub3A_201, %div3A_199 : vector<16xf32>
      %exp3A_203 = math.exp %sub3A_202 : vector<16xf32>
      %mul3A_204 = arith.constant 8 : i32
      %mul3A_205 = arith.muli %scan3A_5, %mul3A_204 : i32
      %add3A_206 = arith.constant 5 : i32
      %add3A_207 = arith.addi %mul3A_205, %add3A_206 : i32
      %broadcast_in_dim3A_208 = vector.broadcast %add3A_207 : i32 to vector<16xi32>
      %lt3A_209 = arith.constant 625 : i32
      %lt3A_210 = vector.broadcast %lt3A_209 : i32 to vector<16xi32>
      %lt3A_211 = arith.cmpi slt, %broadcast_in_dim3A_208, %lt3A_210 : vector<16xi32>
      %jit3A_212 = arith.constant 0.000000e+00 : f32
      %broadcast_in_dim3A_213 = vector.broadcast %jit3A_212 : f32 to vector<16xf32>
      %select_n3A_214 = arith.select %lt3A_211, %exp3A_203, %broadcast_in_dim3A_213 : vector<16xi1>, vector<16xf32>
      %swap3A_215 = arith.index_cast %scan3A_5 : i32 to index
      %swap3A_216 = arith.constant 80 : index
      %swap3A_217 = tpu.vector_load %arg11[%swap3A_215, %swap3A_216] {strides = array<i32>} : memref<80x128xf32, #tpu.memory_space<vmem>>, vector<16xf32>,
      tpu.vector_store %arg11[%swap3A_215, %swap3A_216], %select_n3A_214 {strides = array<i32>} : memref<80x128xf32, #tpu.memory_space<vmem>>, vector<16xf32>,
      %get3A_218 = arith.index_cast %scan3A_5 : i32 to index
      %get3A_219 = arith.constant 96 : index
      %get3A_220 = tpu.vector_load %arg7[%get3A_218, %get3A_219] {strides = array<i32>} : memref<80x128xi32, #tpu.memory_space<vmem>>, vector<16xi32>,
      %get3A_221 = arith.index_cast %scan3A_5 : i32 to index
      %get3A_222 = arith.constant 96 : index
      %get3A_223 = tpu.vector_load %arg8[%get3A_221, %get3A_222] {strides = array<i32>} : memref<80x128xi32, #tpu.memory_space<vmem>>, vector<16xi32>,
      %gather3A_224 = tpu.vector_load_idx %arg9[%get3A_220] : memref<10000xf32, #tpu.memory_space<vmem>>[vector<16xi32>], vector<16xf32>,
      %gather3A_225 = tpu.vector_load_idx %arg10[%get3A_223] : memref<10000xf32, #tpu.memory_space<vmem>>[vector<16xi32>], vector<16xf32>,
      %add3A_226 = arith.addf %gather3A_224, %gather3A_225 : vector<16xf32>
      %mul3A_227 = arith.constant 2.000000e+00 : f32
      %mul3A_228 = vector.broadcast %mul3A_227 : f32 to vector<16xf32>
      %mul3A_229 = arith.mulf %mul3A_228, %add3A_226 : vector<16xf32>
      %exp3A_230 = math.exp %mul3A_229 : vector<16xf32>
      %add3A_231 = arith.constant 1.000000e+00 : f32
      %add3A_232 = vector.broadcast %add3A_231 : f32 to vector<16xf32>
      %add3A_233 = arith.addf %add3A_232, %exp3A_230 : vector<16xf32>
      %div3A_234 = arith.constant 2.000000e+00 : f32
      %div3A_235 = vector.broadcast %div3A_234 : f32 to vector<16xf32>
      %div3A_236 = arith.divf %div3A_235, %add3A_233 : vector<16xf32>
      %sub3A_237 = arith.constant 1.000000e+00 : f32
      %sub3A_238 = vector.broadcast %sub3A_237 : f32 to vector<16xf32>
      %sub3A_239 = arith.subf %sub3A_238, %div3A_236 : vector<16xf32>
      %exp3A_240 = math.exp %sub3A_239 : vector<16xf32>
      %mul3A_241 = arith.constant 8 : i32
      %mul3A_242 = arith.muli %scan3A_5, %mul3A_241 : i32
      %add3A_243 = arith.constant 6 : i32
      %add3A_244 = arith.addi %mul3A_242, %add3A_243 : i32
      %broadcast_in_dim3A_245 = vector.broadcast %add3A_244 : i32 to vector<16xi32>
      %lt3A_246 = arith.constant 625 : i32
      %lt3A_247 = vector.broadcast %lt3A_246 : i32 to vector<16xi32>
      %lt3A_248 = arith.cmpi slt, %broadcast_in_dim3A_245, %lt3A_247 : vector<16xi32>
      %jit3A_249 = arith.constant 0.000000e+00 : f32
      %broadcast_in_dim3A_250 = vector.broadcast %jit3A_249 : f32 to vector<16xf32>
      %select_n3A_251 = arith.select %lt3A_248, %exp3A_240, %broadcast_in_dim3A_250 : vector<16xi1>, vector<16xf32>
      %swap3A_252 = arith.index_cast %scan3A_5 : i32 to index
      %swap3A_253 = arith.constant 96 : index
      %swap3A_254 = tpu.vector_load %arg11[%swap3A_252, %swap3A_253] {strides = array<i32>} : memref<80x128xf32, #tpu.memory_space<vmem>>, vector<16xf32>,
      tpu.vector_store %arg11[%swap3A_252, %swap3A_253], %select_n3A_251 {strides = array<i32>} : memref<80x128xf32, #tpu.memory_space<vmem>>, vector<16xf32>,
      %get3A_255 = arith.index_cast %scan3A_5 : i32 to index
      %get3A_256 = arith.constant 112 : index
      %get3A_257 = tpu.vector_load %arg7[%get3A_255, %get3A_256] {strides = array<i32>} : memref<80x128xi32, #tpu.memory_space<vmem>>, vector<16xi32>,
      %get3A_258 = arith.index_cast %scan3A_5 : i32 to index
      %get3A_259 = arith.constant 112 : index
      %get3A_260 = tpu.vector_load %arg8[%get3A_258, %get3A_259] {strides = array<i32>} : memref<80x128xi32, #tpu.memory_space<vmem>>, vector<16xi32>,
      %gather3A_261 = tpu.vector_load_idx %arg9[%get3A_257] : memref<10000xf32, #tpu.memory_space<vmem>>[vector<16xi32>], vector<16xf32>,
      %gather3A_262 = tpu.vector_load_idx %arg10[%get3A_260] : memref<10000xf32, #tpu.memory_space<vmem>>[vector<16xi32>], vector<16xf32>,
      %add3A_263 = arith.addf %gather3A_261, %gather3A_262 : vector<16xf32>
      %mul3A_264 = arith.constant 2.000000e+00 : f32
      %mul3A_265 = vector.broadcast %mul3A_264 : f32 to vector<16xf32>
      %mul3A_266 = arith.mulf %mul3A_265, %add3A_263 : vector<16xf32>
      %exp3A_267 = math.exp %mul3A_266 : vector<16xf32>
      %add3A_268 = arith.constant 1.000000e+00 : f32
      %add3A_269 = vector.broadcast %add3A_268 : f32 to vector<16xf32>
      %add3A_270 = arith.addf %add3A_269, %exp3A_267 : vector<16xf32>
      %div3A_271 = arith.constant 2.000000e+00 : f32
      %div3A_272 = vector.broadcast %div3A_271 : f32 to vector<16xf32>
      %div3A_273 = arith.divf %div3A_272, %add3A_270 : vector<16xf32>
      %sub3A_274 = arith.constant 1.000000e+00 : f32
      %sub3A_275 = vector.broadcast %sub3A_274 : f32 to vector<16xf32>
      %sub3A_276 = arith.subf %sub3A_275, %div3A_273 : vector<16xf32>
      %exp3A_277 = math.exp %sub3A_276 : vector<16xf32>
      %mul3A_278 = arith.constant 8 : i32
      %mul3A_279 = arith.muli %scan3A_5, %mul3A_278 : i32
      %add3A_280 = arith.constant 7 : i32
      %add3A_281 = arith.addi %mul3A_279, %add3A_280 : i32
      %broadcast_in_dim3A_282 = vector.broadcast %add3A_281 : i32 to vector<16xi32>
      %lt3A_283 = arith.constant 625 : i32
      %lt3A_284 = vector.broadcast %lt3A_283 : i32 to vector<16xi32>
      %lt3A_285 = arith.cmpi slt, %broadcast_in_dim3A_282, %lt3A_284 : vector<16xi32>
      %jit3A_286 = arith.constant 0.000000e+00 : f32
      %broadcast_in_dim3A_287 = vector.broadcast %jit3A_286 : f32 to vector<16xf32>
      %select_n3A_288 = arith.select %lt3A_285, %exp3A_277, %broadcast_in_dim3A_287 : vector<16xi1>, vector<16xf32>
      %swap3A_289 = arith.index_cast %scan3A_5 : i32 to index
      %swap3A_290 = arith.constant 112 : index
      %swap3A_291 = tpu.vector_load %arg11[%swap3A_289, %swap3A_290] {strides = array<i32>} : memref<80x128xf32, #tpu.memory_space<vmem>>, vector<16xf32>,
      tpu.vector_store %arg11[%swap3A_289, %swap3A_290], %select_n3A_288 {strides = array<i32>} : memref<80x128xf32, #tpu.memory_space<vmem>>, vector<16xf32>,
    }
    %scan3A_4 = arith.constant 80 : i32
    "tpu.region"() ({
      %run_scoped3A = tpu.sem_alloc : memref<!tpu.dma_semaphore, #tpu.memory_space<semaphore_mem>>
      %dma_start3A = arith.constant 0 : i32
      %dma_start3A_5 = arith.constant 0 : i32
      %dma_start3A_6 = tpu.memref_slice %arg6[%add3A, %dma_start3A, %dma_start3A_5] : memref<32x80x128xf32, #tpu.memory_space<hbm>> -> memref<1x80x128xf32, #tpu.memory_space<hbm>>
      %dma_start3A_7 = tpu.memref_squeeze %dma_start3A_6 : memref<1x80x128xf32, #tpu.memory_space<hbm>> -> memref<80x128xf32, #tpu.memory_space<hbm>>
      %dma_start3A_8 = arith.constant 0 : i32
      %dma_start3A_9 = arith.constant 0 : i32
      %dma_start3A_10 = tpu.memref_slice %arg6[%add3A, %dma_start3A_8, %dma_start3A_9] : memref<32x80x128xf32, #tpu.memory_space<hbm>> -> memref<1x80x128xf32, #tpu.memory_space<hbm>>
      %dma_start3A_11 = tpu.memref_squeeze %dma_start3A_10 : memref<1x80x128xf32, #tpu.memory_space<hbm>> -> memref<80x128xf32, #tpu.memory_space<hbm>>
      tpu.enqueue_dma source(%arg11 : memref<80x128xf32, #tpu.memory_space<vmem>>) target(%dma_start3A_11 : memref<80x128xf32, #tpu.memory_space<hbm>>) target_semaphore(%run_scoped3A : memref<!tpu.dma_semaphore, #tpu.memory_space<semaphore_mem>>)
      %dma_wait3A = arith.constant 0 : i32
      %dma_wait3A_12 = arith.constant 0 : i32
      %dma_wait3A_13 = tpu.memref_slice %arg6[%add3A, %dma_wait3A, %dma_wait3A_12] : memref<32x80x128xf32, #tpu.memory_space<hbm>> -> memref<1x80x128xf32, #tpu.memory_space<hbm>>
      %dma_wait3A_14 = tpu.memref_squeeze %dma_wait3A_13 : memref<1x80x128xf32, #tpu.memory_space<hbm>> -> memref<80x128xf32, #tpu.memory_space<hbm>>
      %dma_wait3A_15 = arith.constant 0 : i32
      %dma_wait3A_16 = arith.constant 0 : i32
      %dma_wait3A_17 = tpu.memref_slice %arg6[%add3A, %dma_wait3A_15, %dma_wait3A_16] : memref<32x80x128xf32, #tpu.memory_space<hbm>> -> memref<1x80x128xf32, #tpu.memory_space<hbm>>
      %dma_wait3A_18 = tpu.memref_squeeze %dma_wait3A_17 : memref<1x80x128xf32, #tpu.memory_space<hbm>> -> memref<80x128xf32, #tpu.memory_space<hbm>>
      tpu.wait_dma2 semaphore(%run_scoped3A : memref<!tpu.dma_semaphore, #tpu.memory_space<semaphore_mem>>) src(%arg11 : memref<80x128xf32, #tpu.memory_space<vmem>>) dst(%dma_wait3A_18 : memref<80x128xf32, #tpu.memory_space<hbm>>)
      tpu.yield
    }) : () -> ()
    return
  }
}

#map = affine_map<(d0, d1) -> (0, 0, 0)>
#map1 = affine_map<(d0, d1) -> (0, 0)>
module attributes {stable_mosaic.version = 14 : i64} {
  func.func @_sc_heavy_body(%arg0: i32, %arg1: i32, %arg2: memref<16x160x128xi32, #tpu.memory_space<hbm>>, %arg3: memref<16x160x128xi32, #tpu.memory_space<hbm>>, %arg4: memref<16x160x128xf32, #tpu.memory_space<hbm>>, %arg5: memref<20000x64xf32, #tpu.memory_space<hbm>>, %arg6: memref<2x10000x64xf32, #tpu.memory_space<hbm>>, %arg7: memref<2x10000x16xf32, #tpu.memory_space<hbm>>, %arg8: memref<8x128xi32, #tpu.memory_space<vmem>>, %arg9: memref<8x128xi32, #tpu.memory_space<vmem>>, %arg10: memref<8x128xf32, #tpu.memory_space<vmem>>, %arg11: memref<8x128xi32, #tpu.memory_space<vmem>>, %arg12: memref<128x64xf32, #tpu.memory_space<vmem>>, %arg13: memref<128x64xf32, #tpu.memory_space<vmem>>, %arg14: memref<128x16xf32, #tpu.memory_space<vmem>>, %arg15: memref<8x64xf32, #tpu.memory_space<vmem>>, %arg16: memref<8x16xf32, #tpu.memory_space<vmem>>, %arg17: memref<10000x64xf32, #tpu.memory_space<vmem_shared>>, %arg18: memref<10000x16xf32, #tpu.memory_space<vmem_shared>>, %arg19: memref<!tpu.dma_semaphore, #tpu.memory_space<semaphore_mem>>, %arg20: memref<!tpu.dma_semaphore, #tpu.memory_space<semaphore_mem>>, %arg21: memref<!tpu.dma_semaphore, #tpu.memory_space<semaphore_mem>>, %arg22: memref<!tpu.dma_semaphore, #tpu.memory_space<semaphore_mem>>) attributes {dimension_semantics = [#tpu.dimension_semantics<core_parallel>, #tpu.dimension_semantics<subcore_parallel>], iteration_bounds = array<i64: 2, 16>, scalar_prefetch = 0 : i64, scratch_operands = 15 : i64, tpu.core_type = #tpu.core_type<sc_vector_subcore>, window_params = [{transform_indices = #map}, {transform_indices = #map}, {transform_indices = #map}, {transform_indices = #map1}, {transform_indices = #map}, {transform_indices = #map}]} {
    %broadcast_in_dim3A = arith.constant 0.000000e+00 : f32
    %broadcast_in_dim3A_0 = vector.broadcast %broadcast_in_dim3A : f32 to vector<16xf32>
    %scan3A = arith.constant 0 : i32
    %scan3A_1 = arith.constant 8 : i32
    %scan3A_2 = arith.addi %scan3A, %scan3A_1 : i32
    %scan3A_3 = arith.constant 1 : i32
    scf.for %scan3A_28 = %scan3A to %scan3A_2 step %scan3A_3  : i32 {
      %swap3A = arith.index_cast %scan3A_28 : i32 to index
      %swap3A_29 = arith.constant 0 : index
      %swap3A_30 = tpu.vector_load %arg15[%swap3A, %swap3A_29] {strides = array<i32>} : memref<8x64xf32, #tpu.memory_space<vmem>>, vector<16xf32>,
      tpu.vector_store %arg15[%swap3A, %swap3A_29], %broadcast_in_dim3A_0 {strides = array<i32>} : memref<8x64xf32, #tpu.memory_space<vmem>>, vector<16xf32>,
      %swap3A_31 = arith.index_cast %scan3A_28 : i32 to index
      %swap3A_32 = arith.constant 16 : index
      %swap3A_33 = tpu.vector_load %arg15[%swap3A_31, %swap3A_32] {strides = array<i32>} : memref<8x64xf32, #tpu.memory_space<vmem>>, vector<16xf32>,
      tpu.vector_store %arg15[%swap3A_31, %swap3A_32], %broadcast_in_dim3A_0 {strides = array<i32>} : memref<8x64xf32, #tpu.memory_space<vmem>>, vector<16xf32>,
      %swap3A_34 = arith.index_cast %scan3A_28 : i32 to index
      %swap3A_35 = arith.constant 32 : index
      %swap3A_36 = tpu.vector_load %arg15[%swap3A_34, %swap3A_35] {strides = array<i32>} : memref<8x64xf32, #tpu.memory_space<vmem>>, vector<16xf32>,
      tpu.vector_store %arg15[%swap3A_34, %swap3A_35], %broadcast_in_dim3A_0 {strides = array<i32>} : memref<8x64xf32, #tpu.memory_space<vmem>>, vector<16xf32>,
      %swap3A_37 = arith.index_cast %scan3A_28 : i32 to index
      %swap3A_38 = arith.constant 48 : index
      %swap3A_39 = tpu.vector_load %arg15[%swap3A_37, %swap3A_38] {strides = array<i32>} : memref<8x64xf32, #tpu.memory_space<vmem>>, vector<16xf32>,
      tpu.vector_store %arg15[%swap3A_37, %swap3A_38], %broadcast_in_dim3A_0 {strides = array<i32>} : memref<8x64xf32, #tpu.memory_space<vmem>>, vector<16xf32>,
      %swap3A_40 = arith.index_cast %scan3A_28 : i32 to index
      %swap3A_41 = arith.constant 0 : index
      %swap3A_42 = tpu.vector_load %arg16[%swap3A_40, %swap3A_41] {strides = array<i32>} : memref<8x16xf32, #tpu.memory_space<vmem>>, vector<16xf32>,
      tpu.vector_store %arg16[%swap3A_40, %swap3A_41], %broadcast_in_dim3A_0 {strides = array<i32>} : memref<8x16xf32, #tpu.memory_space<vmem>>, vector<16xf32>,
    }
    %scan3A_4 = arith.constant 8 : i32
    %scan3A_5 = arith.constant 0 : i32
    %scan3A_6 = arith.constant 78 : i32
    %scan3A_7 = arith.addi %scan3A_5, %scan3A_6 : i32
    %scan3A_8 = arith.constant 1 : i32
    scf.for %scan3A_28 = %scan3A_5 to %scan3A_7 step %scan3A_8  : i32 {
      %mul3A = arith.constant 624 : i32
      %mul3A_29 = arith.muli %arg1, %mul3A : i32
      %mul3A_30 = arith.constant 8 : i32
      %mul3A_31 = arith.muli %scan3A_28, %mul3A_30 : i32
      %add3A = arith.addi %mul3A_29, %mul3A_31 : i32
      %dma_start3A = arith.constant 0 : i32
      %dma_start3A_32 = tpu.memref_slice %arg17[%add3A, %dma_start3A] : memref<10000x64xf32, #tpu.memory_space<vmem_shared>> -> memref<8x64xf32, #tpu.memory_space<vmem_shared>>
      %dma_start3A_33 = arith.constant 0 : i32
      %dma_start3A_34 = tpu.memref_slice %arg17[%add3A, %dma_start3A_33] : memref<10000x64xf32, #tpu.memory_space<vmem_shared>> -> memref<8x64xf32, #tpu.memory_space<vmem_shared>>
      tpu.enqueue_dma source(%arg15 : memref<8x64xf32, #tpu.memory_space<vmem>>) target(%dma_start3A_34 : memref<8x64xf32, #tpu.memory_space<vmem_shared>>) target_semaphore(%arg19 : memref<!tpu.dma_semaphore, #tpu.memory_space<semaphore_mem>>)
      %dma_wait3A = arith.constant 0 : i32
      %dma_wait3A_35 = tpu.memref_slice %arg17[%add3A, %dma_wait3A] : memref<10000x64xf32, #tpu.memory_space<vmem_shared>> -> memref<8x64xf32, #tpu.memory_space<vmem_shared>>
      %dma_wait3A_36 = arith.constant 0 : i32
      %dma_wait3A_37 = tpu.memref_slice %arg17[%add3A, %dma_wait3A_36] : memref<10000x64xf32, #tpu.memory_space<vmem_shared>> -> memref<8x64xf32, #tpu.memory_space<vmem_shared>>
      tpu.wait_dma2 semaphore(%arg19 : memref<!tpu.dma_semaphore, #tpu.memory_space<semaphore_mem>>) src(%arg15 : memref<8x64xf32, #tpu.memory_space<vmem>>) dst(%dma_wait3A_37 : memref<8x64xf32, #tpu.memory_space<vmem_shared>>)
      %dma_start3A_38 = arith.constant 0 : i32
      %dma_start3A_39 = tpu.memref_slice %arg18[%add3A, %dma_start3A_38] : memref<10000x16xf32, #tpu.memory_space<vmem_shared>> -> memref<8x16xf32, #tpu.memory_space<vmem_shared>>
      %dma_start3A_40 = arith.constant 0 : i32
      %dma_start3A_41 = tpu.memref_slice %arg18[%add3A, %dma_start3A_40] : memref<10000x16xf32, #tpu.memory_space<vmem_shared>> -> memref<8x16xf32, #tpu.memory_space<vmem_shared>>
      tpu.enqueue_dma source(%arg16 : memref<8x16xf32, #tpu.memory_space<vmem>>) target(%dma_start3A_41 : memref<8x16xf32, #tpu.memory_space<vmem_shared>>) target_semaphore(%arg20 : memref<!tpu.dma_semaphore, #tpu.memory_space<semaphore_mem>>)
      %dma_wait3A_42 = arith.constant 0 : i32
      %dma_wait3A_43 = tpu.memref_slice %arg18[%add3A, %dma_wait3A_42] : memref<10000x16xf32, #tpu.memory_space<vmem_shared>> -> memref<8x16xf32, #tpu.memory_space<vmem_shared>>
      %dma_wait3A_44 = arith.constant 0 : i32
      %dma_wait3A_45 = tpu.memref_slice %arg18[%add3A, %dma_wait3A_44] : memref<10000x16xf32, #tpu.memory_space<vmem_shared>> -> memref<8x16xf32, #tpu.memory_space<vmem_shared>>
      tpu.wait_dma2 semaphore(%arg20 : memref<!tpu.dma_semaphore, #tpu.memory_space<semaphore_mem>>) src(%arg16 : memref<8x16xf32, #tpu.memory_space<vmem>>) dst(%dma_wait3A_45 : memref<8x16xf32, #tpu.memory_space<vmem_shared>>)
    }
    %scan3A_9 = arith.constant 78 : i32
    %eq3A = arith.constant 15 : i32
    %eq3A_10 = arith.cmpi eq, %arg1, %eq3A : i32
    %convert_element_type3A = arith.extui %eq3A_10 : i1 to i32
    %cond3A = arith.constant 0 : i32
    %cond3A_11 = arith.cmpi ne, %convert_element_type3A, %cond3A : i32
    scf.if %cond3A_11 {
      %dma_start3A = arith.constant 9984 : i32
      %dma_start3A_28 = arith.constant 0 : i32
      %dma_start3A_29 = tpu.memref_slice %arg17[%dma_start3A, %dma_start3A_28] : memref<10000x64xf32, #tpu.memory_space<vmem_shared>> -> memref<8x64xf32, #tpu.memory_space<vmem_shared>>
      %dma_start3A_30 = arith.constant 9984 : i32
      %dma_start3A_31 = arith.constant 0 : i32
      %dma_start3A_32 = tpu.memref_slice %arg17[%dma_start3A_30, %dma_start3A_31] : memref<10000x64xf32, #tpu.memory_space<vmem_shared>> -> memref<8x64xf32, #tpu.memory_space<vmem_shared>>
      tpu.enqueue_dma source(%arg15 : memref<8x64xf32, #tpu.memory_space<vmem>>) target(%dma_start3A_32 : memref<8x64xf32, #tpu.memory_space<vmem_shared>>) target_semaphore(%arg19 : memref<!tpu.dma_semaphore, #tpu.memory_space<semaphore_mem>>)
      %dma_wait3A = arith.constant 9984 : i32
      %dma_wait3A_33 = arith.constant 0 : i32
      %dma_wait3A_34 = tpu.memref_slice %arg17[%dma_wait3A, %dma_wait3A_33] : memref<10000x64xf32, #tpu.memory_space<vmem_shared>> -> memref<8x64xf32, #tpu.memory_space<vmem_shared>>
      %dma_wait3A_35 = arith.constant 9984 : i32
      %dma_wait3A_36 = arith.constant 0 : i32
      %dma_wait3A_37 = tpu.memref_slice %arg17[%dma_wait3A_35, %dma_wait3A_36] : memref<10000x64xf32, #tpu.memory_space<vmem_shared>> -> memref<8x64xf32, #tpu.memory_space<vmem_shared>>
      tpu.wait_dma2 semaphore(%arg19 : memref<!tpu.dma_semaphore, #tpu.memory_space<semaphore_mem>>) src(%arg15 : memref<8x64xf32, #tpu.memory_space<vmem>>) dst(%dma_wait3A_37 : memref<8x64xf32, #tpu.memory_space<vmem_shared>>)
      %dma_start3A_38 = arith.constant 9984 : i32
      %dma_start3A_39 = arith.constant 0 : i32
      %dma_start3A_40 = tpu.memref_slice %arg18[%dma_start3A_38, %dma_start3A_39] : memref<10000x16xf32, #tpu.memory_space<vmem_shared>> -> memref<8x16xf32, #tpu.memory_space<vmem_shared>>
      %dma_start3A_41 = arith.constant 9984 : i32
      %dma_start3A_42 = arith.constant 0 : i32
      %dma_start3A_43 = tpu.memref_slice %arg18[%dma_start3A_41, %dma_start3A_42] : memref<10000x16xf32, #tpu.memory_space<vmem_shared>> -> memref<8x16xf32, #tpu.memory_space<vmem_shared>>
      tpu.enqueue_dma source(%arg16 : memref<8x16xf32, #tpu.memory_space<vmem>>) target(%dma_start3A_43 : memref<8x16xf32, #tpu.memory_space<vmem_shared>>) target_semaphore(%arg20 : memref<!tpu.dma_semaphore, #tpu.memory_space<semaphore_mem>>)
      %dma_wait3A_44 = arith.constant 9984 : i32
      %dma_wait3A_45 = arith.constant 0 : i32
      %dma_wait3A_46 = tpu.memref_slice %arg18[%dma_wait3A_44, %dma_wait3A_45] : memref<10000x16xf32, #tpu.memory_space<vmem_shared>> -> memref<8x16xf32, #tpu.memory_space<vmem_shared>>
      %dma_wait3A_47 = arith.constant 9984 : i32
      %dma_wait3A_48 = arith.constant 0 : i32
      %dma_wait3A_49 = tpu.memref_slice %arg18[%dma_wait3A_47, %dma_wait3A_48] : memref<10000x16xf32, #tpu.memory_space<vmem_shared>> -> memref<8x16xf32, #tpu.memory_space<vmem_shared>>
      tpu.wait_dma2 semaphore(%arg20 : memref<!tpu.dma_semaphore, #tpu.memory_space<semaphore_mem>>) src(%arg16 : memref<8x16xf32, #tpu.memory_space<vmem>>) dst(%dma_wait3A_49 : memref<8x16xf32, #tpu.memory_space<vmem_shared>>)
      %dma_start3A_50 = arith.constant 9992 : i32
      %dma_start3A_51 = arith.constant 0 : i32
      %dma_start3A_52 = tpu.memref_slice %arg17[%dma_start3A_50, %dma_start3A_51] : memref<10000x64xf32, #tpu.memory_space<vmem_shared>> -> memref<8x64xf32, #tpu.memory_space<vmem_shared>>
      %dma_start3A_53 = arith.constant 9992 : i32
      %dma_start3A_54 = arith.constant 0 : i32
      %dma_start3A_55 = tpu.memref_slice %arg17[%dma_start3A_53, %dma_start3A_54] : memref<10000x64xf32, #tpu.memory_space<vmem_shared>> -> memref<8x64xf32, #tpu.memory_space<vmem_shared>>
      tpu.enqueue_dma source(%arg15 : memref<8x64xf32, #tpu.memory_space<vmem>>) target(%dma_start3A_55 : memref<8x64xf32, #tpu.memory_space<vmem_shared>>) target_semaphore(%arg19 : memref<!tpu.dma_semaphore, #tpu.memory_space<semaphore_mem>>)
      %dma_wait3A_56 = arith.constant 9992 : i32
      %dma_wait3A_57 = arith.constant 0 : i32
      %dma_wait3A_58 = tpu.memref_slice %arg17[%dma_wait3A_56, %dma_wait3A_57] : memref<10000x64xf32, #tpu.memory_space<vmem_shared>> -> memref<8x64xf32, #tpu.memory_space<vmem_shared>>
      %dma_wait3A_59 = arith.constant 9992 : i32
      %dma_wait3A_60 = arith.constant 0 : i32
      %dma_wait3A_61 = tpu.memref_slice %arg17[%dma_wait3A_59, %dma_wait3A_60] : memref<10000x64xf32, #tpu.memory_space<vmem_shared>> -> memref<8x64xf32, #tpu.memory_space<vmem_shared>>
      tpu.wait_dma2 semaphore(%arg19 : memref<!tpu.dma_semaphore, #tpu.memory_space<semaphore_mem>>) src(%arg15 : memref<8x64xf32, #tpu.memory_space<vmem>>) dst(%dma_wait3A_61 : memref<8x64xf32, #tpu.memory_space<vmem_shared>>)
      %dma_start3A_62 = arith.constant 9992 : i32
      %dma_start3A_63 = arith.constant 0 : i32
      %dma_start3A_64 = tpu.memref_slice %arg18[%dma_start3A_62, %dma_start3A_63] : memref<10000x16xf32, #tpu.memory_space<vmem_shared>> -> memref<8x16xf32, #tpu.memory_space<vmem_shared>>
      %dma_start3A_65 = arith.constant 9992 : i32
      %dma_start3A_66 = arith.constant 0 : i32
      %dma_start3A_67 = tpu.memref_slice %arg18[%dma_start3A_65, %dma_start3A_66] : memref<10000x16xf32, #tpu.memory_space<vmem_shared>> -> memref<8x16xf32, #tpu.memory_space<vmem_shared>>
      tpu.enqueue_dma source(%arg16 : memref<8x16xf32, #tpu.memory_space<vmem>>) target(%dma_start3A_67 : memref<8x16xf32, #tpu.memory_space<vmem_shared>>) target_semaphore(%arg20 : memref<!tpu.dma_semaphore, #tpu.memory_space<semaphore_mem>>)
      %dma_wait3A_68 = arith.constant 9992 : i32
      %dma_wait3A_69 = arith.constant 0 : i32
      %dma_wait3A_70 = tpu.memref_slice %arg18[%dma_wait3A_68, %dma_wait3A_69] : memref<10000x16xf32, #tpu.memory_space<vmem_shared>> -> memref<8x16xf32, #tpu.memory_space<vmem_shared>>
      %dma_wait3A_71 = arith.constant 9992 : i32
      %dma_wait3A_72 = arith.constant 0 : i32
      %dma_wait3A_73 = tpu.memref_slice %arg18[%dma_wait3A_71, %dma_wait3A_72] : memref<10000x16xf32, #tpu.memory_space<vmem_shared>> -> memref<8x16xf32, #tpu.memory_space<vmem_shared>>
      tpu.wait_dma2 semaphore(%arg20 : memref<!tpu.dma_semaphore, #tpu.memory_space<semaphore_mem>>) src(%arg16 : memref<8x16xf32, #tpu.memory_space<vmem>>) dst(%dma_wait3A_73 : memref<8x16xf32, #tpu.memory_space<vmem_shared>>)
    } else {
    }
    %barrier3A = arith.constant 0 : index
    tpu.barrier barrier_id(%barrier3A)
    %iota3A = tpu.iota {dimensions = array<i32: 0>} : vector<16xi32>
    %scan3A_12 = arith.constant 0 : i32
    %scan3A_13 = arith.constant 20 : i32
    %scan3A_14 = arith.addi %scan3A_12, %scan3A_13 : i32
    %scan3A_15 = arith.constant 1 : i32
    scf.for %scan3A_28 = %scan3A_12 to %scan3A_14 step %scan3A_15  : i32 {
      %mul3A = arith.constant 8 : i32
      %mul3A_29 = arith.muli %scan3A_28, %mul3A : i32
      %multiple_of3A = tpu.assume_multiple %mul3A_29, 8 : i32
      "tpu.region"() ({
        %run_scoped3A = tpu.sem_alloc : memref<!tpu.dma_semaphore, #tpu.memory_space<semaphore_mem>>
        %dma_start3A_409 = arith.constant 0 : i32
        %dma_start3A_410 = tpu.memref_slice %arg2[%arg1, %multiple_of3A, %dma_start3A_409] : memref<16x160x128xi32, #tpu.memory_space<hbm>> -> memref<1x8x128xi32, #tpu.memory_space<hbm>>
        %dma_start3A_411 = tpu.memref_squeeze %dma_start3A_410 : memref<1x8x128xi32, #tpu.memory_space<hbm>> -> memref<8x128xi32, #tpu.memory_space<hbm>>
        %dma_start3A_412 = arith.constant 0 : i32
        %dma_start3A_413 = tpu.memref_slice %arg2[%arg1, %multiple_of3A, %dma_start3A_412] : memref<16x160x128xi32, #tpu.memory_space<hbm>> -> memref<1x8x128xi32, #tpu.memory_space<hbm>>
        %dma_start3A_414 = tpu.memref_squeeze %dma_start3A_413 : memref<1x8x128xi32, #tpu.memory_space<hbm>> -> memref<8x128xi32, #tpu.memory_space<hbm>>
        tpu.enqueue_dma source(%dma_start3A_414 : memref<8x128xi32, #tpu.memory_space<hbm>>) target(%arg8 : memref<8x128xi32, #tpu.memory_space<vmem>>) target_semaphore(%run_scoped3A : memref<!tpu.dma_semaphore, #tpu.memory_space<semaphore_mem>>)
        %dma_wait3A_415 = arith.constant 0 : i32
        %dma_wait3A_416 = tpu.memref_slice %arg2[%arg1, %multiple_of3A, %dma_wait3A_415] : memref<16x160x128xi32, #tpu.memory_space<hbm>> -> memref<1x8x128xi32, #tpu.memory_space<hbm>>
        %dma_wait3A_417 = tpu.memref_squeeze %dma_wait3A_416 : memref<1x8x128xi32, #tpu.memory_space<hbm>> -> memref<8x128xi32, #tpu.memory_space<hbm>>
        %dma_wait3A_418 = arith.constant 0 : i32
        %dma_wait3A_419 = tpu.memref_slice %arg2[%arg1, %multiple_of3A, %dma_wait3A_418] : memref<16x160x128xi32, #tpu.memory_space<hbm>> -> memref<1x8x128xi32, #tpu.memory_space<hbm>>
        %dma_wait3A_420 = tpu.memref_squeeze %dma_wait3A_419 : memref<1x8x128xi32, #tpu.memory_space<hbm>> -> memref<8x128xi32, #tpu.memory_space<hbm>>
        tpu.wait_dma2 semaphore(%run_scoped3A : memref<!tpu.dma_semaphore, #tpu.memory_space<semaphore_mem>>) src(%dma_wait3A_420 : memref<8x128xi32, #tpu.memory_space<hbm>>) dst(%arg8 : memref<8x128xi32, #tpu.memory_space<vmem>>)
        tpu.yield
      }) : () -> ()
      "tpu.region"() ({
        %run_scoped3A = tpu.sem_alloc : memref<!tpu.dma_semaphore, #tpu.memory_space<semaphore_mem>>
        %dma_start3A_409 = arith.constant 0 : i32
        %dma_start3A_410 = tpu.memref_slice %arg3[%arg1, %multiple_of3A, %dma_start3A_409] : memref<16x160x128xi32, #tpu.memory_space<hbm>> -> memref<1x8x128xi32, #tpu.memory_space<hbm>>
        %dma_start3A_411 = tpu.memref_squeeze %dma_start3A_410 : memref<1x8x128xi32, #tpu.memory_space<hbm>> -> memref<8x128xi32, #tpu.memory_space<hbm>>
        %dma_start3A_412 = arith.constant 0 : i32
        %dma_start3A_413 = tpu.memref_slice %arg3[%arg1, %multiple_of3A, %dma_start3A_412] : memref<16x160x128xi32, #tpu.memory_space<hbm>> -> memref<1x8x128xi32, #tpu.memory_space<hbm>>
        %dma_start3A_414 = tpu.memref_squeeze %dma_start3A_413 : memref<1x8x128xi32, #tpu.memory_space<hbm>> -> memref<8x128xi32, #tpu.memory_space<hbm>>
        tpu.enqueue_dma source(%dma_start3A_414 : memref<8x128xi32, #tpu.memory_space<hbm>>) target(%arg9 : memref<8x128xi32, #tpu.memory_space<vmem>>) target_semaphore(%run_scoped3A : memref<!tpu.dma_semaphore, #tpu.memory_space<semaphore_mem>>)
        %dma_wait3A_415 = arith.constant 0 : i32
        %dma_wait3A_416 = tpu.memref_slice %arg3[%arg1, %multiple_of3A, %dma_wait3A_415] : memref<16x160x128xi32, #tpu.memory_space<hbm>> -> memref<1x8x128xi32, #tpu.memory_space<hbm>>
        %dma_wait3A_417 = tpu.memref_squeeze %dma_wait3A_416 : memref<1x8x128xi32, #tpu.memory_space<hbm>> -> memref<8x128xi32, #tpu.memory_space<hbm>>
        %dma_wait3A_418 = arith.constant 0 : i32
        %dma_wait3A_419 = tpu.memref_slice %arg3[%arg1, %multiple_of3A, %dma_wait3A_418] : memref<16x160x128xi32, #tpu.memory_space<hbm>> -> memref<1x8x128xi32, #tpu.memory_space<hbm>>
        %dma_wait3A_420 = tpu.memref_squeeze %dma_wait3A_419 : memref<1x8x128xi32, #tpu.memory_space<hbm>> -> memref<8x128xi32, #tpu.memory_space<hbm>>
        tpu.wait_dma2 semaphore(%run_scoped3A : memref<!tpu.dma_semaphore, #tpu.memory_space<semaphore_mem>>) src(%dma_wait3A_420 : memref<8x128xi32, #tpu.memory_space<hbm>>) dst(%arg9 : memref<8x128xi32, #tpu.memory_space<vmem>>)
        tpu.yield
      }) : () -> ()
      "tpu.region"() ({
        %run_scoped3A = tpu.sem_alloc : memref<!tpu.dma_semaphore, #tpu.memory_space<semaphore_mem>>
        %dma_start3A_409 = arith.constant 0 : i32
        %dma_start3A_410 = tpu.memref_slice %arg4[%arg1, %multiple_of3A, %dma_start3A_409] : memref<16x160x128xf32, #tpu.memory_space<hbm>> -> memref<1x8x128xf32, #tpu.memory_space<hbm>>
        %dma_start3A_411 = tpu.memref_squeeze %dma_start3A_410 : memref<1x8x128xf32, #tpu.memory_space<hbm>> -> memref<8x128xf32, #tpu.memory_space<hbm>>
        %dma_start3A_412 = arith.constant 0 : i32
        %dma_start3A_413 = tpu.memref_slice %arg4[%arg1, %multiple_of3A, %dma_start3A_412] : memref<16x160x128xf32, #tpu.memory_space<hbm>> -> memref<1x8x128xf32, #tpu.memory_space<hbm>>
        %dma_start3A_414 = tpu.memref_squeeze %dma_start3A_413 : memref<1x8x128xf32, #tpu.memory_space<hbm>> -> memref<8x128xf32, #tpu.memory_space<hbm>>
        tpu.enqueue_dma source(%dma_start3A_414 : memref<8x128xf32, #tpu.memory_space<hbm>>) target(%arg10 : memref<8x128xf32, #tpu.memory_space<vmem>>) target_semaphore(%run_scoped3A : memref<!tpu.dma_semaphore, #tpu.memory_space<semaphore_mem>>)
        %dma_wait3A_415 = arith.constant 0 : i32
        %dma_wait3A_416 = tpu.memref_slice %arg4[%arg1, %multiple_of3A, %dma_wait3A_415] : memref<16x160x128xf32, #tpu.memory_space<hbm>> -> memref<1x8x128xf32, #tpu.memory_space<hbm>>
        %dma_wait3A_417 = tpu.memref_squeeze %dma_wait3A_416 : memref<1x8x128xf32, #tpu.memory_space<hbm>> -> memref<8x128xf32, #tpu.memory_space<hbm>>
        %dma_wait3A_418 = arith.constant 0 : i32
        %dma_wait3A_419 = tpu.memref_slice %arg4[%arg1, %multiple_of3A, %dma_wait3A_418] : memref<16x160x128xf32, #tpu.memory_space<hbm>> -> memref<1x8x128xf32, #tpu.memory_space<hbm>>
        %dma_wait3A_420 = tpu.memref_squeeze %dma_wait3A_419 : memref<1x8x128xf32, #tpu.memory_space<hbm>> -> memref<8x128xf32, #tpu.memory_space<hbm>>
        tpu.wait_dma2 semaphore(%run_scoped3A : memref<!tpu.dma_semaphore, #tpu.memory_space<semaphore_mem>>) src(%dma_wait3A_420 : memref<8x128xf32, #tpu.memory_space<hbm>>) dst(%arg10 : memref<8x128xf32, #tpu.memory_space<vmem>>)
        tpu.yield
      }) : () -> ()
      %scan3A_30 = arith.constant 0 : i32
      %scan3A_31 = arith.constant 8 : i32
      %scan3A_32 = arith.addi %scan3A_30, %scan3A_31 : i32
      %scan3A_33 = arith.constant 1 : i32
      scf.for %scan3A_409 = %scan3A_30 to %scan3A_32 step %scan3A_33  : i32 {
        %get3A = arith.index_cast %scan3A_409 : i32 to index
        %get3A_410 = arith.constant 0 : index
        %get3A_411 = tpu.vector_load %arg8[%get3A, %get3A_410] {strides = array<i32>} : memref<8x128xi32, #tpu.memory_space<vmem>>, vector<16xi32>,
        %mul3A_412 = arith.constant 2 : i32
        %mul3A_413 = vector.broadcast %mul3A_412 : i32 to vector<16xi32>
        %mul3A_414 = arith.muli %get3A_411, %mul3A_413 : vector<16xi32>
        %add3A = vector.broadcast %arg0 : i32 to vector<16xi32>
        %add3A_415 = arith.addi %mul3A_414, %add3A : vector<16xi32>
        %swap3A = arith.index_cast %scan3A_409 : i32 to index
        %swap3A_416 = arith.constant 0 : index
        %swap3A_417 = tpu.vector_load %arg11[%swap3A, %swap3A_416] {strides = array<i32>} : memref<8x128xi32, #tpu.memory_space<vmem>>, vector<16xi32>,
        tpu.vector_store %arg11[%swap3A, %swap3A_416], %add3A_415 {strides = array<i32>} : memref<8x128xi32, #tpu.memory_space<vmem>>, vector<16xi32>,
        %get3A_418 = arith.index_cast %scan3A_409 : i32 to index
        %get3A_419 = arith.constant 16 : index
        %get3A_420 = tpu.vector_load %arg8[%get3A_418, %get3A_419] {strides = array<i32>} : memref<8x128xi32, #tpu.memory_space<vmem>>, vector<16xi32>,
        %mul3A_421 = arith.constant 2 : i32
        %mul3A_422 = vector.broadcast %mul3A_421 : i32 to vector<16xi32>
        %mul3A_423 = arith.muli %get3A_420, %mul3A_422 : vector<16xi32>
        %add3A_424 = vector.broadcast %arg0 : i32 to vector<16xi32>
        %add3A_425 = arith.addi %mul3A_423, %add3A_424 : vector<16xi32>
        %swap3A_426 = arith.index_cast %scan3A_409 : i32 to index
        %swap3A_427 = arith.constant 16 : index
        %swap3A_428 = tpu.vector_load %arg11[%swap3A_426, %swap3A_427] {strides = array<i32>} : memref<8x128xi32, #tpu.memory_space<vmem>>, vector<16xi32>,
        tpu.vector_store %arg11[%swap3A_426, %swap3A_427], %add3A_425 {strides = array<i32>} : memref<8x128xi32, #tpu.memory_space<vmem>>, vector<16xi32>,
        %get3A_429 = arith.index_cast %scan3A_409 : i32 to index
        %get3A_430 = arith.constant 32 : index
        %get3A_431 = tpu.vector_load %arg8[%get3A_429, %get3A_430] {strides = array<i32>} : memref<8x128xi32, #tpu.memory_space<vmem>>, vector<16xi32>,
        %mul3A_432 = arith.constant 2 : i32
        %mul3A_433 = vector.broadcast %mul3A_432 : i32 to vector<16xi32>
        %mul3A_434 = arith.muli %get3A_431, %mul3A_433 : vector<16xi32>
        %add3A_435 = vector.broadcast %arg0 : i32 to vector<16xi32>
        %add3A_436 = arith.addi %mul3A_434, %add3A_435 : vector<16xi32>
        %swap3A_437 = arith.index_cast %scan3A_409 : i32 to index
        %swap3A_438 = arith.constant 32 : index
        %swap3A_439 = tpu.vector_load %arg11[%swap3A_437, %swap3A_438] {strides = array<i32>} : memref<8x128xi32, #tpu.memory_space<vmem>>, vector<16xi32>,
        tpu.vector_store %arg11[%swap3A_437, %swap3A_438], %add3A_436 {strides = array<i32>} : memref<8x128xi32, #tpu.memory_space<vmem>>, vector<16xi32>,
        %get3A_440 = arith.index_cast %scan3A_409 : i32 to index
        %get3A_441 = arith.constant 48 : index
        %get3A_442 = tpu.vector_load %arg8[%get3A_440, %get3A_441] {strides = array<i32>} : memref<8x128xi32, #tpu.memory_space<vmem>>, vector<16xi32>,
        %mul3A_443 = arith.constant 2 : i32
        %mul3A_444 = vector.broadcast %mul3A_443 : i32 to vector<16xi32>
        %mul3A_445 = arith.muli %get3A_442, %mul3A_444 : vector<16xi32>
        %add3A_446 = vector.broadcast %arg0 : i32 to vector<16xi32>
        %add3A_447 = arith.addi %mul3A_445, %add3A_446 : vector<16xi32>
        %swap3A_448 = arith.index_cast %scan3A_409 : i32 to index
        %swap3A_449 = arith.constant 48 : index
        %swap3A_450 = tpu.vector_load %arg11[%swap3A_448, %swap3A_449] {strides = array<i32>} : memref<8x128xi32, #tpu.memory_space<vmem>>, vector<16xi32>,
        tpu.vector_store %arg11[%swap3A_448, %swap3A_449], %add3A_447 {strides = array<i32>} : memref<8x128xi32, #tpu.memory_space<vmem>>, vector<16xi32>,
        %get3A_451 = arith.index_cast %scan3A_409 : i32 to index
        %get3A_452 = arith.constant 64 : index
        %get3A_453 = tpu.vector_load %arg8[%get3A_451, %get3A_452] {strides = array<i32>} : memref<8x128xi32, #tpu.memory_space<vmem>>, vector<16xi32>,
        %mul3A_454 = arith.constant 2 : i32
        %mul3A_455 = vector.broadcast %mul3A_454 : i32 to vector<16xi32>
        %mul3A_456 = arith.muli %get3A_453, %mul3A_455 : vector<16xi32>
        %add3A_457 = vector.broadcast %arg0 : i32 to vector<16xi32>
        %add3A_458 = arith.addi %mul3A_456, %add3A_457 : vector<16xi32>
        %swap3A_459 = arith.index_cast %scan3A_409 : i32 to index
        %swap3A_460 = arith.constant 64 : index
        %swap3A_461 = tpu.vector_load %arg11[%swap3A_459, %swap3A_460] {strides = array<i32>} : memref<8x128xi32, #tpu.memory_space<vmem>>, vector<16xi32>,
        tpu.vector_store %arg11[%swap3A_459, %swap3A_460], %add3A_458 {strides = array<i32>} : memref<8x128xi32, #tpu.memory_space<vmem>>, vector<16xi32>,
        %get3A_462 = arith.index_cast %scan3A_409 : i32 to index
        %get3A_463 = arith.constant 80 : index
        %get3A_464 = tpu.vector_load %arg8[%get3A_462, %get3A_463] {strides = array<i32>} : memref<8x128xi32, #tpu.memory_space<vmem>>, vector<16xi32>,
        %mul3A_465 = arith.constant 2 : i32
        %mul3A_466 = vector.broadcast %mul3A_465 : i32 to vector<16xi32>
        %mul3A_467 = arith.muli %get3A_464, %mul3A_466 : vector<16xi32>
        %add3A_468 = vector.broadcast %arg0 : i32 to vector<16xi32>
        %add3A_469 = arith.addi %mul3A_467, %add3A_468 : vector<16xi32>
        %swap3A_470 = arith.index_cast %scan3A_409 : i32 to index
        %swap3A_471 = arith.constant 80 : index
        %swap3A_472 = tpu.vector_load %arg11[%swap3A_470, %swap3A_471] {strides = array<i32>} : memref<8x128xi32, #tpu.memory_space<vmem>>, vector<16xi32>,
        tpu.vector_store %arg11[%swap3A_470, %swap3A_471], %add3A_469 {strides = array<i32>} : memref<8x128xi32, #tpu.memory_space<vmem>>, vector<16xi32>,
        %get3A_473 = arith.index_cast %scan3A_409 : i32 to index
        %get3A_474 = arith.constant 96 : index
        %get3A_475 = tpu.vector_load %arg8[%get3A_473, %get3A_474] {strides = array<i32>} : memref<8x128xi32, #tpu.memory_space<vmem>>, vector<16xi32>,
        %mul3A_476 = arith.constant 2 : i32
        %mul3A_477 = vector.broadcast %mul3A_476 : i32 to vector<16xi32>
        %mul3A_478 = arith.muli %get3A_475, %mul3A_477 : vector<16xi32>
        %add3A_479 = vector.broadcast %arg0 : i32 to vector<16xi32>
        %add3A_480 = arith.addi %mul3A_478, %add3A_479 : vector<16xi32>
        %swap3A_481 = arith.index_cast %scan3A_409 : i32 to index
        %swap3A_482 = arith.constant 96 : index
        %swap3A_483 = tpu.vector_load %arg11[%swap3A_481, %swap3A_482] {strides = array<i32>} : memref<8x128xi32, #tpu.memory_space<vmem>>, vector<16xi32>,
        tpu.vector_store %arg11[%swap3A_481, %swap3A_482], %add3A_480 {strides = array<i32>} : memref<8x128xi32, #tpu.memory_space<vmem>>, vector<16xi32>,
        %get3A_484 = arith.index_cast %scan3A_409 : i32 to index
        %get3A_485 = arith.constant 112 : index
        %get3A_486 = tpu.vector_load %arg8[%get3A_484, %get3A_485] {strides = array<i32>} : memref<8x128xi32, #tpu.memory_space<vmem>>, vector<16xi32>,
        %mul3A_487 = arith.constant 2 : i32
        %mul3A_488 = vector.broadcast %mul3A_487 : i32 to vector<16xi32>
        %mul3A_489 = arith.muli %get3A_486, %mul3A_488 : vector<16xi32>
        %add3A_490 = vector.broadcast %arg0 : i32 to vector<16xi32>
        %add3A_491 = arith.addi %mul3A_489, %add3A_490 : vector<16xi32>
        %swap3A_492 = arith.index_cast %scan3A_409 : i32 to index
        %swap3A_493 = arith.constant 112 : index
        %swap3A_494 = tpu.vector_load %arg11[%swap3A_492, %swap3A_493] {strides = array<i32>} : memref<8x128xi32, #tpu.memory_space<vmem>>, vector<16xi32>,
        tpu.vector_store %arg11[%swap3A_492, %swap3A_493], %add3A_491 {strides = array<i32>} : memref<8x128xi32, #tpu.memory_space<vmem>>, vector<16xi32>,
      }
      %scan3A_34 = arith.constant 8 : i32
      %dma_start3A = arith.constant 0 : i32
      %dma_start3A_35 = arith.constant 0 : i32
      %dma_start3A_36 = tpu.memref_slice %arg11[%dma_start3A, %dma_start3A_35] : memref<8x128xi32, #tpu.memory_space<vmem>> -> memref<1x128xi32, #tpu.memory_space<vmem>>
      %dma_start3A_37 = tpu.memref_squeeze %dma_start3A_36 : memref<1x128xi32, #tpu.memory_space<vmem>> -> memref<128xi32, #tpu.memory_space<vmem>>
      %dma_start3A_38 = arith.constant 0 : i32
      %dma_start3A_39 = arith.constant 0 : i32
      %dma_start3A_40 = tpu.memref_slice %arg5[%dma_start3A_38, %dma_start3A_39] : memref<20000x64xf32, #tpu.memory_space<hbm>> -> memref<20000x64xf32, #tpu.memory_space<hbm>>
      tpu.enqueue_indirect_dma source(%dma_start3A_40 : memref<20000x64xf32, #tpu.memory_space<hbm>>) target(%arg12 : memref<128x64xf32, #tpu.memory_space<vmem>>) offsets(%dma_start3A_37 : memref<128xi32, #tpu.memory_space<vmem>>) semaphore(%arg21 : memref<!tpu.dma_semaphore, #tpu.memory_space<semaphore_mem>>)
      %dma_wait3A = arith.constant 0 : i32
      %dma_wait3A_41 = arith.constant 0 : i32
      %dma_wait3A_42 = tpu.memref_slice %arg11[%dma_wait3A, %dma_wait3A_41] : memref<8x128xi32, #tpu.memory_space<vmem>> -> memref<1x128xi32, #tpu.memory_space<vmem>>
      %dma_wait3A_43 = tpu.memref_squeeze %dma_wait3A_42 : memref<1x128xi32, #tpu.memory_space<vmem>> -> memref<128xi32, #tpu.memory_space<vmem>>
      %dma_wait3A_44 = arith.constant 0 : i32
      %dma_wait3A_45 = arith.constant 0 : i32
      %dma_wait3A_46 = tpu.memref_slice %arg5[%dma_wait3A_44, %dma_wait3A_45] : memref<20000x64xf32, #tpu.memory_space<hbm>> -> memref<20000x64xf32, #tpu.memory_space<hbm>>
      tpu.wait_indirect_dma semaphore(%arg21 : memref<!tpu.dma_semaphore, #tpu.memory_space<semaphore_mem>>) src(%dma_wait3A_46 : memref<20000x64xf32, #tpu.memory_space<hbm>>) dst(%arg12 : memref<128x64xf32, #tpu.memory_space<vmem>>)
      %dma_start3A_47 = arith.constant 1 : i32
      %dma_start3A_48 = arith.constant 0 : i32
      %dma_start3A_49 = tpu.memref_slice %arg11[%dma_start3A_47, %dma_start3A_48] : memref<8x128xi32, #tpu.memory_space<vmem>> -> memref<1x128xi32, #tpu.memory_space<vmem>>
      %dma_start3A_50 = tpu.memref_squeeze %dma_start3A_49 : memref<1x128xi32, #tpu.memory_space<vmem>> -> memref<128xi32, #tpu.memory_space<vmem>>
      %dma_start3A_51 = arith.constant 0 : i32
      %dma_start3A_52 = arith.constant 0 : i32
      %dma_start3A_53 = tpu.memref_slice %arg5[%dma_start3A_51, %dma_start3A_52] : memref<20000x64xf32, #tpu.memory_space<hbm>> -> memref<20000x64xf32, #tpu.memory_space<hbm>>
      tpu.enqueue_indirect_dma source(%dma_start3A_53 : memref<20000x64xf32, #tpu.memory_space<hbm>>) target(%arg13 : memref<128x64xf32, #tpu.memory_space<vmem>>) offsets(%dma_start3A_50 : memref<128xi32, #tpu.memory_space<vmem>>) semaphore(%arg21 : memref<!tpu.dma_semaphore, #tpu.memory_space<semaphore_mem>>)
      %scan3A_54 = arith.constant 0 : i32
      %scan3A_55 = arith.constant 128 : i32
      %scan3A_56 = arith.addi %scan3A_54, %scan3A_55 : i32
      %scan3A_57 = arith.constant 1 : i32
      scf.for %scan3A_409 = %scan3A_54 to %scan3A_56 step %scan3A_57  : i32 {
        %broadcast_in_dim3A_410 = arith.constant 0 : i32
        %broadcast_in_dim3A_411 = vector.broadcast %broadcast_in_dim3A_410 : i32 to vector<16xi32>
        %broadcast_in_dim3A_412 = vector.broadcast %scan3A_409 : i32 to vector<16xi32>
        %gather3A = tpu.vector_load_idx %arg10[%broadcast_in_dim3A_411, %broadcast_in_dim3A_412] : memref<8x128xf32, #tpu.memory_space<vmem>>[vector<16xi32>, vector<16xi32>], vector<16xf32>,
        %get3A = arith.index_cast %scan3A_409 : i32 to index
        %get3A_413 = arith.constant 0 : index
        %get3A_414 = tpu.vector_load %arg12[%get3A, %get3A_413] {strides = array<i32>} : memref<128x64xf32, #tpu.memory_space<vmem>>, vector<16xf32>,
        %mul3A_415 = arith.mulf %get3A_414, %gather3A : vector<16xf32>
        %swap3A = arith.index_cast %scan3A_409 : i32 to index
        %swap3A_416 = arith.constant 0 : index
        %swap3A_417 = tpu.vector_load %arg12[%swap3A, %swap3A_416] {strides = array<i32>} : memref<128x64xf32, #tpu.memory_space<vmem>>, vector<16xf32>,
        tpu.vector_store %arg12[%swap3A, %swap3A_416], %mul3A_415 {strides = array<i32>} : memref<128x64xf32, #tpu.memory_space<vmem>>, vector<16xf32>,
        %get3A_418 = arith.index_cast %scan3A_409 : i32 to index
        %get3A_419 = arith.constant 16 : index
        %get3A_420 = tpu.vector_load %arg12[%get3A_418, %get3A_419] {strides = array<i32>} : memref<128x64xf32, #tpu.memory_space<vmem>>, vector<16xf32>,
        %mul3A_421 = arith.mulf %get3A_420, %gather3A : vector<16xf32>
        %swap3A_422 = arith.index_cast %scan3A_409 : i32 to index
        %swap3A_423 = arith.constant 16 : index
        %swap3A_424 = tpu.vector_load %arg12[%swap3A_422, %swap3A_423] {strides = array<i32>} : memref<128x64xf32, #tpu.memory_space<vmem>>, vector<16xf32>,
        tpu.vector_store %arg12[%swap3A_422, %swap3A_423], %mul3A_421 {strides = array<i32>} : memref<128x64xf32, #tpu.memory_space<vmem>>, vector<16xf32>,
        %get3A_425 = arith.index_cast %scan3A_409 : i32 to index
        %get3A_426 = arith.constant 32 : index
        %get3A_427 = tpu.vector_load %arg12[%get3A_425, %get3A_426] {strides = array<i32>} : memref<128x64xf32, #tpu.memory_space<vmem>>, vector<16xf32>,
        %mul3A_428 = arith.mulf %get3A_427, %gather3A : vector<16xf32>
        %swap3A_429 = arith.index_cast %scan3A_409 : i32 to index
        %swap3A_430 = arith.constant 32 : index
        %swap3A_431 = tpu.vector_load %arg12[%swap3A_429, %swap3A_430] {strides = array<i32>} : memref<128x64xf32, #tpu.memory_space<vmem>>, vector<16xf32>,
        tpu.vector_store %arg12[%swap3A_429, %swap3A_430], %mul3A_428 {strides = array<i32>} : memref<128x64xf32, #tpu.memory_space<vmem>>, vector<16xf32>,
        %get3A_432 = arith.index_cast %scan3A_409 : i32 to index
        %get3A_433 = arith.constant 48 : index
        %get3A_434 = tpu.vector_load %arg12[%get3A_432, %get3A_433] {strides = array<i32>} : memref<128x64xf32, #tpu.memory_space<vmem>>, vector<16xf32>,
        %mul3A_435 = arith.mulf %get3A_434, %gather3A : vector<16xf32>
        %swap3A_436 = arith.index_cast %scan3A_409 : i32 to index
        %swap3A_437 = arith.constant 48 : index
        %swap3A_438 = tpu.vector_load %arg12[%swap3A_436, %swap3A_437] {strides = array<i32>} : memref<128x64xf32, #tpu.memory_space<vmem>>, vector<16xf32>,
        tpu.vector_store %arg12[%swap3A_436, %swap3A_437], %mul3A_435 {strides = array<i32>} : memref<128x64xf32, #tpu.memory_space<vmem>>, vector<16xf32>,
        %eq3A_439 = arith.constant 0 : i32
        %eq3A_440 = vector.broadcast %eq3A_439 : i32 to vector<16xi32>
        %eq3A_441 = arith.cmpi eq, %iota3A, %eq3A_440 : vector<16xi32>
        %jit3A = arith.constant 0.000000e+00 : f32
        %broadcast_in_dim3A_442 = vector.broadcast %jit3A : f32 to vector<16xf32>
        %select_n3A = arith.select %eq3A_441, %gather3A, %broadcast_in_dim3A_442 : vector<16xi1>, vector<16xf32>
        %swap3A_443 = arith.index_cast %scan3A_409 : i32 to index
        %swap3A_444 = arith.constant 0 : index
        %swap3A_445 = tpu.vector_load %arg14[%swap3A_443, %swap3A_444] {strides = array<i32>} : memref<128x16xf32, #tpu.memory_space<vmem>>, vector<16xf32>,
        tpu.vector_store %arg14[%swap3A_443, %swap3A_444], %select_n3A {strides = array<i32>} : memref<128x16xf32, #tpu.memory_space<vmem>>, vector<16xf32>,
      }
      %scan3A_58 = arith.constant 128 : i32
      %dma_start3A_59 = arith.constant 0 : i32
      %dma_start3A_60 = arith.constant 0 : i32
      %dma_start3A_61 = tpu.memref_slice %arg9[%dma_start3A_59, %dma_start3A_60] : memref<8x128xi32, #tpu.memory_space<vmem>> -> memref<1x128xi32, #tpu.memory_space<vmem>>
      %dma_start3A_62 = tpu.memref_squeeze %dma_start3A_61 : memref<1x128xi32, #tpu.memory_space<vmem>> -> memref<128xi32, #tpu.memory_space<vmem>>
      %dma_start3A_63 = arith.constant 0 : i32
      %dma_start3A_64 = arith.constant 0 : i32
      %dma_start3A_65 = tpu.memref_slice %arg17[%dma_start3A_63, %dma_start3A_64] : memref<10000x64xf32, #tpu.memory_space<vmem_shared>> -> memref<10000x64xf32, #tpu.memory_space<vmem_shared>>
      tpu.enqueue_indirect_dma source(%arg12 : memref<128x64xf32, #tpu.memory_space<vmem>>) target(%dma_start3A_65 : memref<10000x64xf32, #tpu.memory_space<vmem_shared>>) offsets(%dma_start3A_62 : memref<128xi32, #tpu.memory_space<vmem>>) semaphore(%arg19 : memref<!tpu.dma_semaphore, #tpu.memory_space<semaphore_mem>>) {add = true}
      %dma_start3A_66 = arith.constant 0 : i32
      %dma_start3A_67 = arith.constant 0 : i32
      %dma_start3A_68 = tpu.memref_slice %arg9[%dma_start3A_66, %dma_start3A_67] : memref<8x128xi32, #tpu.memory_space<vmem>> -> memref<1x128xi32, #tpu.memory_space<vmem>>
      %dma_start3A_69 = tpu.memref_squeeze %dma_start3A_68 : memref<1x128xi32, #tpu.memory_space<vmem>> -> memref<128xi32, #tpu.memory_space<vmem>>
      %dma_start3A_70 = arith.constant 0 : i32
      %dma_start3A_71 = arith.constant 0 : i32
      %dma_start3A_72 = tpu.memref_slice %arg18[%dma_start3A_70, %dma_start3A_71] : memref<10000x16xf32, #tpu.memory_space<vmem_shared>> -> memref<10000x16xf32, #tpu.memory_space<vmem_shared>>
      tpu.enqueue_indirect_dma source(%arg14 : memref<128x16xf32, #tpu.memory_space<vmem>>) target(%dma_start3A_72 : memref<10000x16xf32, #tpu.memory_space<vmem_shared>>) offsets(%dma_start3A_69 : memref<128xi32, #tpu.memory_space<vmem>>) semaphore(%arg22 : memref<!tpu.dma_semaphore, #tpu.memory_space<semaphore_mem>>) {add = true}
      %dma_wait3A_73 = arith.constant 1 : i32
      %dma_wait3A_74 = arith.constant 0 : i32
      %dma_wait3A_75 = tpu.memref_slice %arg11[%dma_wait3A_73, %dma_wait3A_74] : memref<8x128xi32, #tpu.memory_space<vmem>> -> memref<1x128xi32, #tpu.memory_space<vmem>>
      %dma_wait3A_76 = tpu.memref_squeeze %dma_wait3A_75 : memref<1x128xi32, #tpu.memory_space<vmem>> -> memref<128xi32, #tpu.memory_space<vmem>>
      %dma_wait3A_77 = arith.constant 0 : i32
      %dma_wait3A_78 = arith.constant 0 : i32
      %dma_wait3A_79 = tpu.memref_slice %arg5[%dma_wait3A_77, %dma_wait3A_78] : memref<20000x64xf32, #tpu.memory_space<hbm>> -> memref<20000x64xf32, #tpu.memory_space<hbm>>
      tpu.wait_indirect_dma semaphore(%arg21 : memref<!tpu.dma_semaphore, #tpu.memory_space<semaphore_mem>>) src(%dma_wait3A_79 : memref<20000x64xf32, #tpu.memory_space<hbm>>) dst(%arg13 : memref<128x64xf32, #tpu.memory_space<vmem>>)
      %dma_wait3A_80 = arith.constant 0 : i32
      %dma_wait3A_81 = arith.constant 0 : i32
      %dma_wait3A_82 = tpu.memref_slice %arg9[%dma_wait3A_80, %dma_wait3A_81] : memref<8x128xi32, #tpu.memory_space<vmem>> -> memref<1x128xi32, #tpu.memory_space<vmem>>
      %dma_wait3A_83 = tpu.memref_squeeze %dma_wait3A_82 : memref<1x128xi32, #tpu.memory_space<vmem>> -> memref<128xi32, #tpu.memory_space<vmem>>
      %dma_wait3A_84 = arith.constant 0 : i32
      %dma_wait3A_85 = arith.constant 0 : i32
      %dma_wait3A_86 = tpu.memref_slice %arg17[%dma_wait3A_84, %dma_wait3A_85] : memref<10000x64xf32, #tpu.memory_space<vmem_shared>> -> memref<10000x64xf32, #tpu.memory_space<vmem_shared>>
      tpu.wait_indirect_dma semaphore(%arg19 : memref<!tpu.dma_semaphore, #tpu.memory_space<semaphore_mem>>) src(%arg12 : memref<128x64xf32, #tpu.memory_space<vmem>>) dst(%dma_wait3A_86 : memref<10000x64xf32, #tpu.memory_space<vmem_shared>>)
      %dma_start3A_87 = arith.constant 2 : i32
      %dma_start3A_88 = arith.constant 0 : i32
      %dma_start3A_89 = tpu.memref_slice %arg11[%dma_start3A_87, %dma_start3A_88] : memref<8x128xi32, #tpu.memory_space<vmem>> -> memref<1x128xi32, #tpu.memory_space<vmem>>
      %dma_start3A_90 = tpu.memref_squeeze %dma_start3A_89 : memref<1x128xi32, #tpu.memory_space<vmem>> -> memref<128xi32, #tpu.memory_space<vmem>>
      %dma_start3A_91 = arith.constant 0 : i32
      %dma_start3A_92 = arith.constant 0 : i32
      %dma_start3A_93 = tpu.memref_slice %arg5[%dma_start3A_91, %dma_start3A_92] : memref<20000x64xf32, #tpu.memory_space<hbm>> -> memref<20000x64xf32, #tpu.memory_space<hbm>>
      tpu.enqueue_indirect_dma source(%dma_start3A_93 : memref<20000x64xf32, #tpu.memory_space<hbm>>) target(%arg12 : memref<128x64xf32, #tpu.memory_space<vmem>>) offsets(%dma_start3A_90 : memref<128xi32, #tpu.memory_space<vmem>>) semaphore(%arg21 : memref<!tpu.dma_semaphore, #tpu.memory_space<semaphore_mem>>)
      %dma_wait3A_94 = arith.constant 0 : i32
      %dma_wait3A_95 = arith.constant 0 : i32
      %dma_wait3A_96 = tpu.memref_slice %arg9[%dma_wait3A_94, %dma_wait3A_95] : memref<8x128xi32, #tpu.memory_space<vmem>> -> memref<1x128xi32, #tpu.memory_space<vmem>>
      %dma_wait3A_97 = tpu.memref_squeeze %dma_wait3A_96 : memref<1x128xi32, #tpu.memory_space<vmem>> -> memref<128xi32, #tpu.memory_space<vmem>>
      %dma_wait3A_98 = arith.constant 0 : i32
      %dma_wait3A_99 = arith.constant 0 : i32
      %dma_wait3A_100 = tpu.memref_slice %arg18[%dma_wait3A_98, %dma_wait3A_99] : memref<10000x16xf32, #tpu.memory_space<vmem_shared>> -> memref<10000x16xf32, #tpu.memory_space<vmem_shared>>
      tpu.wait_indirect_dma semaphore(%arg22 : memref<!tpu.dma_semaphore, #tpu.memory_space<semaphore_mem>>) src(%arg14 : memref<128x16xf32, #tpu.memory_space<vmem>>) dst(%dma_wait3A_100 : memref<10000x16xf32, #tpu.memory_space<vmem_shared>>)
      %scan3A_101 = arith.constant 0 : i32
      %scan3A_102 = arith.constant 128 : i32
      %scan3A_103 = arith.addi %scan3A_101, %scan3A_102 : i32
      %scan3A_104 = arith.constant 1 : i32
      scf.for %scan3A_409 = %scan3A_101 to %scan3A_103 step %scan3A_104  : i32 {
        %broadcast_in_dim3A_410 = arith.constant 1 : i32
        %broadcast_in_dim3A_411 = vector.broadcast %broadcast_in_dim3A_410 : i32 to vector<16xi32>
        %broadcast_in_dim3A_412 = vector.broadcast %scan3A_409 : i32 to vector<16xi32>
        %gather3A = tpu.vector_load_idx %arg10[%broadcast_in_dim3A_411, %broadcast_in_dim3A_412] : memref<8x128xf32, #tpu.memory_space<vmem>>[vector<16xi32>, vector<16xi32>], vector<16xf32>,
        %get3A = arith.index_cast %scan3A_409 : i32 to index
        %get3A_413 = arith.constant 0 : index
        %get3A_414 = tpu.vector_load %arg13[%get3A, %get3A_413] {strides = array<i32>} : memref<128x64xf32, #tpu.memory_space<vmem>>, vector<16xf32>,
        %mul3A_415 = arith.mulf %get3A_414, %gather3A : vector<16xf32>
        %swap3A = arith.index_cast %scan3A_409 : i32 to index
        %swap3A_416 = arith.constant 0 : index
        %swap3A_417 = tpu.vector_load %arg13[%swap3A, %swap3A_416] {strides = array<i32>} : memref<128x64xf32, #tpu.memory_space<vmem>>, vector<16xf32>,
        tpu.vector_store %arg13[%swap3A, %swap3A_416], %mul3A_415 {strides = array<i32>} : memref<128x64xf32, #tpu.memory_space<vmem>>, vector<16xf32>,
        %get3A_418 = arith.index_cast %scan3A_409 : i32 to index
        %get3A_419 = arith.constant 16 : index
        %get3A_420 = tpu.vector_load %arg13[%get3A_418, %get3A_419] {strides = array<i32>} : memref<128x64xf32, #tpu.memory_space<vmem>>, vector<16xf32>,
        %mul3A_421 = arith.mulf %get3A_420, %gather3A : vector<16xf32>
        %swap3A_422 = arith.index_cast %scan3A_409 : i32 to index
        %swap3A_423 = arith.constant 16 : index
        %swap3A_424 = tpu.vector_load %arg13[%swap3A_422, %swap3A_423] {strides = array<i32>} : memref<128x64xf32, #tpu.memory_space<vmem>>, vector<16xf32>,
        tpu.vector_store %arg13[%swap3A_422, %swap3A_423], %mul3A_421 {strides = array<i32>} : memref<128x64xf32, #tpu.memory_space<vmem>>, vector<16xf32>,
        %get3A_425 = arith.index_cast %scan3A_409 : i32 to index
        %get3A_426 = arith.constant 32 : index
        %get3A_427 = tpu.vector_load %arg13[%get3A_425, %get3A_426] {strides = array<i32>} : memref<128x64xf32, #tpu.memory_space<vmem>>, vector<16xf32>,
        %mul3A_428 = arith.mulf %get3A_427, %gather3A : vector<16xf32>
        %swap3A_429 = arith.index_cast %scan3A_409 : i32 to index
        %swap3A_430 = arith.constant 32 : index
        %swap3A_431 = tpu.vector_load %arg13[%swap3A_429, %swap3A_430] {strides = array<i32>} : memref<128x64xf32, #tpu.memory_space<vmem>>, vector<16xf32>,
        tpu.vector_store %arg13[%swap3A_429, %swap3A_430], %mul3A_428 {strides = array<i32>} : memref<128x64xf32, #tpu.memory_space<vmem>>, vector<16xf32>,
        %get3A_432 = arith.index_cast %scan3A_409 : i32 to index
        %get3A_433 = arith.constant 48 : index
        %get3A_434 = tpu.vector_load %arg13[%get3A_432, %get3A_433] {strides = array<i32>} : memref<128x64xf32, #tpu.memory_space<vmem>>, vector<16xf32>,
        %mul3A_435 = arith.mulf %get3A_434, %gather3A : vector<16xf32>
        %swap3A_436 = arith.index_cast %scan3A_409 : i32 to index
        %swap3A_437 = arith.constant 48 : index
        %swap3A_438 = tpu.vector_load %arg13[%swap3A_436, %swap3A_437] {strides = array<i32>} : memref<128x64xf32, #tpu.memory_space<vmem>>, vector<16xf32>,
        tpu.vector_store %arg13[%swap3A_436, %swap3A_437], %mul3A_435 {strides = array<i32>} : memref<128x64xf32, #tpu.memory_space<vmem>>, vector<16xf32>,
        %eq3A_439 = arith.constant 0 : i32
        %eq3A_440 = vector.broadcast %eq3A_439 : i32 to vector<16xi32>
        %eq3A_441 = arith.cmpi eq, %iota3A, %eq3A_440 : vector<16xi32>
        %jit3A = arith.constant 0.000000e+00 : f32
        %broadcast_in_dim3A_442 = vector.broadcast %jit3A : f32 to vector<16xf32>
        %select_n3A = arith.select %eq3A_441, %gather3A, %broadcast_in_dim3A_442 : vector<16xi1>, vector<16xf32>
        %swap3A_443 = arith.index_cast %scan3A_409 : i32 to index
        %swap3A_444 = arith.constant 0 : index
        %swap3A_445 = tpu.vector_load %arg14[%swap3A_443, %swap3A_444] {strides = array<i32>} : memref<128x16xf32, #tpu.memory_space<vmem>>, vector<16xf32>,
        tpu.vector_store %arg14[%swap3A_443, %swap3A_444], %select_n3A {strides = array<i32>} : memref<128x16xf32, #tpu.memory_space<vmem>>, vector<16xf32>,
      }
      %scan3A_105 = arith.constant 128 : i32
      %dma_start3A_106 = arith.constant 1 : i32
      %dma_start3A_107 = arith.constant 0 : i32
      %dma_start3A_108 = tpu.memref_slice %arg9[%dma_start3A_106, %dma_start3A_107] : memref<8x128xi32, #tpu.memory_space<vmem>> -> memref<1x128xi32, #tpu.memory_space<vmem>>
      %dma_start3A_109 = tpu.memref_squeeze %dma_start3A_108 : memref<1x128xi32, #tpu.memory_space<vmem>> -> memref<128xi32, #tpu.memory_space<vmem>>
      %dma_start3A_110 = arith.constant 0 : i32
      %dma_start3A_111 = arith.constant 0 : i32
      %dma_start3A_112 = tpu.memref_slice %arg17[%dma_start3A_110, %dma_start3A_111] : memref<10000x64xf32, #tpu.memory_space<vmem_shared>> -> memref<10000x64xf32, #tpu.memory_space<vmem_shared>>
      tpu.enqueue_indirect_dma source(%arg13 : memref<128x64xf32, #tpu.memory_space<vmem>>) target(%dma_start3A_112 : memref<10000x64xf32, #tpu.memory_space<vmem_shared>>) offsets(%dma_start3A_109 : memref<128xi32, #tpu.memory_space<vmem>>) semaphore(%arg20 : memref<!tpu.dma_semaphore, #tpu.memory_space<semaphore_mem>>) {add = true}
      %dma_start3A_113 = arith.constant 1 : i32
      %dma_start3A_114 = arith.constant 0 : i32
      %dma_start3A_115 = tpu.memref_slice %arg9[%dma_start3A_113, %dma_start3A_114] : memref<8x128xi32, #tpu.memory_space<vmem>> -> memref<1x128xi32, #tpu.memory_space<vmem>>
      %dma_start3A_116 = tpu.memref_squeeze %dma_start3A_115 : memref<1x128xi32, #tpu.memory_space<vmem>> -> memref<128xi32, #tpu.memory_space<vmem>>
      %dma_start3A_117 = arith.constant 0 : i32
      %dma_start3A_118 = arith.constant 0 : i32
      %dma_start3A_119 = tpu.memref_slice %arg18[%dma_start3A_117, %dma_start3A_118] : memref<10000x16xf32, #tpu.memory_space<vmem_shared>> -> memref<10000x16xf32, #tpu.memory_space<vmem_shared>>
      tpu.enqueue_indirect_dma source(%arg14 : memref<128x16xf32, #tpu.memory_space<vmem>>) target(%dma_start3A_119 : memref<10000x16xf32, #tpu.memory_space<vmem_shared>>) offsets(%dma_start3A_116 : memref<128xi32, #tpu.memory_space<vmem>>) semaphore(%arg22 : memref<!tpu.dma_semaphore, #tpu.memory_space<semaphore_mem>>) {add = true}
      %dma_wait3A_120 = arith.constant 2 : i32
      %dma_wait3A_121 = arith.constant 0 : i32
      %dma_wait3A_122 = tpu.memref_slice %arg11[%dma_wait3A_120, %dma_wait3A_121] : memref<8x128xi32, #tpu.memory_space<vmem>> -> memref<1x128xi32, #tpu.memory_space<vmem>>
      %dma_wait3A_123 = tpu.memref_squeeze %dma_wait3A_122 : memref<1x128xi32, #tpu.memory_space<vmem>> -> memref<128xi32, #tpu.memory_space<vmem>>
      %dma_wait3A_124 = arith.constant 0 : i32
      %dma_wait3A_125 = arith.constant 0 : i32
      %dma_wait3A_126 = tpu.memref_slice %arg5[%dma_wait3A_124, %dma_wait3A_125] : memref<20000x64xf32, #tpu.memory_space<hbm>> -> memref<20000x64xf32, #tpu.memory_space<hbm>>
      tpu.wait_indirect_dma semaphore(%arg21 : memref<!tpu.dma_semaphore, #tpu.memory_space<semaphore_mem>>) src(%dma_wait3A_126 : memref<20000x64xf32, #tpu.memory_space<hbm>>) dst(%arg12 : memref<128x64xf32, #tpu.memory_space<vmem>>)
      %dma_wait3A_127 = arith.constant 1 : i32
      %dma_wait3A_128 = arith.constant 0 : i32
      %dma_wait3A_129 = tpu.memref_slice %arg9[%dma_wait3A_127, %dma_wait3A_128] : memref<8x128xi32, #tpu.memory_space<vmem>> -> memref<1x128xi32, #tpu.memory_space<vmem>>
      %dma_wait3A_130 = tpu.memref_squeeze %dma_wait3A_129 : memref<1x128xi32, #tpu.memory_space<vmem>> -> memref<128xi32, #tpu.memory_space<vmem>>
      %dma_wait3A_131 = arith.constant 0 : i32
      %dma_wait3A_132 = arith.constant 0 : i32
      %dma_wait3A_133 = tpu.memref_slice %arg17[%dma_wait3A_131, %dma_wait3A_132] : memref<10000x64xf32, #tpu.memory_space<vmem_shared>> -> memref<10000x64xf32, #tpu.memory_space<vmem_shared>>
      tpu.wait_indirect_dma semaphore(%arg20 : memref<!tpu.dma_semaphore, #tpu.memory_space<semaphore_mem>>) src(%arg13 : memref<128x64xf32, #tpu.memory_space<vmem>>) dst(%dma_wait3A_133 : memref<10000x64xf32, #tpu.memory_space<vmem_shared>>)
      %dma_start3A_134 = arith.constant 3 : i32
      %dma_start3A_135 = arith.constant 0 : i32
      %dma_start3A_136 = tpu.memref_slice %arg11[%dma_start3A_134, %dma_start3A_135] : memref<8x128xi32, #tpu.memory_space<vmem>> -> memref<1x128xi32, #tpu.memory_space<vmem>>
      %dma_start3A_137 = tpu.memref_squeeze %dma_start3A_136 : memref<1x128xi32, #tpu.memory_space<vmem>> -> memref<128xi32, #tpu.memory_space<vmem>>
      %dma_start3A_138 = arith.constant 0 : i32
      %dma_start3A_139 = arith.constant 0 : i32
      %dma_start3A_140 = tpu.memref_slice %arg5[%dma_start3A_138, %dma_start3A_139] : memref<20000x64xf32, #tpu.memory_space<hbm>> -> memref<20000x64xf32, #tpu.memory_space<hbm>>
      tpu.enqueue_indirect_dma source(%dma_start3A_140 : memref<20000x64xf32, #tpu.memory_space<hbm>>) target(%arg13 : memref<128x64xf32, #tpu.memory_space<vmem>>) offsets(%dma_start3A_137 : memref<128xi32, #tpu.memory_space<vmem>>) semaphore(%arg21 : memref<!tpu.dma_semaphore, #tpu.memory_space<semaphore_mem>>)
      %dma_wait3A_141 = arith.constant 1 : i32
      %dma_wait3A_142 = arith.constant 0 : i32
      %dma_wait3A_143 = tpu.memref_slice %arg9[%dma_wait3A_141, %dma_wait3A_142] : memref<8x128xi32, #tpu.memory_space<vmem>> -> memref<1x128xi32, #tpu.memory_space<vmem>>
      %dma_wait3A_144 = tpu.memref_squeeze %dma_wait3A_143 : memref<1x128xi32, #tpu.memory_space<vmem>> -> memref<128xi32, #tpu.memory_space<vmem>>
      %dma_wait3A_145 = arith.constant 0 : i32
      %dma_wait3A_146 = arith.constant 0 : i32
      %dma_wait3A_147 = tpu.memref_slice %arg18[%dma_wait3A_145, %dma_wait3A_146] : memref<10000x16xf32, #tpu.memory_space<vmem_shared>> -> memref<10000x16xf32, #tpu.memory_space<vmem_shared>>
      tpu.wait_indirect_dma semaphore(%arg22 : memref<!tpu.dma_semaphore, #tpu.memory_space<semaphore_mem>>) src(%arg14 : memref<128x16xf32, #tpu.memory_space<vmem>>) dst(%dma_wait3A_147 : memref<10000x16xf32, #tpu.memory_space<vmem_shared>>)
      %scan3A_148 = arith.constant 0 : i32
      %scan3A_149 = arith.constant 128 : i32
      %scan3A_150 = arith.addi %scan3A_148, %scan3A_149 : i32
      %scan3A_151 = arith.constant 1 : i32
      scf.for %scan3A_409 = %scan3A_148 to %scan3A_150 step %scan3A_151  : i32 {
        %broadcast_in_dim3A_410 = arith.constant 2 : i32
        %broadcast_in_dim3A_411 = vector.broadcast %broadcast_in_dim3A_410 : i32 to vector<16xi32>
        %broadcast_in_dim3A_412 = vector.broadcast %scan3A_409 : i32 to vector<16xi32>
        %gather3A = tpu.vector_load_idx %arg10[%broadcast_in_dim3A_411, %broadcast_in_dim3A_412] : memref<8x128xf32, #tpu.memory_space<vmem>>[vector<16xi32>, vector<16xi32>], vector<16xf32>,
        %get3A = arith.index_cast %scan3A_409 : i32 to index
        %get3A_413 = arith.constant 0 : index
        %get3A_414 = tpu.vector_load %arg12[%get3A, %get3A_413] {strides = array<i32>} : memref<128x64xf32, #tpu.memory_space<vmem>>, vector<16xf32>,
        %mul3A_415 = arith.mulf %get3A_414, %gather3A : vector<16xf32>
        %swap3A = arith.index_cast %scan3A_409 : i32 to index
        %swap3A_416 = arith.constant 0 : index
        %swap3A_417 = tpu.vector_load %arg12[%swap3A, %swap3A_416] {strides = array<i32>} : memref<128x64xf32, #tpu.memory_space<vmem>>, vector<16xf32>,
        tpu.vector_store %arg12[%swap3A, %swap3A_416], %mul3A_415 {strides = array<i32>} : memref<128x64xf32, #tpu.memory_space<vmem>>, vector<16xf32>,
        %get3A_418 = arith.index_cast %scan3A_409 : i32 to index
        %get3A_419 = arith.constant 16 : index
        %get3A_420 = tpu.vector_load %arg12[%get3A_418, %get3A_419] {strides = array<i32>} : memref<128x64xf32, #tpu.memory_space<vmem>>, vector<16xf32>,
        %mul3A_421 = arith.mulf %get3A_420, %gather3A : vector<16xf32>
        %swap3A_422 = arith.index_cast %scan3A_409 : i32 to index
        %swap3A_423 = arith.constant 16 : index
        %swap3A_424 = tpu.vector_load %arg12[%swap3A_422, %swap3A_423] {strides = array<i32>} : memref<128x64xf32, #tpu.memory_space<vmem>>, vector<16xf32>,
        tpu.vector_store %arg12[%swap3A_422, %swap3A_423], %mul3A_421 {strides = array<i32>} : memref<128x64xf32, #tpu.memory_space<vmem>>, vector<16xf32>,
        %get3A_425 = arith.index_cast %scan3A_409 : i32 to index
        %get3A_426 = arith.constant 32 : index
        %get3A_427 = tpu.vector_load %arg12[%get3A_425, %get3A_426] {strides = array<i32>} : memref<128x64xf32, #tpu.memory_space<vmem>>, vector<16xf32>,
        %mul3A_428 = arith.mulf %get3A_427, %gather3A : vector<16xf32>
        %swap3A_429 = arith.index_cast %scan3A_409 : i32 to index
        %swap3A_430 = arith.constant 32 : index
        %swap3A_431 = tpu.vector_load %arg12[%swap3A_429, %swap3A_430] {strides = array<i32>} : memref<128x64xf32, #tpu.memory_space<vmem>>, vector<16xf32>,
        tpu.vector_store %arg12[%swap3A_429, %swap3A_430], %mul3A_428 {strides = array<i32>} : memref<128x64xf32, #tpu.memory_space<vmem>>, vector<16xf32>,
        %get3A_432 = arith.index_cast %scan3A_409 : i32 to index
        %get3A_433 = arith.constant 48 : index
        %get3A_434 = tpu.vector_load %arg12[%get3A_432, %get3A_433] {strides = array<i32>} : memref<128x64xf32, #tpu.memory_space<vmem>>, vector<16xf32>,
        %mul3A_435 = arith.mulf %get3A_434, %gather3A : vector<16xf32>
        %swap3A_436 = arith.index_cast %scan3A_409 : i32 to index
        %swap3A_437 = arith.constant 48 : index
        %swap3A_438 = tpu.vector_load %arg12[%swap3A_436, %swap3A_437] {strides = array<i32>} : memref<128x64xf32, #tpu.memory_space<vmem>>, vector<16xf32>,
        tpu.vector_store %arg12[%swap3A_436, %swap3A_437], %mul3A_435 {strides = array<i32>} : memref<128x64xf32, #tpu.memory_space<vmem>>, vector<16xf32>,
        %eq3A_439 = arith.constant 0 : i32
        %eq3A_440 = vector.broadcast %eq3A_439 : i32 to vector<16xi32>
        %eq3A_441 = arith.cmpi eq, %iota3A, %eq3A_440 : vector<16xi32>
        %jit3A = arith.constant 0.000000e+00 : f32
        %broadcast_in_dim3A_442 = vector.broadcast %jit3A : f32 to vector<16xf32>
        %select_n3A = arith.select %eq3A_441, %gather3A, %broadcast_in_dim3A_442 : vector<16xi1>, vector<16xf32>
        %swap3A_443 = arith.index_cast %scan3A_409 : i32 to index
        %swap3A_444 = arith.constant 0 : index
        %swap3A_445 = tpu.vector_load %arg14[%swap3A_443, %swap3A_444] {strides = array<i32>} : memref<128x16xf32, #tpu.memory_space<vmem>>, vector<16xf32>,
        tpu.vector_store %arg14[%swap3A_443, %swap3A_444], %select_n3A {strides = array<i32>} : memref<128x16xf32, #tpu.memory_space<vmem>>, vector<16xf32>,
      }
      %scan3A_152 = arith.constant 128 : i32
      %dma_start3A_153 = arith.constant 2 : i32
      %dma_start3A_154 = arith.constant 0 : i32
      %dma_start3A_155 = tpu.memref_slice %arg9[%dma_start3A_153, %dma_start3A_154] : memref<8x128xi32, #tpu.memory_space<vmem>> -> memref<1x128xi32, #tpu.memory_space<vmem>>
      %dma_start3A_156 = tpu.memref_squeeze %dma_start3A_155 : memref<1x128xi32, #tpu.memory_space<vmem>> -> memref<128xi32, #tpu.memory_space<vmem>>
      %dma_start3A_157 = arith.constant 0 : i32
      %dma_start3A_158 = arith.constant 0 : i32
      %dma_start3A_159 = tpu.memref_slice %arg17[%dma_start3A_157, %dma_start3A_158] : memref<10000x64xf32, #tpu.memory_space<vmem_shared>> -> memref<10000x64xf32, #tpu.memory_space<vmem_shared>>
      tpu.enqueue_indirect_dma source(%arg12 : memref<128x64xf32, #tpu.memory_space<vmem>>) target(%dma_start3A_159 : memref<10000x64xf32, #tpu.memory_space<vmem_shared>>) offsets(%dma_start3A_156 : memref<128xi32, #tpu.memory_space<vmem>>) semaphore(%arg19 : memref<!tpu.dma_semaphore, #tpu.memory_space<semaphore_mem>>) {add = true}
      %dma_start3A_160 = arith.constant 2 : i32
      %dma_start3A_161 = arith.constant 0 : i32
      %dma_start3A_162 = tpu.memref_slice %arg9[%dma_start3A_160, %dma_start3A_161] : memref<8x128xi32, #tpu.memory_space<vmem>> -> memref<1x128xi32, #tpu.memory_space<vmem>>
      %dma_start3A_163 = tpu.memref_squeeze %dma_start3A_162 : memref<1x128xi32, #tpu.memory_space<vmem>> -> memref<128xi32, #tpu.memory_space<vmem>>
      %dma_start3A_164 = arith.constant 0 : i32
      %dma_start3A_165 = arith.constant 0 : i32
      %dma_start3A_166 = tpu.memref_slice %arg18[%dma_start3A_164, %dma_start3A_165] : memref<10000x16xf32, #tpu.memory_space<vmem_shared>> -> memref<10000x16xf32, #tpu.memory_space<vmem_shared>>
      tpu.enqueue_indirect_dma source(%arg14 : memref<128x16xf32, #tpu.memory_space<vmem>>) target(%dma_start3A_166 : memref<10000x16xf32, #tpu.memory_space<vmem_shared>>) offsets(%dma_start3A_163 : memref<128xi32, #tpu.memory_space<vmem>>) semaphore(%arg22 : memref<!tpu.dma_semaphore, #tpu.memory_space<semaphore_mem>>) {add = true}
      %dma_wait3A_167 = arith.constant 3 : i32
      %dma_wait3A_168 = arith.constant 0 : i32
      %dma_wait3A_169 = tpu.memref_slice %arg11[%dma_wait3A_167, %dma_wait3A_168] : memref<8x128xi32, #tpu.memory_space<vmem>> -> memref<1x128xi32, #tpu.memory_space<vmem>>
      %dma_wait3A_170 = tpu.memref_squeeze %dma_wait3A_169 : memref<1x128xi32, #tpu.memory_space<vmem>> -> memref<128xi32, #tpu.memory_space<vmem>>
      %dma_wait3A_171 = arith.constant 0 : i32
      %dma_wait3A_172 = arith.constant 0 : i32
      %dma_wait3A_173 = tpu.memref_slice %arg5[%dma_wait3A_171, %dma_wait3A_172] : memref<20000x64xf32, #tpu.memory_space<hbm>> -> memref<20000x64xf32, #tpu.memory_space<hbm>>
      tpu.wait_indirect_dma semaphore(%arg21 : memref<!tpu.dma_semaphore, #tpu.memory_space<semaphore_mem>>) src(%dma_wait3A_173 : memref<20000x64xf32, #tpu.memory_space<hbm>>) dst(%arg13 : memref<128x64xf32, #tpu.memory_space<vmem>>)
      %dma_wait3A_174 = arith.constant 2 : i32
      %dma_wait3A_175 = arith.constant 0 : i32
      %dma_wait3A_176 = tpu.memref_slice %arg9[%dma_wait3A_174, %dma_wait3A_175] : memref<8x128xi32, #tpu.memory_space<vmem>> -> memref<1x128xi32, #tpu.memory_space<vmem>>
      %dma_wait3A_177 = tpu.memref_squeeze %dma_wait3A_176 : memref<1x128xi32, #tpu.memory_space<vmem>> -> memref<128xi32, #tpu.memory_space<vmem>>
      %dma_wait3A_178 = arith.constant 0 : i32
      %dma_wait3A_179 = arith.constant 0 : i32
      %dma_wait3A_180 = tpu.memref_slice %arg17[%dma_wait3A_178, %dma_wait3A_179] : memref<10000x64xf32, #tpu.memory_space<vmem_shared>> -> memref<10000x64xf32, #tpu.memory_space<vmem_shared>>
      tpu.wait_indirect_dma semaphore(%arg19 : memref<!tpu.dma_semaphore, #tpu.memory_space<semaphore_mem>>) src(%arg12 : memref<128x64xf32, #tpu.memory_space<vmem>>) dst(%dma_wait3A_180 : memref<10000x64xf32, #tpu.memory_space<vmem_shared>>)
      %dma_start3A_181 = arith.constant 4 : i32
      %dma_start3A_182 = arith.constant 0 : i32
      %dma_start3A_183 = tpu.memref_slice %arg11[%dma_start3A_181, %dma_start3A_182] : memref<8x128xi32, #tpu.memory_space<vmem>> -> memref<1x128xi32, #tpu.memory_space<vmem>>
      %dma_start3A_184 = tpu.memref_squeeze %dma_start3A_183 : memref<1x128xi32, #tpu.memory_space<vmem>> -> memref<128xi32, #tpu.memory_space<vmem>>
      %dma_start3A_185 = arith.constant 0 : i32
      %dma_start3A_186 = arith.constant 0 : i32
      %dma_start3A_187 = tpu.memref_slice %arg5[%dma_start3A_185, %dma_start3A_186] : memref<20000x64xf32, #tpu.memory_space<hbm>> -> memref<20000x64xf32, #tpu.memory_space<hbm>>
      tpu.enqueue_indirect_dma source(%dma_start3A_187 : memref<20000x64xf32, #tpu.memory_space<hbm>>) target(%arg12 : memref<128x64xf32, #tpu.memory_space<vmem>>) offsets(%dma_start3A_184 : memref<128xi32, #tpu.memory_space<vmem>>) semaphore(%arg21 : memref<!tpu.dma_semaphore, #tpu.memory_space<semaphore_mem>>)
      %dma_wait3A_188 = arith.constant 2 : i32
      %dma_wait3A_189 = arith.constant 0 : i32
      %dma_wait3A_190 = tpu.memref_slice %arg9[%dma_wait3A_188, %dma_wait3A_189] : memref<8x128xi32, #tpu.memory_space<vmem>> -> memref<1x128xi32, #tpu.memory_space<vmem>>
      %dma_wait3A_191 = tpu.memref_squeeze %dma_wait3A_190 : memref<1x128xi32, #tpu.memory_space<vmem>> -> memref<128xi32, #tpu.memory_space<vmem>>
      %dma_wait3A_192 = arith.constant 0 : i32
      %dma_wait3A_193 = arith.constant 0 : i32
      %dma_wait3A_194 = tpu.memref_slice %arg18[%dma_wait3A_192, %dma_wait3A_193] : memref<10000x16xf32, #tpu.memory_space<vmem_shared>> -> memref<10000x16xf32, #tpu.memory_space<vmem_shared>>
      tpu.wait_indirect_dma semaphore(%arg22 : memref<!tpu.dma_semaphore, #tpu.memory_space<semaphore_mem>>) src(%arg14 : memref<128x16xf32, #tpu.memory_space<vmem>>) dst(%dma_wait3A_194 : memref<10000x16xf32, #tpu.memory_space<vmem_shared>>)
      %scan3A_195 = arith.constant 0 : i32
      %scan3A_196 = arith.constant 128 : i32
      %scan3A_197 = arith.addi %scan3A_195, %scan3A_196 : i32
      %scan3A_198 = arith.constant 1 : i32
      scf.for %scan3A_409 = %scan3A_195 to %scan3A_197 step %scan3A_198  : i32 {
        %broadcast_in_dim3A_410 = arith.constant 3 : i32
        %broadcast_in_dim3A_411 = vector.broadcast %broadcast_in_dim3A_410 : i32 to vector<16xi32>
        %broadcast_in_dim3A_412 = vector.broadcast %scan3A_409 : i32 to vector<16xi32>
        %gather3A = tpu.vector_load_idx %arg10[%broadcast_in_dim3A_411, %broadcast_in_dim3A_412] : memref<8x128xf32, #tpu.memory_space<vmem>>[vector<16xi32>, vector<16xi32>], vector<16xf32>,
        %get3A = arith.index_cast %scan3A_409 : i32 to index
        %get3A_413 = arith.constant 0 : index
        %get3A_414 = tpu.vector_load %arg13[%get3A, %get3A_413] {strides = array<i32>} : memref<128x64xf32, #tpu.memory_space<vmem>>, vector<16xf32>,
        %mul3A_415 = arith.mulf %get3A_414, %gather3A : vector<16xf32>
        %swap3A = arith.index_cast %scan3A_409 : i32 to index
        %swap3A_416 = arith.constant 0 : index
        %swap3A_417 = tpu.vector_load %arg13[%swap3A, %swap3A_416] {strides = array<i32>} : memref<128x64xf32, #tpu.memory_space<vmem>>, vector<16xf32>,
        tpu.vector_store %arg13[%swap3A, %swap3A_416], %mul3A_415 {strides = array<i32>} : memref<128x64xf32, #tpu.memory_space<vmem>>, vector<16xf32>,
        %get3A_418 = arith.index_cast %scan3A_409 : i32 to index
        %get3A_419 = arith.constant 16 : index
        %get3A_420 = tpu.vector_load %arg13[%get3A_418, %get3A_419] {strides = array<i32>} : memref<128x64xf32, #tpu.memory_space<vmem>>, vector<16xf32>,
        %mul3A_421 = arith.mulf %get3A_420, %gather3A : vector<16xf32>
        %swap3A_422 = arith.index_cast %scan3A_409 : i32 to index
        %swap3A_423 = arith.constant 16 : index
        %swap3A_424 = tpu.vector_load %arg13[%swap3A_422, %swap3A_423] {strides = array<i32>} : memref<128x64xf32, #tpu.memory_space<vmem>>, vector<16xf32>,
        tpu.vector_store %arg13[%swap3A_422, %swap3A_423], %mul3A_421 {strides = array<i32>} : memref<128x64xf32, #tpu.memory_space<vmem>>, vector<16xf32>,
        %get3A_425 = arith.index_cast %scan3A_409 : i32 to index
        %get3A_426 = arith.constant 32 : index
        %get3A_427 = tpu.vector_load %arg13[%get3A_425, %get3A_426] {strides = array<i32>} : memref<128x64xf32, #tpu.memory_space<vmem>>, vector<16xf32>,
        %mul3A_428 = arith.mulf %get3A_427, %gather3A : vector<16xf32>
        %swap3A_429 = arith.index_cast %scan3A_409 : i32 to index
        %swap3A_430 = arith.constant 32 : index
        %swap3A_431 = tpu.vector_load %arg13[%swap3A_429, %swap3A_430] {strides = array<i32>} : memref<128x64xf32, #tpu.memory_space<vmem>>, vector<16xf32>,
        tpu.vector_store %arg13[%swap3A_429, %swap3A_430], %mul3A_428 {strides = array<i32>} : memref<128x64xf32, #tpu.memory_space<vmem>>, vector<16xf32>,
        %get3A_432 = arith.index_cast %scan3A_409 : i32 to index
        %get3A_433 = arith.constant 48 : index
        %get3A_434 = tpu.vector_load %arg13[%get3A_432, %get3A_433] {strides = array<i32>} : memref<128x64xf32, #tpu.memory_space<vmem>>, vector<16xf32>,
        %mul3A_435 = arith.mulf %get3A_434, %gather3A : vector<16xf32>
        %swap3A_436 = arith.index_cast %scan3A_409 : i32 to index
        %swap3A_437 = arith.constant 48 : index
        %swap3A_438 = tpu.vector_load %arg13[%swap3A_436, %swap3A_437] {strides = array<i32>} : memref<128x64xf32, #tpu.memory_space<vmem>>, vector<16xf32>,
        tpu.vector_store %arg13[%swap3A_436, %swap3A_437], %mul3A_435 {strides = array<i32>} : memref<128x64xf32, #tpu.memory_space<vmem>>, vector<16xf32>,
        %eq3A_439 = arith.constant 0 : i32
        %eq3A_440 = vector.broadcast %eq3A_439 : i32 to vector<16xi32>
        %eq3A_441 = arith.cmpi eq, %iota3A, %eq3A_440 : vector<16xi32>
        %jit3A = arith.constant 0.000000e+00 : f32
        %broadcast_in_dim3A_442 = vector.broadcast %jit3A : f32 to vector<16xf32>
        %select_n3A = arith.select %eq3A_441, %gather3A, %broadcast_in_dim3A_442 : vector<16xi1>, vector<16xf32>
        %swap3A_443 = arith.index_cast %scan3A_409 : i32 to index
        %swap3A_444 = arith.constant 0 : index
        %swap3A_445 = tpu.vector_load %arg14[%swap3A_443, %swap3A_444] {strides = array<i32>} : memref<128x16xf32, #tpu.memory_space<vmem>>, vector<16xf32>,
        tpu.vector_store %arg14[%swap3A_443, %swap3A_444], %select_n3A {strides = array<i32>} : memref<128x16xf32, #tpu.memory_space<vmem>>, vector<16xf32>,
      }
      %scan3A_199 = arith.constant 128 : i32
      %dma_start3A_200 = arith.constant 3 : i32
      %dma_start3A_201 = arith.constant 0 : i32
      %dma_start3A_202 = tpu.memref_slice %arg9[%dma_start3A_200, %dma_start3A_201] : memref<8x128xi32, #tpu.memory_space<vmem>> -> memref<1x128xi32, #tpu.memory_space<vmem>>
      %dma_start3A_203 = tpu.memref_squeeze %dma_start3A_202 : memref<1x128xi32, #tpu.memory_space<vmem>> -> memref<128xi32, #tpu.memory_space<vmem>>
      %dma_start3A_204 = arith.constant 0 : i32
      %dma_start3A_205 = arith.constant 0 : i32
      %dma_start3A_206 = tpu.memref_slice %arg17[%dma_start3A_204, %dma_start3A_205] : memref<10000x64xf32, #tpu.memory_space<vmem_shared>> -> memref<10000x64xf32, #tpu.memory_space<vmem_shared>>
      tpu.enqueue_indirect_dma source(%arg13 : memref<128x64xf32, #tpu.memory_space<vmem>>) target(%dma_start3A_206 : memref<10000x64xf32, #tpu.memory_space<vmem_shared>>) offsets(%dma_start3A_203 : memref<128xi32, #tpu.memory_space<vmem>>) semaphore(%arg20 : memref<!tpu.dma_semaphore, #tpu.memory_space<semaphore_mem>>) {add = true}
      %dma_start3A_207 = arith.constant 3 : i32
      %dma_start3A_208 = arith.constant 0 : i32
      %dma_start3A_209 = tpu.memref_slice %arg9[%dma_start3A_207, %dma_start3A_208] : memref<8x128xi32, #tpu.memory_space<vmem>> -> memref<1x128xi32, #tpu.memory_space<vmem>>
      %dma_start3A_210 = tpu.memref_squeeze %dma_start3A_209 : memref<1x128xi32, #tpu.memory_space<vmem>> -> memref<128xi32, #tpu.memory_space<vmem>>
      %dma_start3A_211 = arith.constant 0 : i32
      %dma_start3A_212 = arith.constant 0 : i32
      %dma_start3A_213 = tpu.memref_slice %arg18[%dma_start3A_211, %dma_start3A_212] : memref<10000x16xf32, #tpu.memory_space<vmem_shared>> -> memref<10000x16xf32, #tpu.memory_space<vmem_shared>>
      tpu.enqueue_indirect_dma source(%arg14 : memref<128x16xf32, #tpu.memory_space<vmem>>) target(%dma_start3A_213 : memref<10000x16xf32, #tpu.memory_space<vmem_shared>>) offsets(%dma_start3A_210 : memref<128xi32, #tpu.memory_space<vmem>>) semaphore(%arg22 : memref<!tpu.dma_semaphore, #tpu.memory_space<semaphore_mem>>) {add = true}
      %dma_wait3A_214 = arith.constant 4 : i32
      %dma_wait3A_215 = arith.constant 0 : i32
      %dma_wait3A_216 = tpu.memref_slice %arg11[%dma_wait3A_214, %dma_wait3A_215] : memref<8x128xi32, #tpu.memory_space<vmem>> -> memref<1x128xi32, #tpu.memory_space<vmem>>
      %dma_wait3A_217 = tpu.memref_squeeze %dma_wait3A_216 : memref<1x128xi32, #tpu.memory_space<vmem>> -> memref<128xi32, #tpu.memory_space<vmem>>
      %dma_wait3A_218 = arith.constant 0 : i32
      %dma_wait3A_219 = arith.constant 0 : i32
      %dma_wait3A_220 = tpu.memref_slice %arg5[%dma_wait3A_218, %dma_wait3A_219] : memref<20000x64xf32, #tpu.memory_space<hbm>> -> memref<20000x64xf32, #tpu.memory_space<hbm>>
      tpu.wait_indirect_dma semaphore(%arg21 : memref<!tpu.dma_semaphore, #tpu.memory_space<semaphore_mem>>) src(%dma_wait3A_220 : memref<20000x64xf32, #tpu.memory_space<hbm>>) dst(%arg12 : memref<128x64xf32, #tpu.memory_space<vmem>>)
      %dma_wait3A_221 = arith.constant 3 : i32
      %dma_wait3A_222 = arith.constant 0 : i32
      %dma_wait3A_223 = tpu.memref_slice %arg9[%dma_wait3A_221, %dma_wait3A_222] : memref<8x128xi32, #tpu.memory_space<vmem>> -> memref<1x128xi32, #tpu.memory_space<vmem>>
      %dma_wait3A_224 = tpu.memref_squeeze %dma_wait3A_223 : memref<1x128xi32, #tpu.memory_space<vmem>> -> memref<128xi32, #tpu.memory_space<vmem>>
      %dma_wait3A_225 = arith.constant 0 : i32
      %dma_wait3A_226 = arith.constant 0 : i32
      %dma_wait3A_227 = tpu.memref_slice %arg17[%dma_wait3A_225, %dma_wait3A_226] : memref<10000x64xf32, #tpu.memory_space<vmem_shared>> -> memref<10000x64xf32, #tpu.memory_space<vmem_shared>>
      tpu.wait_indirect_dma semaphore(%arg20 : memref<!tpu.dma_semaphore, #tpu.memory_space<semaphore_mem>>) src(%arg13 : memref<128x64xf32, #tpu.memory_space<vmem>>) dst(%dma_wait3A_227 : memref<10000x64xf32, #tpu.memory_space<vmem_shared>>)
      %dma_start3A_228 = arith.constant 5 : i32
      %dma_start3A_229 = arith.constant 0 : i32
      %dma_start3A_230 = tpu.memref_slice %arg11[%dma_start3A_228, %dma_start3A_229] : memref<8x128xi32, #tpu.memory_space<vmem>> -> memref<1x128xi32, #tpu.memory_space<vmem>>
      %dma_start3A_231 = tpu.memref_squeeze %dma_start3A_230 : memref<1x128xi32, #tpu.memory_space<vmem>> -> memref<128xi32, #tpu.memory_space<vmem>>
      %dma_start3A_232 = arith.constant 0 : i32
      %dma_start3A_233 = arith.constant 0 : i32
      %dma_start3A_234 = tpu.memref_slice %arg5[%dma_start3A_232, %dma_start3A_233] : memref<20000x64xf32, #tpu.memory_space<hbm>> -> memref<20000x64xf32, #tpu.memory_space<hbm>>
      tpu.enqueue_indirect_dma source(%dma_start3A_234 : memref<20000x64xf32, #tpu.memory_space<hbm>>) target(%arg13 : memref<128x64xf32, #tpu.memory_space<vmem>>) offsets(%dma_start3A_231 : memref<128xi32, #tpu.memory_space<vmem>>) semaphore(%arg21 : memref<!tpu.dma_semaphore, #tpu.memory_space<semaphore_mem>>)
      %dma_wait3A_235 = arith.constant 3 : i32
      %dma_wait3A_236 = arith.constant 0 : i32
      %dma_wait3A_237 = tpu.memref_slice %arg9[%dma_wait3A_235, %dma_wait3A_236] : memref<8x128xi32, #tpu.memory_space<vmem>> -> memref<1x128xi32, #tpu.memory_space<vmem>>
      %dma_wait3A_238 = tpu.memref_squeeze %dma_wait3A_237 : memref<1x128xi32, #tpu.memory_space<vmem>> -> memref<128xi32, #tpu.memory_space<vmem>>
      %dma_wait3A_239 = arith.constant 0 : i32
      %dma_wait3A_240 = arith.constant 0 : i32
      %dma_wait3A_241 = tpu.memref_slice %arg18[%dma_wait3A_239, %dma_wait3A_240] : memref<10000x16xf32, #tpu.memory_space<vmem_shared>> -> memref<10000x16xf32, #tpu.memory_space<vmem_shared>>
      tpu.wait_indirect_dma semaphore(%arg22 : memref<!tpu.dma_semaphore, #tpu.memory_space<semaphore_mem>>) src(%arg14 : memref<128x16xf32, #tpu.memory_space<vmem>>) dst(%dma_wait3A_241 : memref<10000x16xf32, #tpu.memory_space<vmem_shared>>)
      %scan3A_242 = arith.constant 0 : i32
      %scan3A_243 = arith.constant 128 : i32
      %scan3A_244 = arith.addi %scan3A_242, %scan3A_243 : i32
      %scan3A_245 = arith.constant 1 : i32
      scf.for %scan3A_409 = %scan3A_242 to %scan3A_244 step %scan3A_245  : i32 {
        %broadcast_in_dim3A_410 = arith.constant 4 : i32
        %broadcast_in_dim3A_411 = vector.broadcast %broadcast_in_dim3A_410 : i32 to vector<16xi32>
        %broadcast_in_dim3A_412 = vector.broadcast %scan3A_409 : i32 to vector<16xi32>
        %gather3A = tpu.vector_load_idx %arg10[%broadcast_in_dim3A_411, %broadcast_in_dim3A_412] : memref<8x128xf32, #tpu.memory_space<vmem>>[vector<16xi32>, vector<16xi32>], vector<16xf32>,
        %get3A = arith.index_cast %scan3A_409 : i32 to index
        %get3A_413 = arith.constant 0 : index
        %get3A_414 = tpu.vector_load %arg12[%get3A, %get3A_413] {strides = array<i32>} : memref<128x64xf32, #tpu.memory_space<vmem>>, vector<16xf32>,
        %mul3A_415 = arith.mulf %get3A_414, %gather3A : vector<16xf32>
        %swap3A = arith.index_cast %scan3A_409 : i32 to index
        %swap3A_416 = arith.constant 0 : index
        %swap3A_417 = tpu.vector_load %arg12[%swap3A, %swap3A_416] {strides = array<i32>} : memref<128x64xf32, #tpu.memory_space<vmem>>, vector<16xf32>,
        tpu.vector_store %arg12[%swap3A, %swap3A_416], %mul3A_415 {strides = array<i32>} : memref<128x64xf32, #tpu.memory_space<vmem>>, vector<16xf32>,
        %get3A_418 = arith.index_cast %scan3A_409 : i32 to index
        %get3A_419 = arith.constant 16 : index
        %get3A_420 = tpu.vector_load %arg12[%get3A_418, %get3A_419] {strides = array<i32>} : memref<128x64xf32, #tpu.memory_space<vmem>>, vector<16xf32>,
        %mul3A_421 = arith.mulf %get3A_420, %gather3A : vector<16xf32>
        %swap3A_422 = arith.index_cast %scan3A_409 : i32 to index
        %swap3A_423 = arith.constant 16 : index
        %swap3A_424 = tpu.vector_load %arg12[%swap3A_422, %swap3A_423] {strides = array<i32>} : memref<128x64xf32, #tpu.memory_space<vmem>>, vector<16xf32>,
        tpu.vector_store %arg12[%swap3A_422, %swap3A_423], %mul3A_421 {strides = array<i32>} : memref<128x64xf32, #tpu.memory_space<vmem>>, vector<16xf32>,
        %get3A_425 = arith.index_cast %scan3A_409 : i32 to index
        %get3A_426 = arith.constant 32 : index
        %get3A_427 = tpu.vector_load %arg12[%get3A_425, %get3A_426] {strides = array<i32>} : memref<128x64xf32, #tpu.memory_space<vmem>>, vector<16xf32>,
        %mul3A_428 = arith.mulf %get3A_427, %gather3A : vector<16xf32>
        %swap3A_429 = arith.index_cast %scan3A_409 : i32 to index
        %swap3A_430 = arith.constant 32 : index
        %swap3A_431 = tpu.vector_load %arg12[%swap3A_429, %swap3A_430] {strides = array<i32>} : memref<128x64xf32, #tpu.memory_space<vmem>>, vector<16xf32>,
        tpu.vector_store %arg12[%swap3A_429, %swap3A_430], %mul3A_428 {strides = array<i32>} : memref<128x64xf32, #tpu.memory_space<vmem>>, vector<16xf32>,
        %get3A_432 = arith.index_cast %scan3A_409 : i32 to index
        %get3A_433 = arith.constant 48 : index
        %get3A_434 = tpu.vector_load %arg12[%get3A_432, %get3A_433] {strides = array<i32>} : memref<128x64xf32, #tpu.memory_space<vmem>>, vector<16xf32>,
        %mul3A_435 = arith.mulf %get3A_434, %gather3A : vector<16xf32>
        %swap3A_436 = arith.index_cast %scan3A_409 : i32 to index
        %swap3A_437 = arith.constant 48 : index
        %swap3A_438 = tpu.vector_load %arg12[%swap3A_436, %swap3A_437] {strides = array<i32>} : memref<128x64xf32, #tpu.memory_space<vmem>>, vector<16xf32>,
        tpu.vector_store %arg12[%swap3A_436, %swap3A_437], %mul3A_435 {strides = array<i32>} : memref<128x64xf32, #tpu.memory_space<vmem>>, vector<16xf32>,
        %eq3A_439 = arith.constant 0 : i32
        %eq3A_440 = vector.broadcast %eq3A_439 : i32 to vector<16xi32>
        %eq3A_441 = arith.cmpi eq, %iota3A, %eq3A_440 : vector<16xi32>
        %jit3A = arith.constant 0.000000e+00 : f32
        %broadcast_in_dim3A_442 = vector.broadcast %jit3A : f32 to vector<16xf32>
        %select_n3A = arith.select %eq3A_441, %gather3A, %broadcast_in_dim3A_442 : vector<16xi1>, vector<16xf32>
        %swap3A_443 = arith.index_cast %scan3A_409 : i32 to index
        %swap3A_444 = arith.constant 0 : index
        %swap3A_445 = tpu.vector_load %arg14[%swap3A_443, %swap3A_444] {strides = array<i32>} : memref<128x16xf32, #tpu.memory_space<vmem>>, vector<16xf32>,
        tpu.vector_store %arg14[%swap3A_443, %swap3A_444], %select_n3A {strides = array<i32>} : memref<128x16xf32, #tpu.memory_space<vmem>>, vector<16xf32>,
      }
      %scan3A_246 = arith.constant 128 : i32
      %dma_start3A_247 = arith.constant 4 : i32
      %dma_start3A_248 = arith.constant 0 : i32
      %dma_start3A_249 = tpu.memref_slice %arg9[%dma_start3A_247, %dma_start3A_248] : memref<8x128xi32, #tpu.memory_space<vmem>> -> memref<1x128xi32, #tpu.memory_space<vmem>>
      %dma_start3A_250 = tpu.memref_squeeze %dma_start3A_249 : memref<1x128xi32, #tpu.memory_space<vmem>> -> memref<128xi32, #tpu.memory_space<vmem>>
      %dma_start3A_251 = arith.constant 0 : i32
      %dma_start3A_252 = arith.constant 0 : i32
      %dma_start3A_253 = tpu.memref_slice %arg17[%dma_start3A_251, %dma_start3A_252] : memref<10000x64xf32, #tpu.memory_space<vmem_shared>> -> memref<10000x64xf32, #tpu.memory_space<vmem_shared>>
      tpu.enqueue_indirect_dma source(%arg12 : memref<128x64xf32, #tpu.memory_space<vmem>>) target(%dma_start3A_253 : memref<10000x64xf32, #tpu.memory_space<vmem_shared>>) offsets(%dma_start3A_250 : memref<128xi32, #tpu.memory_space<vmem>>) semaphore(%arg19 : memref<!tpu.dma_semaphore, #tpu.memory_space<semaphore_mem>>) {add = true}
      %dma_start3A_254 = arith.constant 4 : i32
      %dma_start3A_255 = arith.constant 0 : i32
      %dma_start3A_256 = tpu.memref_slice %arg9[%dma_start3A_254, %dma_start3A_255] : memref<8x128xi32, #tpu.memory_space<vmem>> -> memref<1x128xi32, #tpu.memory_space<vmem>>
      %dma_start3A_257 = tpu.memref_squeeze %dma_start3A_256 : memref<1x128xi32, #tpu.memory_space<vmem>> -> memref<128xi32, #tpu.memory_space<vmem>>
      %dma_start3A_258 = arith.constant 0 : i32
      %dma_start3A_259 = arith.constant 0 : i32
      %dma_start3A_260 = tpu.memref_slice %arg18[%dma_start3A_258, %dma_start3A_259] : memref<10000x16xf32, #tpu.memory_space<vmem_shared>> -> memref<10000x16xf32, #tpu.memory_space<vmem_shared>>
      tpu.enqueue_indirect_dma source(%arg14 : memref<128x16xf32, #tpu.memory_space<vmem>>) target(%dma_start3A_260 : memref<10000x16xf32, #tpu.memory_space<vmem_shared>>) offsets(%dma_start3A_257 : memref<128xi32, #tpu.memory_space<vmem>>) semaphore(%arg22 : memref<!tpu.dma_semaphore, #tpu.memory_space<semaphore_mem>>) {add = true}
      %dma_wait3A_261 = arith.constant 5 : i32
      %dma_wait3A_262 = arith.constant 0 : i32
      %dma_wait3A_263 = tpu.memref_slice %arg11[%dma_wait3A_261, %dma_wait3A_262] : memref<8x128xi32, #tpu.memory_space<vmem>> -> memref<1x128xi32, #tpu.memory_space<vmem>>
      %dma_wait3A_264 = tpu.memref_squeeze %dma_wait3A_263 : memref<1x128xi32, #tpu.memory_space<vmem>> -> memref<128xi32, #tpu.memory_space<vmem>>
      %dma_wait3A_265 = arith.constant 0 : i32
      %dma_wait3A_266 = arith.constant 0 : i32
      %dma_wait3A_267 = tpu.memref_slice %arg5[%dma_wait3A_265, %dma_wait3A_266] : memref<20000x64xf32, #tpu.memory_space<hbm>> -> memref<20000x64xf32, #tpu.memory_space<hbm>>
      tpu.wait_indirect_dma semaphore(%arg21 : memref<!tpu.dma_semaphore, #tpu.memory_space<semaphore_mem>>) src(%dma_wait3A_267 : memref<20000x64xf32, #tpu.memory_space<hbm>>) dst(%arg13 : memref<128x64xf32, #tpu.memory_space<vmem>>)
      %dma_wait3A_268 = arith.constant 4 : i32
      %dma_wait3A_269 = arith.constant 0 : i32
      %dma_wait3A_270 = tpu.memref_slice %arg9[%dma_wait3A_268, %dma_wait3A_269] : memref<8x128xi32, #tpu.memory_space<vmem>> -> memref<1x128xi32, #tpu.memory_space<vmem>>
      %dma_wait3A_271 = tpu.memref_squeeze %dma_wait3A_270 : memref<1x128xi32, #tpu.memory_space<vmem>> -> memref<128xi32, #tpu.memory_space<vmem>>
      %dma_wait3A_272 = arith.constant 0 : i32
      %dma_wait3A_273 = arith.constant 0 : i32
      %dma_wait3A_274 = tpu.memref_slice %arg17[%dma_wait3A_272, %dma_wait3A_273] : memref<10000x64xf32, #tpu.memory_space<vmem_shared>> -> memref<10000x64xf32, #tpu.memory_space<vmem_shared>>
      tpu.wait_indirect_dma semaphore(%arg19 : memref<!tpu.dma_semaphore, #tpu.memory_space<semaphore_mem>>) src(%arg12 : memref<128x64xf32, #tpu.memory_space<vmem>>) dst(%dma_wait3A_274 : memref<10000x64xf32, #tpu.memory_space<vmem_shared>>)
      %dma_start3A_275 = arith.constant 6 : i32
      %dma_start3A_276 = arith.constant 0 : i32
      %dma_start3A_277 = tpu.memref_slice %arg11[%dma_start3A_275, %dma_start3A_276] : memref<8x128xi32, #tpu.memory_space<vmem>> -> memref<1x128xi32, #tpu.memory_space<vmem>>
      %dma_start3A_278 = tpu.memref_squeeze %dma_start3A_277 : memref<1x128xi32, #tpu.memory_space<vmem>> -> memref<128xi32, #tpu.memory_space<vmem>>
      %dma_start3A_279 = arith.constant 0 : i32
      %dma_start3A_280 = arith.constant 0 : i32
      %dma_start3A_281 = tpu.memref_slice %arg5[%dma_start3A_279, %dma_start3A_280] : memref<20000x64xf32, #tpu.memory_space<hbm>> -> memref<20000x64xf32, #tpu.memory_space<hbm>>
      tpu.enqueue_indirect_dma source(%dma_start3A_281 : memref<20000x64xf32, #tpu.memory_space<hbm>>) target(%arg12 : memref<128x64xf32, #tpu.memory_space<vmem>>) offsets(%dma_start3A_278 : memref<128xi32, #tpu.memory_space<vmem>>) semaphore(%arg21 : memref<!tpu.dma_semaphore, #tpu.memory_space<semaphore_mem>>)
      %dma_wait3A_282 = arith.constant 4 : i32
      %dma_wait3A_283 = arith.constant 0 : i32
      %dma_wait3A_284 = tpu.memref_slice %arg9[%dma_wait3A_282, %dma_wait3A_283] : memref<8x128xi32, #tpu.memory_space<vmem>> -> memref<1x128xi32, #tpu.memory_space<vmem>>
      %dma_wait3A_285 = tpu.memref_squeeze %dma_wait3A_284 : memref<1x128xi32, #tpu.memory_space<vmem>> -> memref<128xi32, #tpu.memory_space<vmem>>
      %dma_wait3A_286 = arith.constant 0 : i32
      %dma_wait3A_287 = arith.constant 0 : i32
      %dma_wait3A_288 = tpu.memref_slice %arg18[%dma_wait3A_286, %dma_wait3A_287] : memref<10000x16xf32, #tpu.memory_space<vmem_shared>> -> memref<10000x16xf32, #tpu.memory_space<vmem_shared>>
      tpu.wait_indirect_dma semaphore(%arg22 : memref<!tpu.dma_semaphore, #tpu.memory_space<semaphore_mem>>) src(%arg14 : memref<128x16xf32, #tpu.memory_space<vmem>>) dst(%dma_wait3A_288 : memref<10000x16xf32, #tpu.memory_space<vmem_shared>>)
      %scan3A_289 = arith.constant 0 : i32
      %scan3A_290 = arith.constant 128 : i32
      %scan3A_291 = arith.addi %scan3A_289, %scan3A_290 : i32
      %scan3A_292 = arith.constant 1 : i32
      scf.for %scan3A_409 = %scan3A_289 to %scan3A_291 step %scan3A_292  : i32 {
        %broadcast_in_dim3A_410 = arith.constant 5 : i32
        %broadcast_in_dim3A_411 = vector.broadcast %broadcast_in_dim3A_410 : i32 to vector<16xi32>
        %broadcast_in_dim3A_412 = vector.broadcast %scan3A_409 : i32 to vector<16xi32>
        %gather3A = tpu.vector_load_idx %arg10[%broadcast_in_dim3A_411, %broadcast_in_dim3A_412] : memref<8x128xf32, #tpu.memory_space<vmem>>[vector<16xi32>, vector<16xi32>], vector<16xf32>,
        %get3A = arith.index_cast %scan3A_409 : i32 to index
        %get3A_413 = arith.constant 0 : index
        %get3A_414 = tpu.vector_load %arg13[%get3A, %get3A_413] {strides = array<i32>} : memref<128x64xf32, #tpu.memory_space<vmem>>, vector<16xf32>,
        %mul3A_415 = arith.mulf %get3A_414, %gather3A : vector<16xf32>
        %swap3A = arith.index_cast %scan3A_409 : i32 to index
        %swap3A_416 = arith.constant 0 : index
        %swap3A_417 = tpu.vector_load %arg13[%swap3A, %swap3A_416] {strides = array<i32>} : memref<128x64xf32, #tpu.memory_space<vmem>>, vector<16xf32>,
        tpu.vector_store %arg13[%swap3A, %swap3A_416], %mul3A_415 {strides = array<i32>} : memref<128x64xf32, #tpu.memory_space<vmem>>, vector<16xf32>,
        %get3A_418 = arith.index_cast %scan3A_409 : i32 to index
        %get3A_419 = arith.constant 16 : index
        %get3A_420 = tpu.vector_load %arg13[%get3A_418, %get3A_419] {strides = array<i32>} : memref<128x64xf32, #tpu.memory_space<vmem>>, vector<16xf32>,
        %mul3A_421 = arith.mulf %get3A_420, %gather3A : vector<16xf32>
        %swap3A_422 = arith.index_cast %scan3A_409 : i32 to index
        %swap3A_423 = arith.constant 16 : index
        %swap3A_424 = tpu.vector_load %arg13[%swap3A_422, %swap3A_423] {strides = array<i32>} : memref<128x64xf32, #tpu.memory_space<vmem>>, vector<16xf32>,
        tpu.vector_store %arg13[%swap3A_422, %swap3A_423], %mul3A_421 {strides = array<i32>} : memref<128x64xf32, #tpu.memory_space<vmem>>, vector<16xf32>,
        %get3A_425 = arith.index_cast %scan3A_409 : i32 to index
        %get3A_426 = arith.constant 32 : index
        %get3A_427 = tpu.vector_load %arg13[%get3A_425, %get3A_426] {strides = array<i32>} : memref<128x64xf32, #tpu.memory_space<vmem>>, vector<16xf32>,
        %mul3A_428 = arith.mulf %get3A_427, %gather3A : vector<16xf32>
        %swap3A_429 = arith.index_cast %scan3A_409 : i32 to index
        %swap3A_430 = arith.constant 32 : index
        %swap3A_431 = tpu.vector_load %arg13[%swap3A_429, %swap3A_430] {strides = array<i32>} : memref<128x64xf32, #tpu.memory_space<vmem>>, vector<16xf32>,
        tpu.vector_store %arg13[%swap3A_429, %swap3A_430], %mul3A_428 {strides = array<i32>} : memref<128x64xf32, #tpu.memory_space<vmem>>, vector<16xf32>,
        %get3A_432 = arith.index_cast %scan3A_409 : i32 to index
        %get3A_433 = arith.constant 48 : index
        %get3A_434 = tpu.vector_load %arg13[%get3A_432, %get3A_433] {strides = array<i32>} : memref<128x64xf32, #tpu.memory_space<vmem>>, vector<16xf32>,
        %mul3A_435 = arith.mulf %get3A_434, %gather3A : vector<16xf32>
        %swap3A_436 = arith.index_cast %scan3A_409 : i32 to index
        %swap3A_437 = arith.constant 48 : index
        %swap3A_438 = tpu.vector_load %arg13[%swap3A_436, %swap3A_437] {strides = array<i32>} : memref<128x64xf32, #tpu.memory_space<vmem>>, vector<16xf32>,
        tpu.vector_store %arg13[%swap3A_436, %swap3A_437], %mul3A_435 {strides = array<i32>} : memref<128x64xf32, #tpu.memory_space<vmem>>, vector<16xf32>,
        %eq3A_439 = arith.constant 0 : i32
        %eq3A_440 = vector.broadcast %eq3A_439 : i32 to vector<16xi32>
        %eq3A_441 = arith.cmpi eq, %iota3A, %eq3A_440 : vector<16xi32>
        %jit3A = arith.constant 0.000000e+00 : f32
        %broadcast_in_dim3A_442 = vector.broadcast %jit3A : f32 to vector<16xf32>
        %select_n3A = arith.select %eq3A_441, %gather3A, %broadcast_in_dim3A_442 : vector<16xi1>, vector<16xf32>
        %swap3A_443 = arith.index_cast %scan3A_409 : i32 to index
        %swap3A_444 = arith.constant 0 : index
        %swap3A_445 = tpu.vector_load %arg14[%swap3A_443, %swap3A_444] {strides = array<i32>} : memref<128x16xf32, #tpu.memory_space<vmem>>, vector<16xf32>,
        tpu.vector_store %arg14[%swap3A_443, %swap3A_444], %select_n3A {strides = array<i32>} : memref<128x16xf32, #tpu.memory_space<vmem>>, vector<16xf32>,
      }
      %scan3A_293 = arith.constant 128 : i32
      %dma_start3A_294 = arith.constant 5 : i32
      %dma_start3A_295 = arith.constant 0 : i32
      %dma_start3A_296 = tpu.memref_slice %arg9[%dma_start3A_294, %dma_start3A_295] : memref<8x128xi32, #tpu.memory_space<vmem>> -> memref<1x128xi32, #tpu.memory_space<vmem>>
      %dma_start3A_297 = tpu.memref_squeeze %dma_start3A_296 : memref<1x128xi32, #tpu.memory_space<vmem>> -> memref<128xi32, #tpu.memory_space<vmem>>
      %dma_start3A_298 = arith.constant 0 : i32
      %dma_start3A_299 = arith.constant 0 : i32
      %dma_start3A_300 = tpu.memref_slice %arg17[%dma_start3A_298, %dma_start3A_299] : memref<10000x64xf32, #tpu.memory_space<vmem_shared>> -> memref<10000x64xf32, #tpu.memory_space<vmem_shared>>
      tpu.enqueue_indirect_dma source(%arg13 : memref<128x64xf32, #tpu.memory_space<vmem>>) target(%dma_start3A_300 : memref<10000x64xf32, #tpu.memory_space<vmem_shared>>) offsets(%dma_start3A_297 : memref<128xi32, #tpu.memory_space<vmem>>) semaphore(%arg20 : memref<!tpu.dma_semaphore, #tpu.memory_space<semaphore_mem>>) {add = true}
      %dma_start3A_301 = arith.constant 5 : i32
      %dma_start3A_302 = arith.constant 0 : i32
      %dma_start3A_303 = tpu.memref_slice %arg9[%dma_start3A_301, %dma_start3A_302] : memref<8x128xi32, #tpu.memory_space<vmem>> -> memref<1x128xi32, #tpu.memory_space<vmem>>
      %dma_start3A_304 = tpu.memref_squeeze %dma_start3A_303 : memref<1x128xi32, #tpu.memory_space<vmem>> -> memref<128xi32, #tpu.memory_space<vmem>>
      %dma_start3A_305 = arith.constant 0 : i32
      %dma_start3A_306 = arith.constant 0 : i32
      %dma_start3A_307 = tpu.memref_slice %arg18[%dma_start3A_305, %dma_start3A_306] : memref<10000x16xf32, #tpu.memory_space<vmem_shared>> -> memref<10000x16xf32, #tpu.memory_space<vmem_shared>>
      tpu.enqueue_indirect_dma source(%arg14 : memref<128x16xf32, #tpu.memory_space<vmem>>) target(%dma_start3A_307 : memref<10000x16xf32, #tpu.memory_space<vmem_shared>>) offsets(%dma_start3A_304 : memref<128xi32, #tpu.memory_space<vmem>>) semaphore(%arg22 : memref<!tpu.dma_semaphore, #tpu.memory_space<semaphore_mem>>) {add = true}
      %dma_wait3A_308 = arith.constant 6 : i32
      %dma_wait3A_309 = arith.constant 0 : i32
      %dma_wait3A_310 = tpu.memref_slice %arg11[%dma_wait3A_308, %dma_wait3A_309] : memref<8x128xi32, #tpu.memory_space<vmem>> -> memref<1x128xi32, #tpu.memory_space<vmem>>
      %dma_wait3A_311 = tpu.memref_squeeze %dma_wait3A_310 : memref<1x128xi32, #tpu.memory_space<vmem>> -> memref<128xi32, #tpu.memory_space<vmem>>
      %dma_wait3A_312 = arith.constant 0 : i32
      %dma_wait3A_313 = arith.constant 0 : i32
      %dma_wait3A_314 = tpu.memref_slice %arg5[%dma_wait3A_312, %dma_wait3A_313] : memref<20000x64xf32, #tpu.memory_space<hbm>> -> memref<20000x64xf32, #tpu.memory_space<hbm>>
      tpu.wait_indirect_dma semaphore(%arg21 : memref<!tpu.dma_semaphore, #tpu.memory_space<semaphore_mem>>) src(%dma_wait3A_314 : memref<20000x64xf32, #tpu.memory_space<hbm>>) dst(%arg12 : memref<128x64xf32, #tpu.memory_space<vmem>>)
      %dma_wait3A_315 = arith.constant 5 : i32
      %dma_wait3A_316 = arith.constant 0 : i32
      %dma_wait3A_317 = tpu.memref_slice %arg9[%dma_wait3A_315, %dma_wait3A_316] : memref<8x128xi32, #tpu.memory_space<vmem>> -> memref<1x128xi32, #tpu.memory_space<vmem>>
      %dma_wait3A_318 = tpu.memref_squeeze %dma_wait3A_317 : memref<1x128xi32, #tpu.memory_space<vmem>> -> memref<128xi32, #tpu.memory_space<vmem>>
      %dma_wait3A_319 = arith.constant 0 : i32
      %dma_wait3A_320 = arith.constant 0 : i32
      %dma_wait3A_321 = tpu.memref_slice %arg17[%dma_wait3A_319, %dma_wait3A_320] : memref<10000x64xf32, #tpu.memory_space<vmem_shared>> -> memref<10000x64xf32, #tpu.memory_space<vmem_shared>>
      tpu.wait_indirect_dma semaphore(%arg20 : memref<!tpu.dma_semaphore, #tpu.memory_space<semaphore_mem>>) src(%arg13 : memref<128x64xf32, #tpu.memory_space<vmem>>) dst(%dma_wait3A_321 : memref<10000x64xf32, #tpu.memory_space<vmem_shared>>)
      %dma_start3A_322 = arith.constant 7 : i32
      %dma_start3A_323 = arith.constant 0 : i32
      %dma_start3A_324 = tpu.memref_slice %arg11[%dma_start3A_322, %dma_start3A_323] : memref<8x128xi32, #tpu.memory_space<vmem>> -> memref<1x128xi32, #tpu.memory_space<vmem>>
      %dma_start3A_325 = tpu.memref_squeeze %dma_start3A_324 : memref<1x128xi32, #tpu.memory_space<vmem>> -> memref<128xi32, #tpu.memory_space<vmem>>
      %dma_start3A_326 = arith.constant 0 : i32
      %dma_start3A_327 = arith.constant 0 : i32
      %dma_start3A_328 = tpu.memref_slice %arg5[%dma_start3A_326, %dma_start3A_327] : memref<20000x64xf32, #tpu.memory_space<hbm>> -> memref<20000x64xf32, #tpu.memory_space<hbm>>
      tpu.enqueue_indirect_dma source(%dma_start3A_328 : memref<20000x64xf32, #tpu.memory_space<hbm>>) target(%arg13 : memref<128x64xf32, #tpu.memory_space<vmem>>) offsets(%dma_start3A_325 : memref<128xi32, #tpu.memory_space<vmem>>) semaphore(%arg21 : memref<!tpu.dma_semaphore, #tpu.memory_space<semaphore_mem>>)
      %dma_wait3A_329 = arith.constant 5 : i32
      %dma_wait3A_330 = arith.constant 0 : i32
      %dma_wait3A_331 = tpu.memref_slice %arg9[%dma_wait3A_329, %dma_wait3A_330] : memref<8x128xi32, #tpu.memory_space<vmem>> -> memref<1x128xi32, #tpu.memory_space<vmem>>
      %dma_wait3A_332 = tpu.memref_squeeze %dma_wait3A_331 : memref<1x128xi32, #tpu.memory_space<vmem>> -> memref<128xi32, #tpu.memory_space<vmem>>
      %dma_wait3A_333 = arith.constant 0 : i32
      %dma_wait3A_334 = arith.constant 0 : i32
      %dma_wait3A_335 = tpu.memref_slice %arg18[%dma_wait3A_333, %dma_wait3A_334] : memref<10000x16xf32, #tpu.memory_space<vmem_shared>> -> memref<10000x16xf32, #tpu.memory_space<vmem_shared>>
      tpu.wait_indirect_dma semaphore(%arg22 : memref<!tpu.dma_semaphore, #tpu.memory_space<semaphore_mem>>) src(%arg14 : memref<128x16xf32, #tpu.memory_space<vmem>>) dst(%dma_wait3A_335 : memref<10000x16xf32, #tpu.memory_space<vmem_shared>>)
      %scan3A_336 = arith.constant 0 : i32
      %scan3A_337 = arith.constant 128 : i32
      %scan3A_338 = arith.addi %scan3A_336, %scan3A_337 : i32
      %scan3A_339 = arith.constant 1 : i32
      scf.for %scan3A_409 = %scan3A_336 to %scan3A_338 step %scan3A_339  : i32 {
        %broadcast_in_dim3A_410 = arith.constant 6 : i32
        %broadcast_in_dim3A_411 = vector.broadcast %broadcast_in_dim3A_410 : i32 to vector<16xi32>
        %broadcast_in_dim3A_412 = vector.broadcast %scan3A_409 : i32 to vector<16xi32>
        %gather3A = tpu.vector_load_idx %arg10[%broadcast_in_dim3A_411, %broadcast_in_dim3A_412] : memref<8x128xf32, #tpu.memory_space<vmem>>[vector<16xi32>, vector<16xi32>], vector<16xf32>,
        %get3A = arith.index_cast %scan3A_409 : i32 to index
        %get3A_413 = arith.constant 0 : index
        %get3A_414 = tpu.vector_load %arg12[%get3A, %get3A_413] {strides = array<i32>} : memref<128x64xf32, #tpu.memory_space<vmem>>, vector<16xf32>,
        %mul3A_415 = arith.mulf %get3A_414, %gather3A : vector<16xf32>
        %swap3A = arith.index_cast %scan3A_409 : i32 to index
        %swap3A_416 = arith.constant 0 : index
        %swap3A_417 = tpu.vector_load %arg12[%swap3A, %swap3A_416] {strides = array<i32>} : memref<128x64xf32, #tpu.memory_space<vmem>>, vector<16xf32>,
        tpu.vector_store %arg12[%swap3A, %swap3A_416], %mul3A_415 {strides = array<i32>} : memref<128x64xf32, #tpu.memory_space<vmem>>, vector<16xf32>,
        %get3A_418 = arith.index_cast %scan3A_409 : i32 to index
        %get3A_419 = arith.constant 16 : index
        %get3A_420 = tpu.vector_load %arg12[%get3A_418, %get3A_419] {strides = array<i32>} : memref<128x64xf32, #tpu.memory_space<vmem>>, vector<16xf32>,
        %mul3A_421 = arith.mulf %get3A_420, %gather3A : vector<16xf32>
        %swap3A_422 = arith.index_cast %scan3A_409 : i32 to index
        %swap3A_423 = arith.constant 16 : index
        %swap3A_424 = tpu.vector_load %arg12[%swap3A_422, %swap3A_423] {strides = array<i32>} : memref<128x64xf32, #tpu.memory_space<vmem>>, vector<16xf32>,
        tpu.vector_store %arg12[%swap3A_422, %swap3A_423], %mul3A_421 {strides = array<i32>} : memref<128x64xf32, #tpu.memory_space<vmem>>, vector<16xf32>,
        %get3A_425 = arith.index_cast %scan3A_409 : i32 to index
        %get3A_426 = arith.constant 32 : index
        %get3A_427 = tpu.vector_load %arg12[%get3A_425, %get3A_426] {strides = array<i32>} : memref<128x64xf32, #tpu.memory_space<vmem>>, vector<16xf32>,
        %mul3A_428 = arith.mulf %get3A_427, %gather3A : vector<16xf32>
        %swap3A_429 = arith.index_cast %scan3A_409 : i32 to index
        %swap3A_430 = arith.constant 32 : index
        %swap3A_431 = tpu.vector_load %arg12[%swap3A_429, %swap3A_430] {strides = array<i32>} : memref<128x64xf32, #tpu.memory_space<vmem>>, vector<16xf32>,
        tpu.vector_store %arg12[%swap3A_429, %swap3A_430], %mul3A_428 {strides = array<i32>} : memref<128x64xf32, #tpu.memory_space<vmem>>, vector<16xf32>,
        %get3A_432 = arith.index_cast %scan3A_409 : i32 to index
        %get3A_433 = arith.constant 48 : index
        %get3A_434 = tpu.vector_load %arg12[%get3A_432, %get3A_433] {strides = array<i32>} : memref<128x64xf32, #tpu.memory_space<vmem>>, vector<16xf32>,
        %mul3A_435 = arith.mulf %get3A_434, %gather3A : vector<16xf32>
        %swap3A_436 = arith.index_cast %scan3A_409 : i32 to index
        %swap3A_437 = arith.constant 48 : index
        %swap3A_438 = tpu.vector_load %arg12[%swap3A_436, %swap3A_437] {strides = array<i32>} : memref<128x64xf32, #tpu.memory_space<vmem>>, vector<16xf32>,
        tpu.vector_store %arg12[%swap3A_436, %swap3A_437], %mul3A_435 {strides = array<i32>} : memref<128x64xf32, #tpu.memory_space<vmem>>, vector<16xf32>,
        %eq3A_439 = arith.constant 0 : i32
        %eq3A_440 = vector.broadcast %eq3A_439 : i32 to vector<16xi32>
        %eq3A_441 = arith.cmpi eq, %iota3A, %eq3A_440 : vector<16xi32>
        %jit3A = arith.constant 0.000000e+00 : f32
        %broadcast_in_dim3A_442 = vector.broadcast %jit3A : f32 to vector<16xf32>
        %select_n3A = arith.select %eq3A_441, %gather3A, %broadcast_in_dim3A_442 : vector<16xi1>, vector<16xf32>
        %swap3A_443 = arith.index_cast %scan3A_409 : i32 to index
        %swap3A_444 = arith.constant 0 : index
        %swap3A_445 = tpu.vector_load %arg14[%swap3A_443, %swap3A_444] {strides = array<i32>} : memref<128x16xf32, #tpu.memory_space<vmem>>, vector<16xf32>,
        tpu.vector_store %arg14[%swap3A_443, %swap3A_444], %select_n3A {strides = array<i32>} : memref<128x16xf32, #tpu.memory_space<vmem>>, vector<16xf32>,
      }
      %scan3A_340 = arith.constant 128 : i32
      %dma_start3A_341 = arith.constant 6 : i32
      %dma_start3A_342 = arith.constant 0 : i32
      %dma_start3A_343 = tpu.memref_slice %arg9[%dma_start3A_341, %dma_start3A_342] : memref<8x128xi32, #tpu.memory_space<vmem>> -> memref<1x128xi32, #tpu.memory_space<vmem>>
      %dma_start3A_344 = tpu.memref_squeeze %dma_start3A_343 : memref<1x128xi32, #tpu.memory_space<vmem>> -> memref<128xi32, #tpu.memory_space<vmem>>
      %dma_start3A_345 = arith.constant 0 : i32
      %dma_start3A_346 = arith.constant 0 : i32
      %dma_start3A_347 = tpu.memref_slice %arg17[%dma_start3A_345, %dma_start3A_346] : memref<10000x64xf32, #tpu.memory_space<vmem_shared>> -> memref<10000x64xf32, #tpu.memory_space<vmem_shared>>
      tpu.enqueue_indirect_dma source(%arg12 : memref<128x64xf32, #tpu.memory_space<vmem>>) target(%dma_start3A_347 : memref<10000x64xf32, #tpu.memory_space<vmem_shared>>) offsets(%dma_start3A_344 : memref<128xi32, #tpu.memory_space<vmem>>) semaphore(%arg19 : memref<!tpu.dma_semaphore, #tpu.memory_space<semaphore_mem>>) {add = true}
      %dma_start3A_348 = arith.constant 6 : i32
      %dma_start3A_349 = arith.constant 0 : i32
      %dma_start3A_350 = tpu.memref_slice %arg9[%dma_start3A_348, %dma_start3A_349] : memref<8x128xi32, #tpu.memory_space<vmem>> -> memref<1x128xi32, #tpu.memory_space<vmem>>
      %dma_start3A_351 = tpu.memref_squeeze %dma_start3A_350 : memref<1x128xi32, #tpu.memory_space<vmem>> -> memref<128xi32, #tpu.memory_space<vmem>>
      %dma_start3A_352 = arith.constant 0 : i32
      %dma_start3A_353 = arith.constant 0 : i32
      %dma_start3A_354 = tpu.memref_slice %arg18[%dma_start3A_352, %dma_start3A_353] : memref<10000x16xf32, #tpu.memory_space<vmem_shared>> -> memref<10000x16xf32, #tpu.memory_space<vmem_shared>>
      tpu.enqueue_indirect_dma source(%arg14 : memref<128x16xf32, #tpu.memory_space<vmem>>) target(%dma_start3A_354 : memref<10000x16xf32, #tpu.memory_space<vmem_shared>>) offsets(%dma_start3A_351 : memref<128xi32, #tpu.memory_space<vmem>>) semaphore(%arg22 : memref<!tpu.dma_semaphore, #tpu.memory_space<semaphore_mem>>) {add = true}
      %dma_wait3A_355 = arith.constant 7 : i32
      %dma_wait3A_356 = arith.constant 0 : i32
      %dma_wait3A_357 = tpu.memref_slice %arg11[%dma_wait3A_355, %dma_wait3A_356] : memref<8x128xi32, #tpu.memory_space<vmem>> -> memref<1x128xi32, #tpu.memory_space<vmem>>
      %dma_wait3A_358 = tpu.memref_squeeze %dma_wait3A_357 : memref<1x128xi32, #tpu.memory_space<vmem>> -> memref<128xi32, #tpu.memory_space<vmem>>
      %dma_wait3A_359 = arith.constant 0 : i32
      %dma_wait3A_360 = arith.constant 0 : i32
      %dma_wait3A_361 = tpu.memref_slice %arg5[%dma_wait3A_359, %dma_wait3A_360] : memref<20000x64xf32, #tpu.memory_space<hbm>> -> memref<20000x64xf32, #tpu.memory_space<hbm>>
      tpu.wait_indirect_dma semaphore(%arg21 : memref<!tpu.dma_semaphore, #tpu.memory_space<semaphore_mem>>) src(%dma_wait3A_361 : memref<20000x64xf32, #tpu.memory_space<hbm>>) dst(%arg13 : memref<128x64xf32, #tpu.memory_space<vmem>>)
      %dma_wait3A_362 = arith.constant 6 : i32
      %dma_wait3A_363 = arith.constant 0 : i32
      %dma_wait3A_364 = tpu.memref_slice %arg9[%dma_wait3A_362, %dma_wait3A_363] : memref<8x128xi32, #tpu.memory_space<vmem>> -> memref<1x128xi32, #tpu.memory_space<vmem>>
      %dma_wait3A_365 = tpu.memref_squeeze %dma_wait3A_364 : memref<1x128xi32, #tpu.memory_space<vmem>> -> memref<128xi32, #tpu.memory_space<vmem>>
      %dma_wait3A_366 = arith.constant 0 : i32
      %dma_wait3A_367 = arith.constant 0 : i32
      %dma_wait3A_368 = tpu.memref_slice %arg18[%dma_wait3A_366, %dma_wait3A_367] : memref<10000x16xf32, #tpu.memory_space<vmem_shared>> -> memref<10000x16xf32, #tpu.memory_space<vmem_shared>>
      tpu.wait_indirect_dma semaphore(%arg22 : memref<!tpu.dma_semaphore, #tpu.memory_space<semaphore_mem>>) src(%arg14 : memref<128x16xf32, #tpu.memory_space<vmem>>) dst(%dma_wait3A_368 : memref<10000x16xf32, #tpu.memory_space<vmem_shared>>)
      %scan3A_369 = arith.constant 0 : i32
      %scan3A_370 = arith.constant 128 : i32
      %scan3A_371 = arith.addi %scan3A_369, %scan3A_370 : i32
      %scan3A_372 = arith.constant 1 : i32
      scf.for %scan3A_409 = %scan3A_369 to %scan3A_371 step %scan3A_372  : i32 {
        %broadcast_in_dim3A_410 = arith.constant 7 : i32
        %broadcast_in_dim3A_411 = vector.broadcast %broadcast_in_dim3A_410 : i32 to vector<16xi32>
        %broadcast_in_dim3A_412 = vector.broadcast %scan3A_409 : i32 to vector<16xi32>
        %gather3A = tpu.vector_load_idx %arg10[%broadcast_in_dim3A_411, %broadcast_in_dim3A_412] : memref<8x128xf32, #tpu.memory_space<vmem>>[vector<16xi32>, vector<16xi32>], vector<16xf32>,
        %get3A = arith.index_cast %scan3A_409 : i32 to index
        %get3A_413 = arith.constant 0 : index
        %get3A_414 = tpu.vector_load %arg13[%get3A, %get3A_413] {strides = array<i32>} : memref<128x64xf32, #tpu.memory_space<vmem>>, vector<16xf32>,
        %mul3A_415 = arith.mulf %get3A_414, %gather3A : vector<16xf32>
        %swap3A = arith.index_cast %scan3A_409 : i32 to index
        %swap3A_416 = arith.constant 0 : index
        %swap3A_417 = tpu.vector_load %arg13[%swap3A, %swap3A_416] {strides = array<i32>} : memref<128x64xf32, #tpu.memory_space<vmem>>, vector<16xf32>,
        tpu.vector_store %arg13[%swap3A, %swap3A_416], %mul3A_415 {strides = array<i32>} : memref<128x64xf32, #tpu.memory_space<vmem>>, vector<16xf32>,
        %get3A_418 = arith.index_cast %scan3A_409 : i32 to index
        %get3A_419 = arith.constant 16 : index
        %get3A_420 = tpu.vector_load %arg13[%get3A_418, %get3A_419] {strides = array<i32>} : memref<128x64xf32, #tpu.memory_space<vmem>>, vector<16xf32>,
        %mul3A_421 = arith.mulf %get3A_420, %gather3A : vector<16xf32>
        %swap3A_422 = arith.index_cast %scan3A_409 : i32 to index
        %swap3A_423 = arith.constant 16 : index
        %swap3A_424 = tpu.vector_load %arg13[%swap3A_422, %swap3A_423] {strides = array<i32>} : memref<128x64xf32, #tpu.memory_space<vmem>>, vector<16xf32>,
        tpu.vector_store %arg13[%swap3A_422, %swap3A_423], %mul3A_421 {strides = array<i32>} : memref<128x64xf32, #tpu.memory_space<vmem>>, vector<16xf32>,
        %get3A_425 = arith.index_cast %scan3A_409 : i32 to index
        %get3A_426 = arith.constant 32 : index
        %get3A_427 = tpu.vector_load %arg13[%get3A_425, %get3A_426] {strides = array<i32>} : memref<128x64xf32, #tpu.memory_space<vmem>>, vector<16xf32>,
        %mul3A_428 = arith.mulf %get3A_427, %gather3A : vector<16xf32>
        %swap3A_429 = arith.index_cast %scan3A_409 : i32 to index
        %swap3A_430 = arith.constant 32 : index
        %swap3A_431 = tpu.vector_load %arg13[%swap3A_429, %swap3A_430] {strides = array<i32>} : memref<128x64xf32, #tpu.memory_space<vmem>>, vector<16xf32>,
        tpu.vector_store %arg13[%swap3A_429, %swap3A_430], %mul3A_428 {strides = array<i32>} : memref<128x64xf32, #tpu.memory_space<vmem>>, vector<16xf32>,
        %get3A_432 = arith.index_cast %scan3A_409 : i32 to index
        %get3A_433 = arith.constant 48 : index
        %get3A_434 = tpu.vector_load %arg13[%get3A_432, %get3A_433] {strides = array<i32>} : memref<128x64xf32, #tpu.memory_space<vmem>>, vector<16xf32>,
        %mul3A_435 = arith.mulf %get3A_434, %gather3A : vector<16xf32>
        %swap3A_436 = arith.index_cast %scan3A_409 : i32 to index
        %swap3A_437 = arith.constant 48 : index
        %swap3A_438 = tpu.vector_load %arg13[%swap3A_436, %swap3A_437] {strides = array<i32>} : memref<128x64xf32, #tpu.memory_space<vmem>>, vector<16xf32>,
        tpu.vector_store %arg13[%swap3A_436, %swap3A_437], %mul3A_435 {strides = array<i32>} : memref<128x64xf32, #tpu.memory_space<vmem>>, vector<16xf32>,
        %eq3A_439 = arith.constant 0 : i32
        %eq3A_440 = vector.broadcast %eq3A_439 : i32 to vector<16xi32>
        %eq3A_441 = arith.cmpi eq, %iota3A, %eq3A_440 : vector<16xi32>
        %jit3A = arith.constant 0.000000e+00 : f32
        %broadcast_in_dim3A_442 = vector.broadcast %jit3A : f32 to vector<16xf32>
        %select_n3A = arith.select %eq3A_441, %gather3A, %broadcast_in_dim3A_442 : vector<16xi1>, vector<16xf32>
        %swap3A_443 = arith.index_cast %scan3A_409 : i32 to index
        %swap3A_444 = arith.constant 0 : index
        %swap3A_445 = tpu.vector_load %arg14[%swap3A_443, %swap3A_444] {strides = array<i32>} : memref<128x16xf32, #tpu.memory_space<vmem>>, vector<16xf32>,
        tpu.vector_store %arg14[%swap3A_443, %swap3A_444], %select_n3A {strides = array<i32>} : memref<128x16xf32, #tpu.memory_space<vmem>>, vector<16xf32>,
      }
      %scan3A_373 = arith.constant 128 : i32
      %dma_start3A_374 = arith.constant 7 : i32
      %dma_start3A_375 = arith.constant 0 : i32
      %dma_start3A_376 = tpu.memref_slice %arg9[%dma_start3A_374, %dma_start3A_375] : memref<8x128xi32, #tpu.memory_space<vmem>> -> memref<1x128xi32, #tpu.memory_space<vmem>>
      %dma_start3A_377 = tpu.memref_squeeze %dma_start3A_376 : memref<1x128xi32, #tpu.memory_space<vmem>> -> memref<128xi32, #tpu.memory_space<vmem>>
      %dma_start3A_378 = arith.constant 0 : i32
      %dma_start3A_379 = arith.constant 0 : i32
      %dma_start3A_380 = tpu.memref_slice %arg17[%dma_start3A_378, %dma_start3A_379] : memref<10000x64xf32, #tpu.memory_space<vmem_shared>> -> memref<10000x64xf32, #tpu.memory_space<vmem_shared>>
      tpu.enqueue_indirect_dma source(%arg13 : memref<128x64xf32, #tpu.memory_space<vmem>>) target(%dma_start3A_380 : memref<10000x64xf32, #tpu.memory_space<vmem_shared>>) offsets(%dma_start3A_377 : memref<128xi32, #tpu.memory_space<vmem>>) semaphore(%arg20 : memref<!tpu.dma_semaphore, #tpu.memory_space<semaphore_mem>>) {add = true}
      %dma_start3A_381 = arith.constant 7 : i32
      %dma_start3A_382 = arith.constant 0 : i32
      %dma_start3A_383 = tpu.memref_slice %arg9[%dma_start3A_381, %dma_start3A_382] : memref<8x128xi32, #tpu.memory_space<vmem>> -> memref<1x128xi32, #tpu.memory_space<vmem>>
      %dma_start3A_384 = tpu.memref_squeeze %dma_start3A_383 : memref<1x128xi32, #tpu.memory_space<vmem>> -> memref<128xi32, #tpu.memory_space<vmem>>
      %dma_start3A_385 = arith.constant 0 : i32
      %dma_start3A_386 = arith.constant 0 : i32
      %dma_start3A_387 = tpu.memref_slice %arg18[%dma_start3A_385, %dma_start3A_386] : memref<10000x16xf32, #tpu.memory_space<vmem_shared>> -> memref<10000x16xf32, #tpu.memory_space<vmem_shared>>
      tpu.enqueue_indirect_dma source(%arg14 : memref<128x16xf32, #tpu.memory_space<vmem>>) target(%dma_start3A_387 : memref<10000x16xf32, #tpu.memory_space<vmem_shared>>) offsets(%dma_start3A_384 : memref<128xi32, #tpu.memory_space<vmem>>) semaphore(%arg22 : memref<!tpu.dma_semaphore, #tpu.memory_space<semaphore_mem>>) {add = true}
      %dma_wait3A_388 = arith.constant 6 : i32
      %dma_wait3A_389 = arith.constant 0 : i32
      %dma_wait3A_390 = tpu.memref_slice %arg9[%dma_wait3A_388, %dma_wait3A_389] : memref<8x128xi32, #tpu.memory_space<vmem>> -> memref<1x128xi32, #tpu.memory_space<vmem>>
      %dma_wait3A_391 = tpu.memref_squeeze %dma_wait3A_390 : memref<1x128xi32, #tpu.memory_space<vmem>> -> memref<128xi32, #tpu.memory_space<vmem>>
      %dma_wait3A_392 = arith.constant 0 : i32
      %dma_wait3A_393 = arith.constant 0 : i32
      %dma_wait3A_394 = tpu.memref_slice %arg17[%dma_wait3A_392, %dma_wait3A_393] : memref<10000x64xf32, #tpu.memory_space<vmem_shared>> -> memref<10000x64xf32, #tpu.memory_space<vmem_shared>>
      tpu.wait_indirect_dma semaphore(%arg19 : memref<!tpu.dma_semaphore, #tpu.memory_space<semaphore_mem>>) src(%arg12 : memref<128x64xf32, #tpu.memory_space<vmem>>) dst(%dma_wait3A_394 : memref<10000x64xf32, #tpu.memory_space<vmem_shared>>)
      %dma_wait3A_395 = arith.constant 7 : i32
      %dma_wait3A_396 = arith.constant 0 : i32
      %dma_wait3A_397 = tpu.memref_slice %arg9[%dma_wait3A_395, %dma_wait3A_396] : memref<8x128xi32, #tpu.memory_space<vmem>> -> memref<1x128xi32, #tpu.memory_space<vmem>>
      %dma_wait3A_398 = tpu.memref_squeeze %dma_wait3A_397 : memref<1x128xi32, #tpu.memory_space<vmem>> -> memref<128xi32, #tpu.memory_space<vmem>>
      %dma_wait3A_399 = arith.constant 0 : i32
      %dma_wait3A_400 = arith.constant 0 : i32
      %dma_wait3A_401 = tpu.memref_slice %arg17[%dma_wait3A_399, %dma_wait3A_400] : memref<10000x64xf32, #tpu.memory_space<vmem_shared>> -> memref<10000x64xf32, #tpu.memory_space<vmem_shared>>
      tpu.wait_indirect_dma semaphore(%arg20 : memref<!tpu.dma_semaphore, #tpu.memory_space<semaphore_mem>>) src(%arg13 : memref<128x64xf32, #tpu.memory_space<vmem>>) dst(%dma_wait3A_401 : memref<10000x64xf32, #tpu.memory_space<vmem_shared>>)
      %dma_wait3A_402 = arith.constant 7 : i32
      %dma_wait3A_403 = arith.constant 0 : i32
      %dma_wait3A_404 = tpu.memref_slice %arg9[%dma_wait3A_402, %dma_wait3A_403] : memref<8x128xi32, #tpu.memory_space<vmem>> -> memref<1x128xi32, #tpu.memory_space<vmem>>
      %dma_wait3A_405 = tpu.memref_squeeze %dma_wait3A_404 : memref<1x128xi32, #tpu.memory_space<vmem>> -> memref<128xi32, #tpu.memory_space<vmem>>
      %dma_wait3A_406 = arith.constant 0 : i32
      %dma_wait3A_407 = arith.constant 0 : i32
      %dma_wait3A_408 = tpu.memref_slice %arg18[%dma_wait3A_406, %dma_wait3A_407] : memref<10000x16xf32, #tpu.memory_space<vmem_shared>> -> memref<10000x16xf32, #tpu.memory_space<vmem_shared>>
      tpu.wait_indirect_dma semaphore(%arg22 : memref<!tpu.dma_semaphore, #tpu.memory_space<semaphore_mem>>) src(%arg14 : memref<128x16xf32, #tpu.memory_space<vmem>>) dst(%dma_wait3A_408 : memref<10000x16xf32, #tpu.memory_space<vmem_shared>>)
    }
    %scan3A_16 = arith.constant 20 : i32
    %barrier3A_17 = arith.constant 0 : index
    tpu.barrier barrier_id(%barrier3A_17)
    %scan3A_18 = arith.constant 0 : i32
    %scan3A_19 = arith.constant 78 : i32
    %scan3A_20 = arith.addi %scan3A_18, %scan3A_19 : i32
    %scan3A_21 = arith.constant 1 : i32
    scf.for %scan3A_28 = %scan3A_18 to %scan3A_20 step %scan3A_21  : i32 {
      %mul3A = arith.constant 624 : i32
      %mul3A_29 = arith.muli %arg1, %mul3A : i32
      %mul3A_30 = arith.constant 8 : i32
      %mul3A_31 = arith.muli %scan3A_28, %mul3A_30 : i32
      %add3A = arith.addi %mul3A_29, %mul3A_31 : i32
      %dma_start3A = arith.constant 0 : i32
      %dma_start3A_32 = tpu.memref_slice %arg6[%arg0, %add3A, %dma_start3A] : memref<2x10000x64xf32, #tpu.memory_space<hbm>> -> memref<1x8x64xf32, #tpu.memory_space<hbm>>
      %dma_start3A_33 = tpu.memref_squeeze %dma_start3A_32 : memref<1x8x64xf32, #tpu.memory_space<hbm>> -> memref<8x64xf32, #tpu.memory_space<hbm>>
      %dma_start3A_34 = arith.constant 0 : i32
      %dma_start3A_35 = tpu.memref_slice %arg17[%add3A, %dma_start3A_34] : memref<10000x64xf32, #tpu.memory_space<vmem_shared>> -> memref<8x64xf32, #tpu.memory_space<vmem_shared>>
      tpu.enqueue_dma source(%dma_start3A_35 : memref<8x64xf32, #tpu.memory_space<vmem_shared>>) target(%dma_start3A_33 : memref<8x64xf32, #tpu.memory_space<hbm>>) target_semaphore(%arg19 : memref<!tpu.dma_semaphore, #tpu.memory_space<semaphore_mem>>)
      %dma_wait3A = arith.constant 0 : i32
      %dma_wait3A_36 = tpu.memref_slice %arg6[%arg0, %add3A, %dma_wait3A] : memref<2x10000x64xf32, #tpu.memory_space<hbm>> -> memref<1x8x64xf32, #tpu.memory_space<hbm>>
      %dma_wait3A_37 = tpu.memref_squeeze %dma_wait3A_36 : memref<1x8x64xf32, #tpu.memory_space<hbm>> -> memref<8x64xf32, #tpu.memory_space<hbm>>
      %dma_wait3A_38 = arith.constant 0 : i32
      %dma_wait3A_39 = tpu.memref_slice %arg17[%add3A, %dma_wait3A_38] : memref<10000x64xf32, #tpu.memory_space<vmem_shared>> -> memref<8x64xf32, #tpu.memory_space<vmem_shared>>
      tpu.wait_dma2 semaphore(%arg19 : memref<!tpu.dma_semaphore, #tpu.memory_space<semaphore_mem>>) src(%dma_wait3A_39 : memref<8x64xf32, #tpu.memory_space<vmem_shared>>) dst(%dma_wait3A_37 : memref<8x64xf32, #tpu.memory_space<hbm>>)
      %dma_start3A_40 = arith.constant 0 : i32
      %dma_start3A_41 = tpu.memref_slice %arg7[%arg0, %add3A, %dma_start3A_40] : memref<2x10000x16xf32, #tpu.memory_space<hbm>> -> memref<1x8x16xf32, #tpu.memory_space<hbm>>
      %dma_start3A_42 = tpu.memref_squeeze %dma_start3A_41 : memref<1x8x16xf32, #tpu.memory_space<hbm>> -> memref<8x16xf32, #tpu.memory_space<hbm>>
      %dma_start3A_43 = arith.constant 0 : i32
      %dma_start3A_44 = tpu.memref_slice %arg18[%add3A, %dma_start3A_43] : memref<10000x16xf32, #tpu.memory_space<vmem_shared>> -> memref<8x16xf32, #tpu.memory_space<vmem_shared>>
      tpu.enqueue_dma source(%dma_start3A_44 : memref<8x16xf32, #tpu.memory_space<vmem_shared>>) target(%dma_start3A_42 : memref<8x16xf32, #tpu.memory_space<hbm>>) target_semaphore(%arg20 : memref<!tpu.dma_semaphore, #tpu.memory_space<semaphore_mem>>)
      %dma_wait3A_45 = arith.constant 0 : i32
      %dma_wait3A_46 = tpu.memref_slice %arg7[%arg0, %add3A, %dma_wait3A_45] : memref<2x10000x16xf32, #tpu.memory_space<hbm>> -> memref<1x8x16xf32, #tpu.memory_space<hbm>>
      %dma_wait3A_47 = tpu.memref_squeeze %dma_wait3A_46 : memref<1x8x16xf32, #tpu.memory_space<hbm>> -> memref<8x16xf32, #tpu.memory_space<hbm>>
      %dma_wait3A_48 = arith.constant 0 : i32
      %dma_wait3A_49 = tpu.memref_slice %arg18[%add3A, %dma_wait3A_48] : memref<10000x16xf32, #tpu.memory_space<vmem_shared>> -> memref<8x16xf32, #tpu.memory_space<vmem_shared>>
      tpu.wait_dma2 semaphore(%arg20 : memref<!tpu.dma_semaphore, #tpu.memory_space<semaphore_mem>>) src(%dma_wait3A_49 : memref<8x16xf32, #tpu.memory_space<vmem_shared>>) dst(%dma_wait3A_47 : memref<8x16xf32, #tpu.memory_space<hbm>>)
    }
    %scan3A_22 = arith.constant 78 : i32
    %eq3A_23 = arith.constant 15 : i32
    %eq3A_24 = arith.cmpi eq, %arg1, %eq3A_23 : i32
    %convert_element_type3A_25 = arith.extui %eq3A_24 : i1 to i32
    %cond3A_26 = arith.constant 0 : i32
    %cond3A_27 = arith.cmpi ne, %convert_element_type3A_25, %cond3A_26 : i32
    scf.if %cond3A_27 {
      %dma_start3A = arith.constant 9984 : i32
      %dma_start3A_28 = arith.constant 0 : i32
      %dma_start3A_29 = tpu.memref_slice %arg6[%arg0, %dma_start3A, %dma_start3A_28] : memref<2x10000x64xf32, #tpu.memory_space<hbm>> -> memref<1x8x64xf32, #tpu.memory_space<hbm>>
      %dma_start3A_30 = tpu.memref_squeeze %dma_start3A_29 : memref<1x8x64xf32, #tpu.memory_space<hbm>> -> memref<8x64xf32, #tpu.memory_space<hbm>>
      %dma_start3A_31 = arith.constant 9984 : i32
      %dma_start3A_32 = arith.constant 0 : i32
      %dma_start3A_33 = tpu.memref_slice %arg17[%dma_start3A_31, %dma_start3A_32] : memref<10000x64xf32, #tpu.memory_space<vmem_shared>> -> memref<8x64xf32, #tpu.memory_space<vmem_shared>>
      tpu.enqueue_dma source(%dma_start3A_33 : memref<8x64xf32, #tpu.memory_space<vmem_shared>>) target(%dma_start3A_30 : memref<8x64xf32, #tpu.memory_space<hbm>>) target_semaphore(%arg19 : memref<!tpu.dma_semaphore, #tpu.memory_space<semaphore_mem>>)
      %dma_wait3A = arith.constant 9984 : i32
      %dma_wait3A_34 = arith.constant 0 : i32
      %dma_wait3A_35 = tpu.memref_slice %arg6[%arg0, %dma_wait3A, %dma_wait3A_34] : memref<2x10000x64xf32, #tpu.memory_space<hbm>> -> memref<1x8x64xf32, #tpu.memory_space<hbm>>
      %dma_wait3A_36 = tpu.memref_squeeze %dma_wait3A_35 : memref<1x8x64xf32, #tpu.memory_space<hbm>> -> memref<8x64xf32, #tpu.memory_space<hbm>>
      %dma_wait3A_37 = arith.constant 9984 : i32
      %dma_wait3A_38 = arith.constant 0 : i32
      %dma_wait3A_39 = tpu.memref_slice %arg17[%dma_wait3A_37, %dma_wait3A_38] : memref<10000x64xf32, #tpu.memory_space<vmem_shared>> -> memref<8x64xf32, #tpu.memory_space<vmem_shared>>
      tpu.wait_dma2 semaphore(%arg19 : memref<!tpu.dma_semaphore, #tpu.memory_space<semaphore_mem>>) src(%dma_wait3A_39 : memref<8x64xf32, #tpu.memory_space<vmem_shared>>) dst(%dma_wait3A_36 : memref<8x64xf32, #tpu.memory_space<hbm>>)
      %dma_start3A_40 = arith.constant 9984 : i32
      %dma_start3A_41 = arith.constant 0 : i32
      %dma_start3A_42 = tpu.memref_slice %arg7[%arg0, %dma_start3A_40, %dma_start3A_41] : memref<2x10000x16xf32, #tpu.memory_space<hbm>> -> memref<1x8x16xf32, #tpu.memory_space<hbm>>
      %dma_start3A_43 = tpu.memref_squeeze %dma_start3A_42 : memref<1x8x16xf32, #tpu.memory_space<hbm>> -> memref<8x16xf32, #tpu.memory_space<hbm>>
      %dma_start3A_44 = arith.constant 9984 : i32
      %dma_start3A_45 = arith.constant 0 : i32
      %dma_start3A_46 = tpu.memref_slice %arg18[%dma_start3A_44, %dma_start3A_45] : memref<10000x16xf32, #tpu.memory_space<vmem_shared>> -> memref<8x16xf32, #tpu.memory_space<vmem_shared>>
      tpu.enqueue_dma source(%dma_start3A_46 : memref<8x16xf32, #tpu.memory_space<vmem_shared>>) target(%dma_start3A_43 : memref<8x16xf32, #tpu.memory_space<hbm>>) target_semaphore(%arg20 : memref<!tpu.dma_semaphore, #tpu.memory_space<semaphore_mem>>)
      %dma_wait3A_47 = arith.constant 9984 : i32
      %dma_wait3A_48 = arith.constant 0 : i32
      %dma_wait3A_49 = tpu.memref_slice %arg7[%arg0, %dma_wait3A_47, %dma_wait3A_48] : memref<2x10000x16xf32, #tpu.memory_space<hbm>> -> memref<1x8x16xf32, #tpu.memory_space<hbm>>
      %dma_wait3A_50 = tpu.memref_squeeze %dma_wait3A_49 : memref<1x8x16xf32, #tpu.memory_space<hbm>> -> memref<8x16xf32, #tpu.memory_space<hbm>>
      %dma_wait3A_51 = arith.constant 9984 : i32
      %dma_wait3A_52 = arith.constant 0 : i32
      %dma_wait3A_53 = tpu.memref_slice %arg18[%dma_wait3A_51, %dma_wait3A_52] : memref<10000x16xf32, #tpu.memory_space<vmem_shared>> -> memref<8x16xf32, #tpu.memory_space<vmem_shared>>
      tpu.wait_dma2 semaphore(%arg20 : memref<!tpu.dma_semaphore, #tpu.memory_space<semaphore_mem>>) src(%dma_wait3A_53 : memref<8x16xf32, #tpu.memory_space<vmem_shared>>) dst(%dma_wait3A_50 : memref<8x16xf32, #tpu.memory_space<hbm>>)
      %dma_start3A_54 = arith.constant 9992 : i32
      %dma_start3A_55 = arith.constant 0 : i32
      %dma_start3A_56 = tpu.memref_slice %arg6[%arg0, %dma_start3A_54, %dma_start3A_55] : memref<2x10000x64xf32, #tpu.memory_space<hbm>> -> memref<1x8x64xf32, #tpu.memory_space<hbm>>
      %dma_start3A_57 = tpu.memref_squeeze %dma_start3A_56 : memref<1x8x64xf32, #tpu.memory_space<hbm>> -> memref<8x64xf32, #tpu.memory_space<hbm>>
      %dma_start3A_58 = arith.constant 9992 : i32
      %dma_start3A_59 = arith.constant 0 : i32
      %dma_start3A_60 = tpu.memref_slice %arg17[%dma_start3A_58, %dma_start3A_59] : memref<10000x64xf32, #tpu.memory_space<vmem_shared>> -> memref<8x64xf32, #tpu.memory_space<vmem_shared>>
      tpu.enqueue_dma source(%dma_start3A_60 : memref<8x64xf32, #tpu.memory_space<vmem_shared>>) target(%dma_start3A_57 : memref<8x64xf32, #tpu.memory_space<hbm>>) target_semaphore(%arg19 : memref<!tpu.dma_semaphore, #tpu.memory_space<semaphore_mem>>)
      %dma_wait3A_61 = arith.constant 9992 : i32
      %dma_wait3A_62 = arith.constant 0 : i32
      %dma_wait3A_63 = tpu.memref_slice %arg6[%arg0, %dma_wait3A_61, %dma_wait3A_62] : memref<2x10000x64xf32, #tpu.memory_space<hbm>> -> memref<1x8x64xf32, #tpu.memory_space<hbm>>
      %dma_wait3A_64 = tpu.memref_squeeze %dma_wait3A_63 : memref<1x8x64xf32, #tpu.memory_space<hbm>> -> memref<8x64xf32, #tpu.memory_space<hbm>>
      %dma_wait3A_65 = arith.constant 9992 : i32
      %dma_wait3A_66 = arith.constant 0 : i32
      %dma_wait3A_67 = tpu.memref_slice %arg17[%dma_wait3A_65, %dma_wait3A_66] : memref<10000x64xf32, #tpu.memory_space<vmem_shared>> -> memref<8x64xf32, #tpu.memory_space<vmem_shared>>
      tpu.wait_dma2 semaphore(%arg19 : memref<!tpu.dma_semaphore, #tpu.memory_space<semaphore_mem>>) src(%dma_wait3A_67 : memref<8x64xf32, #tpu.memory_space<vmem_shared>>) dst(%dma_wait3A_64 : memref<8x64xf32, #tpu.memory_space<hbm>>)
      %dma_start3A_68 = arith.constant 9992 : i32
      %dma_start3A_69 = arith.constant 0 : i32
      %dma_start3A_70 = tpu.memref_slice %arg7[%arg0, %dma_start3A_68, %dma_start3A_69] : memref<2x10000x16xf32, #tpu.memory_space<hbm>> -> memref<1x8x16xf32, #tpu.memory_space<hbm>>
      %dma_start3A_71 = tpu.memref_squeeze %dma_start3A_70 : memref<1x8x16xf32, #tpu.memory_space<hbm>> -> memref<8x16xf32, #tpu.memory_space<hbm>>
      %dma_start3A_72 = arith.constant 9992 : i32
      %dma_start3A_73 = arith.constant 0 : i32
      %dma_start3A_74 = tpu.memref_slice %arg18[%dma_start3A_72, %dma_start3A_73] : memref<10000x16xf32, #tpu.memory_space<vmem_shared>> -> memref<8x16xf32, #tpu.memory_space<vmem_shared>>
      tpu.enqueue_dma source(%dma_start3A_74 : memref<8x16xf32, #tpu.memory_space<vmem_shared>>) target(%dma_start3A_71 : memref<8x16xf32, #tpu.memory_space<hbm>>) target_semaphore(%arg20 : memref<!tpu.dma_semaphore, #tpu.memory_space<semaphore_mem>>)
      %dma_wait3A_75 = arith.constant 9992 : i32
      %dma_wait3A_76 = arith.constant 0 : i32
      %dma_wait3A_77 = tpu.memref_slice %arg7[%arg0, %dma_wait3A_75, %dma_wait3A_76] : memref<2x10000x16xf32, #tpu.memory_space<hbm>> -> memref<1x8x16xf32, #tpu.memory_space<hbm>>
      %dma_wait3A_78 = tpu.memref_squeeze %dma_wait3A_77 : memref<1x8x16xf32, #tpu.memory_space<hbm>> -> memref<8x16xf32, #tpu.memory_space<hbm>>
      %dma_wait3A_79 = arith.constant 9992 : i32
      %dma_wait3A_80 = arith.constant 0 : i32
      %dma_wait3A_81 = tpu.memref_slice %arg18[%dma_wait3A_79, %dma_wait3A_80] : memref<10000x16xf32, #tpu.memory_space<vmem_shared>> -> memref<8x16xf32, #tpu.memory_space<vmem_shared>>
      tpu.wait_dma2 semaphore(%arg20 : memref<!tpu.dma_semaphore, #tpu.memory_space<semaphore_mem>>) src(%dma_wait3A_81 : memref<8x16xf32, #tpu.memory_space<vmem_shared>>) dst(%dma_wait3A_78 : memref<8x16xf32, #tpu.memory_space<hbm>>)
    } else {
    }
    return
  }
}

module attributes {stable_mosaic.version = 14 : i64} {
  func.func @_gate_kernel(%arg0: i32, %arg1: memref<2000x128xf32, #tpu.memory_space<vmem>>, %arg2: memref<128x2xf32, #tpu.memory_space<vmem>>, %arg3: memref<1x2xf32, #tpu.memory_space<vmem>>, %arg4: memref<2000x2xf32, #tpu.memory_space<vmem>>) attributes {dimension_semantics = [#tpu.dimension_semantics<arbitrary>], iteration_bounds = array<i64: 5>, scalar_prefetch = 0 : i64, scratch_operands = 0 : i64, tpu.core_type = #tpu.core_type<tc>, window_params = [{transform_indices = @transform_0, window_bounds = array<i64: 2000, 128>}, {pipeline_mode = #tpu.pipeline_mode<synchronous>, transform_indices = @transform_1, window_bounds = array<i64: 128, 2>}, {pipeline_mode = #tpu.pipeline_mode<synchronous>, transform_indices = @transform_2, window_bounds = array<i64: 1, 2>}, {transform_indices = @transform_3, window_bounds = array<i64: 2000, 2>}]} {
    %get3A = arith.constant 0 : index
    %get3A_0 = arith.constant 0 : index
    %get3A_1 = vector.load %arg1[%get3A, %get3A_0] : memref<2000x128xf32, #tpu.memory_space<vmem>>, vector<2000x128xf32>
    %get3A_2 = arith.constant 0 : index
    %get3A_3 = arith.constant 0 : index
    %get3A_4 = vector.load %arg2[%get3A_2, %get3A_3] : memref<128x2xf32, #tpu.memory_space<vmem>>, vector<128x2xf32>
    %dot_general3A = arith.constant dense<0.000000e+00> : vector<2000x2xf32>
    %dot_general3A_5 = tpu.matmul %get3A_1, %get3A_4, %dot_general3A {dimension_numbers = #tpu.dot_dimension_numbers<[1], [0], [0], [1], [0, 0, 1, 1], [], []>, transpose_lhs_hint = false} : vector<2000x128xf32>, vector<128x2xf32>, vector<2000x2xf32> -> vector<2000x2xf32>
    %get3A_6 = arith.constant 0 : index
    %get3A_7 = arith.constant 0 : index
    %get3A_8 = vector.load %arg3[%get3A_6, %get3A_7] : memref<1x2xf32, #tpu.memory_space<vmem>>, vector<1x2xf32>
    %add3A = vector.broadcast %get3A_8 : vector<1x2xf32> to vector<2000x2xf32>
    %add3A_9 = arith.addf %dot_general3A_5, %add3A : vector<2000x2xf32>
    %swap3A = arith.constant 0 : index
    %swap3A_10 = arith.constant 0 : index
    %swap3A_11 = vector.load %arg4[%swap3A, %swap3A_10] : memref<2000x2xf32, #tpu.memory_space<vmem>>, vector<2000x2xf32>
    tpu.vector_store %arg4[%swap3A, %swap3A_10], %add3A_9 {strides = array<i32>} : memref<2000x2xf32, #tpu.memory_space<vmem>>, vector<2000x2xf32>,
    return
  }
  func.func @transform_0(%arg0: i32) -> (i32, i32) {
    %c0_i32 = arith.constant 0 : i32
    %c0_i32_0 = arith.constant 0 : i32
    return %arg0, %c0_i32 : i32, i32
  }
  func.func @transform_1(%arg0: i32) -> (i32, i32) {
    %c0_i32 = arith.constant 0 : i32
    %c0_i32_0 = arith.constant 0 : i32
    %c0_i32_1 = arith.constant 0 : i32
    return %c0_i32, %c0_i32_0 : i32, i32
  }
  func.func @transform_2(%arg0: i32) -> (i32, i32) {
    %c0_i32 = arith.constant 0 : i32
    %c0_i32_0 = arith.constant 0 : i32
    %c0_i32_1 = arith.constant 0 : i32
    return %c0_i32, %c0_i32_0 : i32, i32
  }
  func.func @transform_3(%arg0: i32) -> (i32, i32) {
    %c0_i32 = arith.constant 0 : i32
    %c0_i32_0 = arith.constant 0 : i32
    return %arg0, %c0_i32 : i32, i32
  }
}

module attributes {stable_mosaic.version = 14 : i64} {
  func.func @_combine_kernel(%arg0: i32, %arg1: memref<2x1000x64xf32, #tpu.memory_space<vmem>>, %arg2: memref<2x1000x16xf32, #tpu.memory_space<vmem>>, %arg3: memref<1000x128xf32, #tpu.memory_space<vmem>>, %arg4: memref<1000x128xf32, #tpu.memory_space<vmem>>) attributes {dimension_semantics = [#tpu.dimension_semantics<arbitrary>], iteration_bounds = array<i64: 10>, scalar_prefetch = 0 : i64, scratch_operands = 0 : i64, tpu.core_type = #tpu.core_type<tc>, window_params = [{transform_indices = @transform_0, window_bounds = array<i64: 2, 1000, 64>}, {transform_indices = @transform_1, window_bounds = array<i64: 2, 1000, 16>}, {transform_indices = @transform_2, window_bounds = array<i64: 1000, 128>}, {transform_indices = @transform_3, window_bounds = array<i64: 1000, 128>}]} {
    %get3A = arith.constant 0 : index
    %get3A_0 = arith.constant 0 : index
    %get3A_1 = arith.constant 0 : index
    %get3A_2 = vector.load %arg2[%get3A, %get3A_0, %get3A_1] : memref<2x1000x16xf32, #tpu.memory_space<vmem>>, vector<1x1000x1xf32>
    %get3A_3 = vector.shape_cast %get3A_2 : vector<1x1000x1xf32> to vector<1000x1xf32>
    %get3A_4 = arith.constant 0 : index
    %get3A_5 = arith.constant 0 : index
    %get3A_6 = arith.constant 0 : index
    %get3A_7 = vector.load %arg1[%get3A_4, %get3A_5, %get3A_6] : memref<2x1000x64xf32, #tpu.memory_space<vmem>>, vector<1x1000x64xf32>
    %get3A_8 = vector.shape_cast %get3A_7 : vector<1x1000x64xf32> to vector<1000x64xf32>
    %mul3A = arith.constant 0.899999976 : f32
    %mul3A_9 = vector.broadcast %mul3A : f32 to vector<1000x64xf32>
    %mul3A_10 = arith.mulf %mul3A_9, %get3A_8 : vector<1000x64xf32>
    %add3A = arith.constant 1.000000e-16 : f32
    %add3A_11 = vector.broadcast %add3A : f32 to vector<1000x1xf32>
    %add3A_12 = arith.addf %get3A_3, %add3A_11 : vector<1000x1xf32>
    %div3A = vector.broadcast %add3A_12 : vector<1000x1xf32> to vector<1000x64xf32>
    %div3A_13 = arith.divf %mul3A_10, %div3A : vector<1000x64xf32>
    %get3A_14 = arith.constant 0 : index
    %get3A_15 = arith.constant 0 : index
    %get3A_16 = vector.load %arg3[%get3A_14, %get3A_15] : memref<1000x128xf32, #tpu.memory_space<vmem>>, vector<1000x64xf32>
    %mul3A_17 = arith.constant 1.000000e-01 : f32
    %mul3A_18 = vector.broadcast %mul3A_17 : f32 to vector<1000x64xf32>
    %mul3A_19 = arith.mulf %mul3A_18, %get3A_16 : vector<1000x64xf32>
    %add3A_20 = arith.addf %div3A_13, %mul3A_19 : vector<1000x64xf32>
    %swap3A = arith.constant 0 : index
    %swap3A_21 = arith.constant 0 : index
    %swap3A_22 = vector.load %arg4[%swap3A, %swap3A_21] : memref<1000x128xf32, #tpu.memory_space<vmem>>, vector<1000x64xf32>
    tpu.vector_store %arg4[%swap3A, %swap3A_21], %add3A_20 {strides = array<i32>} : memref<1000x128xf32, #tpu.memory_space<vmem>>, vector<1000x64xf32>,
    %get3A_23 = arith.constant 1 : index
    %get3A_24 = arith.constant 0 : index
    %get3A_25 = arith.constant 0 : index
    %get3A_26 = vector.load %arg1[%get3A_23, %get3A_24, %get3A_25] : memref<2x1000x64xf32, #tpu.memory_space<vmem>>, vector<1x1000x64xf32>
    %get3A_27 = vector.shape_cast %get3A_26 : vector<1x1000x64xf32> to vector<1000x64xf32>
    %mul3A_28 = arith.constant 0.899999976 : f32
    %mul3A_29 = vector.broadcast %mul3A_28 : f32 to vector<1000x64xf32>
    %mul3A_30 = arith.mulf %mul3A_29, %get3A_27 : vector<1000x64xf32>
    %add3A_31 = arith.constant 1.000000e-16 : f32
    %add3A_32 = vector.broadcast %add3A_31 : f32 to vector<1000x1xf32>
    %add3A_33 = arith.addf %get3A_3, %add3A_32 : vector<1000x1xf32>
    %div3A_34 = vector.broadcast %add3A_33 : vector<1000x1xf32> to vector<1000x64xf32>
    %div3A_35 = arith.divf %mul3A_30, %div3A_34 : vector<1000x64xf32>
    %get3A_36 = arith.constant 0 : index
    %get3A_37 = arith.constant 64 : index
    %get3A_38 = vector.load %arg3[%get3A_36, %get3A_37] : memref<1000x128xf32, #tpu.memory_space<vmem>>, vector<1000x64xf32>
    %mul3A_39 = arith.constant 1.000000e-01 : f32
    %mul3A_40 = vector.broadcast %mul3A_39 : f32 to vector<1000x64xf32>
    %mul3A_41 = arith.mulf %mul3A_40, %get3A_38 : vector<1000x64xf32>
    %add3A_42 = arith.addf %div3A_35, %mul3A_41 : vector<1000x64xf32>
    %swap3A_43 = arith.constant 0 : index
    %swap3A_44 = arith.constant 64 : index
    %swap3A_45 = vector.load %arg4[%swap3A_43, %swap3A_44] : memref<1000x128xf32, #tpu.memory_space<vmem>>, vector<1000x64xf32>
    tpu.vector_store %arg4[%swap3A_43, %swap3A_44], %add3A_42 {strides = array<i32>} : memref<1000x128xf32, #tpu.memory_space<vmem>>, vector<1000x64xf32>,
    return
  }
  func.func @transform_0(%arg0: i32) -> (i32, i32, i32) {
    %c0_i32 = arith.constant 0 : i32
    %c0_i32_0 = arith.constant 0 : i32
    %c0_i32_1 = arith.constant 0 : i32
    return %c0_i32, %arg0, %c0_i32_0 : i32, i32, i32
  }
  func.func @transform_1(%arg0: i32) -> (i32, i32, i32) {
    %c0_i32 = arith.constant 0 : i32
    %c0_i32_0 = arith.constant 0 : i32
    %c0_i32_1 = arith.constant 0 : i32
    return %c0_i32, %arg0, %c0_i32_0 : i32, i32, i32
  }
  func.func @transform_2(%arg0: i32) -> (i32, i32) {
    %c0_i32 = arith.constant 0 : i32
    %c0_i32_0 = arith.constant 0 : i32
    return %arg0, %c0_i32 : i32, i32
  }
  func.func @transform_3(%arg0: i32) -> (i32, i32) {
    %c0_i32 = arith.constant 0 : i32
    %c0_i32_0 = arith.constant 0 : i32
    return %arg0, %c0_i32 : i32, i32
  }
}

</mosaic_0001>

<sc_bundles>
// kernel: kernel.6.cloned.1.call-start
scs
__scs_entry_jumppad:
0x0: {  	(pc) =	sbr.rel $0x88, $3  }
0x1: {  	(tag) =	ssettag $0x0;
	lr =	simm.s32 $0x1  }
0x2: {  	[smem:$0x3F9D] =	sst lr;
	_ =	strace $0xD0000000  }
0x3: {  	_ = 	snop  }
0x4: {  	_ = 	snop  }
0x5: {  	_ = 	snop  }
0x6: {  	_ = 	snop  }
0x7: {  	_ = 	snop  }
__scs_overlays_trampoline_lowered:
0x8: {  	[smem:$0x3FAC] =	sst s0  }
0x9: {  	[smem:$0x3FAD] =	sst s1  }
0xa: {  	[smem:$0x3FAE] =	sst s2  }
0xb: {  	[smem:$0x3FAF] =	sst s3  }
0xc: {  	[smem:$0x3FB0] =	sst s4  }
0xd: {  	[smem:$0x3FB1] =	sst s5  }
0xe: {  	[smem:$0x3FB2] =	sst s6  }
0xf: {  	[smem:$0x3FB3] =	sst s7  }
0x10: {  	[smem:$0x3FB4] =	sst s8  }
0x11: {  	[smem:$0x3FB5] =	sst s9;
	s0 =	simm.s32 @!p0 $0x0  }
0x12: {  	s1 =	sld [smem:$0x3F9B];
	s0 =	simm.s32 @p0 $0x1  }
0x13: {  	[smem:$0x3FB6] =	sst s0;
	s0 =	simm.s32 @!p1 $0x0  }
0x14: {  	s2 =	sld [smem:$0x3F9A];
	s0 =	simm.s32 @p1 $0x1  }
0x15: {  	[smem:$0x3FB7] =	sst s0;
	s0 =	simm.s32 @!p2 $0x0  }
0x16: {  	s3 =	sld [smem:$0x3FDB];
	s0 =	simm.s32 @p2 $0x1  }
0x17: {  	s4 =	simm.s32 $0x1BF5;
	[smem:$0x3FB9] =	sst s0  }
0x18: {  	s0 =	sld [smem:$0x3F9C];
	_ =	swait.ge [sflag:s4], $0x0  }
0x19: {  	s7 =	sld [smem:$0x3F9D]  }
0x1a: {  	s8 =	sadd.s32 $0xFFFFE003, lr  }
0x1b: {  	s9 =	sadd.s32 $0xFFFFFEF7, lr;
	s5 =	simm.s32 $0xFFFFFFFF;
	p2 =	slt.u32 s8, $0xFFFFF086  }
0x1c: {  	p1 =	slt.u32 s9, $0xF7A;
	s5 =	simm.s32 @!p2 $0x0  }
0x1d: {  	s5 =	simm.s32 @p1 $0x1;
	p0 =	seq.s32 s7, s2  }
0x1e: {  	s7 =	smul.u32 @!p0 $0xF7A, s2;
	p2 =	seq.s32 @!p0 s5, $0x0  }
0x1f: {  	s9 =	smul.u32 $0xF7A, s1;
	s8 =	simm.s32 @!p0 $0x1BF5;
	p2 =	por !p2, p0  }
0x20: {  	[sflag:s8] =	ssyncset.s32 @!p0 $0xFFFFF086;
	s6 =	sadd.s32 @!p0 s3, s7;
	s7 =	simm.s32 @!p0 $0x108  }
0x21: {  	s3 =	sadd.s32 s3, s9;
	s6 =	sadd.s32 @!p0 $0x88, s6;
	s7 =	simm.s32 @p2 $0x1082  }
0x22: {  	[simem:s7], [sflag:s8] =	dma.local @!p0 [hbm:s6], $0xF7A  }
0x23: {  	s9 =	sor.u32 $0xD0000000, s2;
	s6 =	simm.s32 $0x108;
	_ =	swait.ge @!p0 [sflag:s8], $0x0  }
0x24: {  	s3 =	sadd.s32 $0x88, s3;
	s6 =	simm.s32 @!p1 $0x1082;
	[sflag:s4] =	ssyncset.s32 $0xFFFFF086  }
0x25: {  	[simem:s6], [sflag:s4] =	dma.local [hbm:s3], $0xF7A  }
0x26: {  	[smem:$0x3F9D] =	sst s1;
	(tag) =	ssettag s2;
	_ =	strace s9  }
0x27: {  	s1 =	sld [smem:$0x3FAD]  }
0x28: {  	s2 =	sld [smem:$0x3FAE]  }
0x29: {  	s4 =	sld [smem:$0x3FB0]  }
0x2a: {  	p0 =	seq.s32 s5, $0x0;
	s5 =	sld [smem:$0x3FB1]  }
0x2b: {  	s6 =	sld [smem:$0x3FB2]  }
0x2c: {  	s7 =	sld [smem:$0x3FB3]  }
0x2d: {  	s3 =	simm.s32 $0x108;
	s8 =	sld [smem:$0x3FB4]  }
0x2e: {  	s3 =	simm.s32 @!p0 $0x1082;
	s9 =	sld [smem:$0x3FB5]  }
0x2f: {  	lr =	sadd.s32 s0, s3;
	s0 =	sld [smem:$0x3FAC]  }
0x30: {  	s3 =	sld [smem:$0x3FAF]  }
0x31: {  	[smem:$0x3FB8] =	sst s10  }
0x32: {  	s10 =	sld [smem:$0x3FB6];
	_ =	sdelay $0x3  }
0x33: {  	p0 =	seq.s32 s10, $0x1;
	s10 =	sld [smem:$0x3FB8];
	_ =	sdelay $0x3  }
0x34: {  	[smem:$0x3FB8] =	sst s10  }
0x35: {  	s10 =	sld [smem:$0x3FB7];
	_ =	sdelay $0x3  }
0x36: {  	p1 =	seq.s32 s10, $0x1;
	s10 =	sld [smem:$0x3FB8];
	_ =	sdelay $0x3  }
0x37: {  	[smem:$0x3FB8] =	sst s10  }
0x38: {  	s10 =	sld [smem:$0x3FB9]  }
0x39: {  	_ = 	snop;
	(pc) =	sbr.ind lr, $3  }
0x3a: {  	_ = 	snop  }
0x3b: {  	_ = 	snop  }
0x3c: {  	p2 =	seq.s32 s10, $0x1;
	s10 =	sld [smem:$0x3FB8]  }
0x3d: {  	_ =	shalt  }
0x3e: {  	_ =	shalt  }
0x3f: {  	_ =	shalt  }
0x40: {  	_ =	shalt  }
0x41: {  	_ =	shalt  }
0x42: {  	_ =	shalt  }
0x43: {  	_ =	shalt  }
0x44: {  	_ =	shalt  }
0x45: {  	_ =	shalt  }
0x46: {  	_ =	shalt  }
0x47: {  	_ =	shalt  }
0x48: {  	_ =	shalt  }
0x49: {  	_ =	shalt  }
0x4a: {  	_ =	shalt  }
0x4b: {  	_ =	shalt  }
0x4c: {  	_ =	shalt  }
0x4d: {  	_ =	shalt  }
0x4e: {  	_ =	shalt  }
0x4f: {  	_ =	shalt  }
0x50: {  	_ =	shalt  }
0x51: {  	_ =	shalt  }
0x52: {  	_ =	shalt  }
0x53: {  	_ =	shalt  }
0x54: {  	_ =	shalt  }
0x55: {  	_ =	shalt  }
0x56: {  	_ =	shalt  }
0x57: {  	_ =	shalt  }
0x58: {  	_ =	shalt  }
0x59: {  	_ =	shalt  }
0x5a: {  	_ =	shalt  }
0x5b: {  	_ =	shalt  }
0x5c: {  	_ =	shalt  }
0x5d: {  	_ =	shalt  }
0x5e: {  	_ =	shalt  }
0x5f: {  	_ =	shalt  }
0x60: {  	_ =	shalt  }
0x61: {  	_ =	shalt  }
0x62: {  	_ =	shalt  }
0x63: {  	_ =	shalt  }
0x64: {  	_ =	shalt  }
0x65: {  	_ =	shalt  }
0x66: {  	_ =	shalt  }
0x67: {  	_ =	shalt  }
0x68: {  	_ =	shalt  }
0x69: {  	_ =	shalt  }
0x6a: {  	_ =	shalt  }
0x6b: {  	_ =	shalt  }
0x6c: {  	_ =	shalt  }
0x6d: {  	_ =	shalt  }
0x6e: {  	_ =	shalt  }
0x6f: {  	_ =	shalt  }
0x70: {  	_ =	shalt  }
0x71: {  	_ =	shalt  }
0x72: {  	_ =	shalt  }
0x73: {  	_ =	shalt  }
0x74: {  	_ =	shalt  }
0x75: {  	_ =	shalt  }
0x76: {  	_ =	shalt  }
0x77: {  	_ =	shalt  }
0x78: {  	_ =	shalt  }
0x79: {  	_ =	shalt  }
0x7a: {  	_ =	shalt  }
0x7b: {  	_ =	shalt  }
0x7c: {  	_ =	shalt  }
0x7d: {  	_ =	shalt  }
0x7e: {  	_ =	shalt  }
0x7f: {  	_ =	shalt  }
0x80: {  	_ =	shalt  }
0x81: {  	_ =	shalt  }
0x82: {  	_ =	shalt  }
0x83: {  	_ =	shalt  }
0x84: {  	_ =	shalt  }
0x85: {  	_ =	shalt  }
0x86: {  	_ =	shalt  }
0x87: {  	_ =	shalt  }
.Lfunc_end0:
.L_simem_size_0:
called_computation_lowered:
.L_overlay_start_0:
0x88: {  	s2 =	sld [smem:$0x3FD9]  }
0x89: {  	s3 =	sld [smem:$0x3FFE];
	_ =	sdelay $0x1  }
0x8a: {  	s1 =	srdreg.scid  }
0x8b: {  	s0 =	sand.u32 $0x1, s1  }
0x8c: {  	s17 =	sshll.u32 s0, $0xA;
	s2 =	sadd.s32 s3, s2  }
0x8d: {  	s2 =	sadd.s32 s2, s17  }
0x8e: {  	[smem:$0x3FC4] =	sst s2  }
0x8f: {  	_ = 	snop  }
0x90: {  	s2 =	sld [smem:$0x3FD0];
	(tm) =	ssettm $0x1  }
0x91: {  	s18 =	sld [smem:$0x3FFB];
	_ =	sdelay $0x3  }
0x92: {  	_ =	strace s18  }
0x93: {  	s3 =	sld [smem:$0x3FFC];
	_ =	sdelay $0x3  }
0x94: {  	_ =	strace s3  }
0x95: {  	s3 =	sld [smem:$0x3FFD];
	_ =	sdelay $0x3  }
0x96: {  	_ =	strace s3  }
0x97: {  	_ =	strace $0x8FFFFFFF  }
0x98: {  	s19 =	sld [smem:$0x3FDB];
	_ =	sdelay $0x1  }
0x99: {  	s4 =	simm.s32 $_scs_section_size  }
0x9a: {  	s5 =	simm.s32 $_size__tile_overlayer_lowered;
	s6 =	simm.s32 $_tile_overlayer_lowered  }
0x9b: {  	s22 =	simm.s32 $0x1BFF;
	s21 =	sshll.u32 s6, $0x1;
	s3 =	sadd.s32 s4, s19  }
0x9c: {  	s7 =	simm.s32 $0x0;
	s20 =	sshll.u32 s5, $0x1;
	s5 =	sadd.s32 s21, s3  }
0x9d: {  	[timem:s7], [sflag:s22] =	dma.local [hbm:s5], s20  }
0x9e: {  	_ =	swait.ge [sflag:s22], s20  }
0x9f: {  	s4 =	ssub.s32 $0x0, s20;
	[sflag:s22] =	ssyncset.done $0x0  }
0xa0: {  	[sflag:s22] =	ssyncadd.s32 s4;
	_ =	sdelay $0x1  }
0xa1: {  	s23 =	simm.s32 $0x1B8B  }
0xa2: {  	_ =	swait.ge [sflag:s23], $0x1  }
0xa3: {  	[sflag:s23] =	ssyncset.done $0x0  }
0xa4: {  	s25 =	simm.s32 $0x1B8E;
	s24 =	sld [smem:$0x3FFE];
	[sflag:s23] =	ssyncadd.s32 $0xFFFFFFFF  }
0xa5: {  	s26 =	simm.s32 $execute0_lowered;
	[smem:$0x3FD2] =	sst s25  }
0xa6: {  	s5 =	sshll.u32 s26, $0x1;
	_ =	strace $0x80000046;
	[dreg:$0x1] =	wrdreg $0xFFFFFFFF  }
0xa7: {  	s28 =	simm.s32 $_size_execute0_lowered;
	s3 =	sadd.s32 s3, s5;
	[dreg:$0x0] =	wrdreg $0x0  }
0xa8: {  	s5 =	sshll.u32 s28, $0x1;
	[dreg:$0x2] =	wrdreg s3  }
0xa9: {  	[dreg:$0x3] =	wrdreg s5  }
0xaa: {  	[dreg:$0x4] =	wrdreg $0xC0  }
0xab: {  	_ =	task [dreg:s7], $0x5FFFF  }
0xac: {  	[dreg:$0x1] =	wrdreg $0xFFFFFFFF  }
0xad: {  	[dreg:$0x0] =	wrdreg $0x60  }
0xae: {  	[dreg:$0x2] =	wrdreg s2  }
0xaf: {  	[dreg:$0x3] =	wrdreg s24  }
0xb0: {  	[dreg:$0x4] =	wrdreg $0x9  }
0xb1: {  	_ =	task.clear_ibuf [dreg:s7], $0x5FFFF;
	_ =	strace $0x90000046  }
0xb2: {  	s29 =	simm.s32 $0x9;
	_ =	strace $0x80000048  }
0xb3: {  	_ =	swait.ge [sflag:s29], $0x1  }
0xb4: {  	[sflag:s29] =	ssyncadd.s32 $0xFFFFFFFF  }
0xb5: {  	_ =	strace $0x90000048  }
0xb6: {  	_ =	sfence  }
0xb7: {  	s30 =	sld [smem:$0x0];
	_ =	sdelay $0x2  }
0xb8: {  	s31 =	sshll.u32 s1, $0xD;
	s1 =	sshrl.u32 s1, $0x2  }
0xb9: {  	s3 =	sand.u32 $0x4000, s31;
	s1 =	sadd.s32 s1, s30  }
0xba: {  	s0 =	sor.u32 s3, s0;
	s1 =	sshll.u32 s1, $0x11  }
0xbb: {  	s0 =	sor.u32 s1, s0  }
0xbc: {  	s0 =	sadd.s32 $0x8F2B, s0  }
0xbd: {  	[sflag:s0] =	ssyncadd.remote.s32 $0x1  }
0xbe: {  	_ =	sfence.sel $0xFFFF  }
0xbf: {  	[dreg:$0x0] =	wrdreg $0xFFFFFFFF;
	(pc) =	sbr.abs _section_cstart, $3  }
0xc0: {  	[dreg:$0x1] =	wrdreg $0xFFFFFFFF  }
0xc1: {  	_ =	task.clear_ibuf [dreg:s7], $0x2FFFF;
	_ =	strace $0x9FFFFFFF  }
0xc2: {  	(tm) =	ssettm $0x7FFFFFFF  }
0xc3: {  	_ =	shalt  }
tec
execute0_lowered:
.L_overlay_start_1:
0x0: {  	(tag) =	ssettag $0x1  }
0x1: {  	s5 =	rddreg [dreg:$0x0]  }
0x2: {  	s6 =	rddreg [dreg:$0x1]  }
0x3: {  	s1 =	srdreg.scid;
	s0 =	rddreg [dreg:$0x2]  }
0x4: {  	s2 =	simm.s32 $0x0;
	s11 =	simm.s32 $0x5000;
	s12 =	simm.s32 $0x7780  }
0x5: {  	s13 =	simm.s32 $0x9F00;
	s14 =	simm.s32 $0x0;
	s3 =	sand.u32 $0x1, s1  }
0x6: {  	s1 =	stileid.u32;
	[smem:$0x7FF] =	sst s2;
	s4 =	sshll.u32 s3, $0x4  }
0x7: {  	_ =	strace $0x80000047;
	s8 =	ssub.s32 $0x2, s3;
	s4 =	sor.u32 s1, s4  }
0x8: {  	s3 =	sadd.s32 $0xB800, s6;
	s9 =	sshrl.u32 s8, $0x1;
	s7 =	smul.u32 $0x500, s4  }
0x9: {  	s4 =	sadd.s32 $0xB200, s6;
	s8 =	ssub.s32 s8, s9;
	s9 =	simm.s32 $0x1  }
0xa: {  	s8 =	smax.u32 s8, $0x1;
	s10 =	sadd.s32 s7, s6;
	s5 =	sadd.s32 s5, s7  }
0xb: {  	s6 =	sadd.s32 $0x1200, s10;
	s7 =	sadd.s32 $0xBE00, s10;
	s10 =	simm.s32 $0x2800  }
.LBB2_1:
0xc: {  	[tilespmem:s2], [sflag:$0x1] =	stream.linear.gather [hbm4b:s5+s2], $0x2800, $0x38;
	[tilespmem:$0xC700] =	vst v63  }
0xd: {  	_ =	swait.ge [sflag:s9], $0x2800  }
0xe: {  	[sflag:s9] =	ssyncset.done $0x0  }
0xf: {  	[sflag:s9] =	ssyncadd.s32 $0xFFFFD800  }
0x10: {  	[tilespmem:s10], [sflag:$0x1] =	stream.linear.gather [hbm4b:s6+s2], $0x2800, $0x38;
	[tilespmem:$0xC700] =	vst v63  }
0x11: {  	_ =	swait.ge [sflag:s9], $0x2800  }
0x12: {  	[sflag:s9] =	ssyncset.done $0x0  }
0x13: {  	[sflag:s9] =	ssyncadd.s32 $0xFFFFD800  }
0x14: {  	[tilespmem:s11], [sflag:$0x1] =	stream.linear.gather [hbm4b:s3+s2], $0x2780, $0x38;
	[tilespmem:$0xC700] =	vst v63  }
0x15: {  	_ =	swait.ge [sflag:s9], $0x2780  }
0x16: {  	[sflag:s9] =	ssyncset.done $0x0  }
0x17: {  	[sflag:s9] =	ssyncadd.s32 $0xFFFFD880  }
0x18: {  	[tilespmem:s12], [sflag:$0x1] =	stream.linear.gather [hbm4b:s4+s2], $0x2780, $0x38;
	[tilespmem:$0xC700] =	vst v63  }
0x19: {  	_ =	swait.ge [sflag:s9], $0x2780  }
0x1a: {  	s15 =	simm.s32 $0x7;
	s16 =	simm.s32 $0x40;
	[sflag:s9] =	ssyncset.done $0x0  }
0x1b: {  	s17 =	simm.s32 $0x2840;
	s18 =	simm.s32 $0x9F40;
	[sflag:s9] =	ssyncadd.s32 $0xFFFFD880  }
.LBB2_2:
0x1c: {  	v0 =	vld [tilespmem:s16+$0xFFFFFFC0]  }
0x1d: {  	v1 =	vld [tilespmem:s17+$0xFFFFFFC0];
	_ =	sdelay $0x6  }
0x1e: {  	v0 =	vld.idx.msk [tilespmem:v0+s11+$0x0], $0xffff  }
0x1f: {  	v1 =	vld.idx.msk [tilespmem:v1+s12+$0x0], $0xffff;
	_ =	sdelay $0x4  }
0x20: {  	v0 =	vadd.f32 v1, v0;
	_ =	sdelay $0x1  }
0x21: {  	v0 =	vadd.f32 v0, v0;
	_ =	sdelay $0x1  }
0x22: {  	v0 =	vmul.f32 $1.442695020e+00, v0;
	_ =	sdelay $0x1  }
0x23: {  	(erf) = vpow2.f32 v0;
	_ =	sdelay $0x8  }
0x24: {  	v0 =	vpop (erf)  }
0x25: {  	v0 =	vadd.f32 $1.000000000e+00, v0;
	_ =	sdelay $0x1  }
0x26: {  	(erf) = vrcp.f32 v0;
	_ =	sdelay $0x8  }
0x27: {  	v0 =	vpop (erf)  }
0x28: {  	v0 =	vadd.f32 v0, v0;
	_ =	sdelay $0x1  }
0x29: {  	v0 =	vsub.f32 $1.000000000e+00, v0;
	_ =	sdelay $0x1  }
0x2a: {  	v0 =	vmul.f32 $1.442695020e+00, v0;
	_ =	sdelay $0x1  }
0x2b: {  	(erf) = vpow2.f32 v0;
	_ =	sdelay $0x7  }
0x2c: {  	s19 =	sadd.s32 $0xFFFFFFF9, s15  }
0x2d: {  	p0 =	slt.s32 s19, $0x271;
	v0 =	vpop (erf)  }
0x2e: {  	v0 =	vpsel !p0, $0x0, v0  }
0x2f: {  	[tilespmem:s18+$0xFFFFFFC0] =	vst v0  }
0x30: {  	v0 =	vld [tilespmem:s16+$0xFFFFFFD0]  }
0x31: {  	v57 =	vld [tilespmem:s17+$0xFFFFFFD0];
	_ =	sdelay $0x6  }
0x32: {  	v0 =	vld.idx.msk [tilespmem:v0+s11+$0x0], $0xffff  }
0x33: {  	v1 =	vld.idx.msk [tilespmem:v57+s12+$0x0], $0xffff;
	_ =	sdelay $0x4  }
0x34: {  	v0 =	vadd.f32 v1, v0;
	_ =	sdelay $0x1  }
0x35: {  	v0 =	vadd.f32 v0, v0;
	_ =	sdelay $0x1  }
0x36: {  	v0 =	vmul.f32 $1.442695020e+00, v0;
	_ =	sdelay $0x1  }
0x37: {  	(erf) = vpow2.f32 v0;
	_ =	sdelay $0x8  }
0x38: {  	v0 =	vpop (erf)  }
0x39: {  	v0 =	vadd.f32 $1.000000000e+00, v0;
	_ =	sdelay $0x1  }
0x3a: {  	(erf) = vrcp.f32 v0;
	_ =	sdelay $0x8  }
0x3b: {  	v0 =	vpop (erf)  }
0x3c: {  	v0 =	vadd.f32 v0, v0;
	_ =	sdelay $0x1  }
0x3d: {  	v0 =	vsub.f32 $1.000000000e+00, v0;
	_ =	sdelay $0x1  }
0x3e: {  	v0 =	vmul.f32 $1.442695020e+00, v0;
	_ =	sdelay $0x1  }
0x3f: {  	(erf) = vpow2.f32 v0;
	_ =	sdelay $0x7  }
0x40: {  	s25 =	sadd.s32 $0xFFFFFFFA, s15  }
0x41: {  	p6 =	slt.s32 s25, $0x271;
	v0 =	vpop (erf)  }
0x42: {  	v0 =	vpsel !p6, $0x0, v0  }
0x43: {  	[tilespmem:s18+$0xFFFFFFD0] =	vst v0  }
0x44: {  	v0 =	vld [tilespmem:s16+$0xFFFFFFE0]  }
0x45: {  	v58 =	vld [tilespmem:s17+$0xFFFFFFE0];
	_ =	sdelay $0x6  }
0x46: {  	v0 =	vld.idx.msk [tilespmem:v0+s11+$0x0], $0xffff  }
0x47: {  	v1 =	vld.idx.msk [tilespmem:v58+s12+$0x0], $0xffff;
	_ =	sdelay $0x4  }
0x48: {  	v0 =	vadd.f32 v1, v0;
	_ =	sdelay $0x1  }
0x49: {  	v0 =	vadd.f32 v0, v0;
	_ =	sdelay $0x1  }
0x4a: {  	v0 =	vmul.f32 $1.442695020e+00, v0;
	_ =	sdelay $0x1  }
0x4b: {  	(erf) = vpow2.f32 v0;
	_ =	sdelay $0x8  }
0x4c: {  	v0 =	vpop (erf)  }
0x4d: {  	v0 =	vadd.f32 $1.000000000e+00, v0;
	_ =	sdelay $0x1  }
0x4e: {  	(erf) = vrcp.f32 v0;
	_ =	sdelay $0x8  }
0x4f: {  	v0 =	vpop (erf)  }
0x50: {  	v0 =	vadd.f32 v0, v0;
	_ =	sdelay $0x1  }
0x51: {  	v0 =	vsub.f32 $1.000000000e+00, v0;
	_ =	sdelay $0x1  }
0x52: {  	v0 =	vmul.f32 $1.442695020e+00, v0;
	_ =	sdelay $0x1  }
0x53: {  	(erf) = vpow2.f32 v0;
	_ =	sdelay $0x7  }
0x54: {  	s26 =	sadd.s32 $0xFFFFFFFB, s15  }
0x55: {  	p1 =	slt.s32 s26, $0x271;
	v0 =	vpop (erf)  }
0x56: {  	v0 =	vpsel !p1, $0x0, v0  }
0x57: {  	[tilespmem:s18+$0xFFFFFFE0] =	vst v0  }
0x58: {  	v0 =	vld [tilespmem:s16+$0xFFFFFFF0]  }
0x59: {  	v59 =	vld [tilespmem:s17+$0xFFFFFFF0];
	_ =	sdelay $0x6  }
0x5a: {  	v0 =	vld.idx.msk [tilespmem:v0+s11+$0x0], $0xffff  }
0x5b: {  	v1 =	vld.idx.msk [tilespmem:v59+s12+$0x0], $0xffff;
	_ =	sdelay $0x4  }
0x5c: {  	v0 =	vadd.f32 v1, v0;
	_ =	sdelay $0x1  }
0x5d: {  	v0 =	vadd.f32 v0, v0;
	_ =	sdelay $0x1  }
0x5e: {  	v0 =	vmul.f32 $1.442695020e+00, v0;
	_ =	sdelay $0x1  }
0x5f: {  	(erf) = vpow2.f32 v0;
	_ =	sdelay $0x8  }
0x60: {  	v0 =	vpop (erf)  }
0x61: {  	v0 =	vadd.f32 $1.000000000e+00, v0;
	_ =	sdelay $0x1  }
0x62: {  	(erf) = vrcp.f32 v0;
	_ =	sdelay $0x8  }
0x63: {  	v0 =	vpop (erf)  }
0x64: {  	v0 =	vadd.f32 v0, v0;
	_ =	sdelay $0x1  }
0x65: {  	v0 =	vsub.f32 $1.000000000e+00, v0;
	_ =	sdelay $0x1  }
0x66: {  	v0 =	vmul.f32 $1.442695020e+00, v0;
	_ =	sdelay $0x1  }
0x67: {  	(erf) = vpow2.f32 v0;
	_ =	sdelay $0x7  }
0x68: {  	s28 =	sadd.s32 $0xFFFFFFFC, s15  }
0x69: {  	p2 =	slt.s32 s28, $0x271;
	v0 =	vpop (erf)  }
0x6a: {  	v0 =	vpsel !p2, $0x0, v0  }
0x6b: {  	[tilespmem:s18+$0xFFFFFFF0] =	vst v0  }
0x6c: {  	v0 =	vld [tilespmem:s16+$0x0]  }
0x6d: {  	v60 =	vld [tilespmem:s17+$0x0];
	_ =	sdelay $0x6  }
0x6e: {  	v0 =	vld.idx.msk [tilespmem:v0+s11+$0x0], $0xffff  }
0x6f: {  	v1 =	vld.idx.msk [tilespmem:v60+s12+$0x0], $0xffff;
	_ =	sdelay $0x4  }
0x70: {  	v0 =	vadd.f32 v1, v0;
	_ =	sdelay $0x1  }
0x71: {  	v0 =	vadd.f32 v0, v0;
	_ =	sdelay $0x1  }
0x72: {  	v0 =	vmul.f32 $1.442695020e+00, v0;
	_ =	sdelay $0x1  }
0x73: {  	(erf) = vpow2.f32 v0;
	_ =	sdelay $0x8  }
0x74: {  	v0 =	vpop (erf)  }
0x75: {  	v0 =	vadd.f32 $1.000000000e+00, v0;
	_ =	sdelay $0x1  }
0x76: {  	(erf) = vrcp.f32 v0;
	_ =	sdelay $0x8  }
0x77: {  	v0 =	vpop (erf)  }
0x78: {  	v0 =	vadd.f32 v0, v0;
	_ =	sdelay $0x1  }
0x79: {  	v0 =	vsub.f32 $1.000000000e+00, v0;
	_ =	sdelay $0x1  }
0x7a: {  	v0 =	vmul.f32 $1.442695020e+00, v0;
	_ =	sdelay $0x1  }
0x7b: {  	(erf) = vpow2.f32 v0;
	_ =	sdelay $0x7  }
0x7c: {  	s29 =	sadd.s32 $0xFFFFFFFD, s15  }
0x7d: {  	p3 =	slt.s32 s29, $0x271;
	v0 =	vpop (erf)  }
0x7e: {  	v0 =	vpsel !p3, $0x0, v0  }
0x7f: {  	[tilespmem:s18+$0x0] =	vst v0  }
0x80: {  	v0 =	vld [tilespmem:s16+$0x10]  }
0x81: {  	v61 =	vld [tilespmem:s17+$0x10];
	_ =	sdelay $0x6  }
0x82: {  	v0 =	vld.idx.msk [tilespmem:v0+s11+$0x0], $0xffff  }
0x83: {  	v1 =	vld.idx.msk [tilespmem:v61+s12+$0x0], $0xffff;
	_ =	sdelay $0x4  }
0x84: {  	v0 =	vadd.f32 v1, v0;
	_ =	sdelay $0x1  }
0x85: {  	v0 =	vadd.f32 v0, v0;
	_ =	sdelay $0x1  }
0x86: {  	v0 =	vmul.f32 $1.442695020e+00, v0;
	_ =	sdelay $0x1  }
0x87: {  	(erf) = vpow2.f32 v0;
	_ =	sdelay $0x8  }
0x88: {  	v0 =	vpop (erf)  }
0x89: {  	v0 =	vadd.f32 $1.000000000e+00, v0;
	_ =	sdelay $0x1  }
0x8a: {  	(erf) = vrcp.f32 v0;
	_ =	sdelay $0x8  }
0x8b: {  	v0 =	vpop (erf)  }
0x8c: {  	v0 =	vadd.f32 v0, v0;
	_ =	sdelay $0x1  }
0x8d: {  	v0 =	vsub.f32 $1.000000000e+00, v0;
	_ =	sdelay $0x1  }
0x8e: {  	v0 =	vmul.f32 $1.442695020e+00, v0;
	_ =	sdelay $0x1  }
0x8f: {  	(erf) = vpow2.f32 v0;
	_ =	sdelay $0x7  }
0x90: {  	s30 =	sadd.s32 $0xFFFFFFFE, s15  }
0x91: {  	p4 =	slt.s32 s30, $0x271;
	v0 =	vpop (erf)  }
0x92: {  	v0 =	vpsel !p4, $0x0, v0  }
0x93: {  	[tilespmem:s18+$0x10] =	vst v0  }
0x94: {  	v0 =	vld [tilespmem:s16+$0x20]  }
0x95: {  	v62 =	vld [tilespmem:s17+$0x20];
	_ =	sdelay $0x6  }
0x96: {  	v0 =	vld.idx.msk [tilespmem:v0+s11+$0x0], $0xffff  }
0x97: {  	v1 =	vld.idx.msk [tilespmem:v62+s12+$0x0], $0xffff;
	_ =	sdelay $0x4  }
0x98: {  	v0 =	vadd.f32 v1, v0;
	_ =	sdelay $0x1  }
0x99: {  	v0 =	vadd.f32 v0, v0;
	_ =	sdelay $0x1  }
0x9a: {  	v0 =	vmul.f32 $1.442695020e+00, v0;
	_ =	sdelay $0x1  }
0x9b: {  	(erf) = vpow2.f32 v0;
	_ =	sdelay $0x8  }
0x9c: {  	v0 =	vpop (erf)  }
0x9d: {  	v0 =	vadd.f32 $1.000000000e+00, v0;
	_ =	sdelay $0x1  }
0x9e: {  	(erf) = vrcp.f32 v0;
	_ =	sdelay $0x8  }
0x9f: {  	v0 =	vpop (erf)  }
0xa0: {  	v0 =	vadd.f32 v0, v0;
	_ =	sdelay $0x1  }
0xa1: {  	v0 =	vsub.f32 $1.000000000e+00, v0;
	_ =	sdelay $0x1  }
0xa2: {  	v0 =	vmul.f32 $1.442695020e+00, v0;
	_ =	sdelay $0x1  }
0xa3: {  	(erf) = vpow2.f32 v0;
	_ =	sdelay $0x7  }
0xa4: {  	s31 =	sadd.s32 $0xFFFFFFFF, s15  }
0xa5: {  	p5 =	slt.s32 s31, $0x271;
	v0 =	vpop (erf)  }
0xa6: {  	v0 =	vpsel !p5, $0x0, v0  }
0xa7: {  	[tilespmem:s18+$0x20] =	vst v0  }
0xa8: {  	v0 =	vld [tilespmem:s16+$0x30]  }
0xa9: {  	v63 =	vld [tilespmem:s17+$0x30];
	_ =	sdelay $0x6  }
0xaa: {  	v0 =	vld.idx.msk [tilespmem:v0+s11+$0x0], $0xffff  }
0xab: {  	v1 =	vld.idx.msk [tilespmem:v63+s12+$0x0], $0xffff;
	_ =	sdelay $0x4  }
0xac: {  	v0 =	vadd.f32 v1, v0;
	_ =	sdelay $0x1  }
0xad: {  	v0 =	vadd.f32 v0, v0;
	_ =	sdelay $0x1  }
0xae: {  	v0 =	vmul.f32 $1.442695020e+00, v0;
	_ =	sdelay $0x1  }
0xaf: {  	(erf) = vpow2.f32 v0;
	_ =	sdelay $0x8  }
0xb0: {  	v0 =	vpop (erf)  }
0xb1: {  	v0 =	vadd.f32 $1.000000000e+00, v0;
	_ =	sdelay $0x1  }
0xb2: {  	(erf) = vrcp.f32 v0;
	_ =	sdelay $0x8  }
0xb3: {  	v0 =	vpop (erf)  }
0xb4: {  	v0 =	vadd.f32 v0, v0;
	_ =	sdelay $0x1  }
0xb5: {  	v0 =	vsub.f32 $1.000000000e+00, v0;
	_ =	sdelay $0x1  }
0xb6: {  	v0 =	vmul.f32 $1.442695020e+00, v0;
	_ =	sdelay $0x1  }
0xb7: {  	(erf) = vpow2.f32 v0;
	_ =	sdelay $0x5  }
0xb8: {  	p0 =	sne.s32 s15, $0x27F  }
.Ltmp0:
0xb9: {  	_ = 	snop;
	(pc) =	sbr.rel @p0 .LBB2_2-.Ltmp0, $4  }
0xba: {  	_ = 	snop  }
0xbb: {  	p6 =	slt.s32 s15, $0x271;
	v0 =	vpop (erf)  }
0xbc: {  	s15 =	sadd.s32 $0x8, s15;
	v0 =	vpsel !p6, $0x0, v0  }
0xbd: {  	s16 =	sadd.s32 $0x80, s16;
	s17 =	sadd.s32 $0x80, s17;
	[tilespmem:s18+$0x30] =	vst v0;
	s18 =	sadd.s32 $0x80, s18  }
0xbe: {  	s14 =	sadd.s32 $0x1, s14  }
0xbf: {  	p0 =	sne.s32 s14, s8  }
.Ltmp1:
0xc0: {  	_ = 	snop;
	(pc) =	sbr.rel @p0 .LBB2_1-.Ltmp1, $4  }
0xc1: {  	[hbm4b:s7+s2] =	stream.linear.scatter [tilespmem:s13], [sflag:$0x1], $0x2800, $0x38;
	[tilespmem:$0xC700] =	vst v63  }
0xc2: {  	_ =	swait.ge [sflag:s9], $0x2800  }
0xc3: {  	[sflag:s9] =	ssyncset.done $0x0  }
0xc4: {  	[sflag:s9] =	ssyncadd.s32 $0xFFFFD800  }
0xc5: {  	_ =	sfence.sel $0x180000  }
0xc6: {  	[bflag:$0x0] =	sbarrier.arrive $0xFFFF  }
0xc7: {  	p0 =	sne.s32 s1, $0x0;
	_ =	strace $0x90000047  }
0xc8: {  	s0 =	sadd.s32 @!p0 $0x100000, s0;
	[bflag:$0x2] =	sbarrier.arrive $0xFFFF  }
0xc9: {  	[sflag:s0] =	ssyncadd.tile.s32 @!p0 $0x1;
	_ =	shalt  }
.Lfunc_end2:
_tile_overlayer_lowered:
.L_overlay_start_2:
0xca: {  	(tag) =	ssettag $0x2  }
0xcb: {  	s0 =	rddreg [dreg:$0x0];
	s2 =	stileid.u32  }
0xcc: {  	s1 =	rddreg [dreg:$0x1];
	p0 =	sne.s32 s2, $0x0  }
0xcd: {  	s3 =	rddreg [dreg:$0x2];
	[bflag:$0x3] =	sbarrier.arrive $0xFFFF;
	s2 =	simm.s32 @!p0 $0x1C01  }
0xce: {  	[timem:s3], [sflag:s2] =	dma.local @!p0 [hbm:s0], s1  }
0xcf: {  	s0 =	simm.s32 @!p0 $0x1  }
0xd0: {  	_ =	swait.ge @!p0 [sflag:s0], s1  }
0xd1: {  	s1 =	ssub.s32 @!p0 $0x0, s1;
	[sflag:s0] =	ssyncset.done @!p0 $0x0  }
0xd2: {  	[sflag:s0] =	ssyncadd.s32 @!p0 s1  }
0xd3: {  	[bflag:$0x3] =	sbarrier.arrive $0xFFFF  }
0xd4: {  	_ =	shalt  }

// kernel: kernel.9.cloned.1.call-start
scs
__scs_entry_jumppad:
0x0: {  	(pc) =	sbr.rel $0x88, $3  }
0x1: {  	(tag) =	ssettag $0x0;
	lr =	simm.s32 $0x1  }
0x2: {  	[smem:$0x3F9D] =	sst lr;
	_ =	strace $0xD0000000  }
0x3: {  	_ = 	snop  }
0x4: {  	_ = 	snop  }
0x5: {  	_ = 	snop  }
0x6: {  	_ = 	snop  }
0x7: {  	_ = 	snop  }
__scs_overlays_trampoline_lowered:
0x8: {  	[smem:$0x3FAC] =	sst s0  }
0x9: {  	[smem:$0x3FAD] =	sst s1  }
0xa: {  	[smem:$0x3FAE] =	sst s2  }
0xb: {  	[smem:$0x3FAF] =	sst s3  }
0xc: {  	[smem:$0x3FB0] =	sst s4  }
0xd: {  	[smem:$0x3FB1] =	sst s5  }
0xe: {  	[smem:$0x3FB2] =	sst s6  }
0xf: {  	[smem:$0x3FB3] =	sst s7  }
0x10: {  	[smem:$0x3FB4] =	sst s8  }
0x11: {  	[smem:$0x3FB5] =	sst s9;
	s0 =	simm.s32 @!p0 $0x0  }
0x12: {  	s1 =	sld [smem:$0x3F9B];
	s0 =	simm.s32 @p0 $0x1  }
0x13: {  	[smem:$0x3FB6] =	sst s0;
	s0 =	simm.s32 @!p1 $0x0  }
0x14: {  	s2 =	sld [smem:$0x3F9A];
	s0 =	simm.s32 @p1 $0x1  }
0x15: {  	[smem:$0x3FB7] =	sst s0;
	s0 =	simm.s32 @!p2 $0x0  }
0x16: {  	s3 =	sld [smem:$0x3FDB];
	s0 =	simm.s32 @p2 $0x1  }
0x17: {  	s4 =	simm.s32 $0x1BF5;
	[smem:$0x3FB9] =	sst s0  }
0x18: {  	s0 =	sld [smem:$0x3F9C];
	_ =	swait.ge [sflag:s4], $0x0  }
0x19: {  	s7 =	sld [smem:$0x3F9D]  }
0x1a: {  	s8 =	sadd.s32 $0xFFFFE003, lr  }
0x1b: {  	s9 =	sadd.s32 $0xFFFFFEF7, lr;
	s5 =	simm.s32 $0xFFFFFFFF;
	p2 =	slt.u32 s8, $0xFFFFF086  }
0x1c: {  	p1 =	slt.u32 s9, $0xF7A;
	s5 =	simm.s32 @!p2 $0x0  }
0x1d: {  	s5 =	simm.s32 @p1 $0x1;
	p0 =	seq.s32 s7, s2  }
0x1e: {  	s7 =	smul.u32 @!p0 $0xF7A, s2;
	p2 =	seq.s32 @!p0 s5, $0x0  }
0x1f: {  	s9 =	smul.u32 $0xF7A, s1;
	s8 =	simm.s32 @!p0 $0x1BF5;
	p2 =	por !p2, p0  }
0x20: {  	[sflag:s8] =	ssyncset.s32 @!p0 $0xFFFFF086;
	s6 =	sadd.s32 @!p0 s3, s7;
	s7 =	simm.s32 @!p0 $0x108  }
0x21: {  	s3 =	sadd.s32 s3, s9;
	s6 =	sadd.s32 @!p0 $0x88, s6;
	s7 =	simm.s32 @p2 $0x1082  }
0x22: {  	[simem:s7], [sflag:s8] =	dma.local @!p0 [hbm:s6], $0xF7A  }
0x23: {  	s9 =	sor.u32 $0xD0000000, s2;
	s6 =	simm.s32 $0x108;
	_ =	swait.ge @!p0 [sflag:s8], $0x0  }
0x24: {  	s3 =	sadd.s32 $0x88, s3;
	s6 =	simm.s32 @!p1 $0x1082;
	[sflag:s4] =	ssyncset.s32 $0xFFFFF086  }
0x25: {  	[simem:s6], [sflag:s4] =	dma.local [hbm:s3], $0xF7A  }
0x26: {  	[smem:$0x3F9D] =	sst s1;
	(tag) =	ssettag s2;
	_ =	strace s9  }
0x27: {  	s1 =	sld [smem:$0x3FAD]  }
0x28: {  	s2 =	sld [smem:$0x3FAE]  }
0x29: {  	s4 =	sld [smem:$0x3FB0]  }
0x2a: {  	p0 =	seq.s32 s5, $0x0;
	s5 =	sld [smem:$0x3FB1]  }
0x2b: {  	s6 =	sld [smem:$0x3FB2]  }
0x2c: {  	s7 =	sld [smem:$0x3FB3]  }
0x2d: {  	s3 =	simm.s32 $0x108;
	s8 =	sld [smem:$0x3FB4]  }
0x2e: {  	s3 =	simm.s32 @!p0 $0x1082;
	s9 =	sld [smem:$0x3FB5]  }
0x2f: {  	lr =	sadd.s32 s0, s3;
	s0 =	sld [smem:$0x3FAC]  }
0x30: {  	s3 =	sld [smem:$0x3FAF]  }
0x31: {  	[smem:$0x3FB8] =	sst s10  }
0x32: {  	s10 =	sld [smem:$0x3FB6];
	_ =	sdelay $0x3  }
0x33: {  	p0 =	seq.s32 s10, $0x1;
	s10 =	sld [smem:$0x3FB8];
	_ =	sdelay $0x3  }
0x34: {  	[smem:$0x3FB8] =	sst s10  }
0x35: {  	s10 =	sld [smem:$0x3FB7];
	_ =	sdelay $0x3  }
0x36: {  	p1 =	seq.s32 s10, $0x1;
	s10 =	sld [smem:$0x3FB8];
	_ =	sdelay $0x3  }
0x37: {  	[smem:$0x3FB8] =	sst s10  }
0x38: {  	s10 =	sld [smem:$0x3FB9]  }
0x39: {  	_ = 	snop;
	(pc) =	sbr.ind lr, $3  }
0x3a: {  	_ = 	snop  }
0x3b: {  	_ = 	snop  }
0x3c: {  	p2 =	seq.s32 s10, $0x1;
	s10 =	sld [smem:$0x3FB8]  }
0x3d: {  	_ =	shalt  }
0x3e: {  	_ =	shalt  }
0x3f: {  	_ =	shalt  }
0x40: {  	_ =	shalt  }
0x41: {  	_ =	shalt  }
0x42: {  	_ =	shalt  }
0x43: {  	_ =	shalt  }
0x44: {  	_ =	shalt  }
0x45: {  	_ =	shalt  }
0x46: {  	_ =	shalt  }
0x47: {  	_ =	shalt  }
0x48: {  	_ =	shalt  }
0x49: {  	_ =	shalt  }
0x4a: {  	_ =	shalt  }
0x4b: {  	_ =	shalt  }
0x4c: {  	_ =	shalt  }
0x4d: {  	_ =	shalt  }
0x4e: {  	_ =	shalt  }
0x4f: {  	_ =	shalt  }
0x50: {  	_ =	shalt  }
0x51: {  	_ =	shalt  }
0x52: {  	_ =	shalt  }
0x53: {  	_ =	shalt  }
0x54: {  	_ =	shalt  }
0x55: {  	_ =	shalt  }
0x56: {  	_ =	shalt  }
0x57: {  	_ =	shalt  }
0x58: {  	_ =	shalt  }
0x59: {  	_ =	shalt  }
0x5a: {  	_ =	shalt  }
0x5b: {  	_ =	shalt  }
0x5c: {  	_ =	shalt  }
0x5d: {  	_ =	shalt  }
0x5e: {  	_ =	shalt  }
0x5f: {  	_ =	shalt  }
0x60: {  	_ =	shalt  }
0x61: {  	_ =	shalt  }
0x62: {  	_ =	shalt  }
0x63: {  	_ =	shalt  }
0x64: {  	_ =	shalt  }
0x65: {  	_ =	shalt  }
0x66: {  	_ =	shalt  }
0x67: {  	_ =	shalt  }
0x68: {  	_ =	shalt  }
0x69: {  	_ =	shalt  }
0x6a: {  	_ =	shalt  }
0x6b: {  	_ =	shalt  }
0x6c: {  	_ =	shalt  }
0x6d: {  	_ =	shalt  }
0x6e: {  	_ =	shalt  }
0x6f: {  	_ =	shalt  }
0x70: {  	_ =	shalt  }
0x71: {  	_ =	shalt  }
0x72: {  	_ =	shalt  }
0x73: {  	_ =	shalt  }
0x74: {  	_ =	shalt  }
0x75: {  	_ =	shalt  }
0x76: {  	_ =	shalt  }
0x77: {  	_ =	shalt  }
0x78: {  	_ =	shalt  }
0x79: {  	_ =	shalt  }
0x7a: {  	_ =	shalt  }
0x7b: {  	_ =	shalt  }
0x7c: {  	_ =	shalt  }
0x7d: {  	_ =	shalt  }
0x7e: {  	_ =	shalt  }
0x7f: {  	_ =	shalt  }
0x80: {  	_ =	shalt  }
0x81: {  	_ =	shalt  }
0x82: {  	_ =	shalt  }
0x83: {  	_ =	shalt  }
0x84: {  	_ =	shalt  }
0x85: {  	_ =	shalt  }
0x86: {  	_ =	shalt  }
0x87: {  	_ =	shalt  }
.Lfunc_end0:
.L_simem_size_0:
called_computation.1_lowered:
.L_overlay_start_0:
0x88: {  	s2 =	sld [smem:$0x3FD9]  }
0x89: {  	s3 =	sld [smem:$0x3FFE];
	_ =	sdelay $0x1  }
0x8a: {  	s1 =	srdreg.scid  }
0x8b: {  	s0 =	sand.u32 $0x1, s1  }
0x8c: {  	s17 =	sshll.u32 s0, $0xA;
	s2 =	sadd.s32 s3, s2  }
0x8d: {  	s2 =	sadd.s32 s2, s17  }
0x8e: {  	[smem:$0x3FC4] =	sst s2  }
0x8f: {  	_ = 	snop  }
0x90: {  	s2 =	sld [smem:$0x3FC9]  }
0x91: {  	s18 =	sld [smem:$0x3FD0];
	(tm) =	ssettm $0x1  }
0x92: {  	s4 =	sld [smem:$0x3FFB];
	_ =	sdelay $0x3  }
0x93: {  	_ =	strace s4  }
0x94: {  	s4 =	sld [smem:$0x3FFC];
	_ =	sdelay $0x3  }
0x95: {  	_ =	strace s4  }
0x96: {  	s4 =	sld [smem:$0x3FFD];
	_ =	sdelay $0x3  }
0x97: {  	_ =	strace s4  }
0x98: {  	_ =	strace $0x8FFFFFFF  }
0x99: {  	s19 =	sld [smem:$0x3FDB];
	_ =	sdelay $0x1  }
0x9a: {  	s5 =	simm.s32 $_scs_section_size  }
0x9b: {  	s6 =	simm.s32 $_size__tile_overlayer_lowered;
	s7 =	simm.s32 $_tile_overlayer_lowered  }
0x9c: {  	s22 =	simm.s32 $0x1BFF;
	s21 =	sshll.u32 s7, $0x1;
	s4 =	sadd.s32 s5, s19  }
0x9d: {  	s8 =	simm.s32 $0x0;
	s20 =	sshll.u32 s6, $0x1;
	s6 =	sadd.s32 s21, s4  }
0x9e: {  	[timem:s8], [sflag:s22] =	dma.local [hbm:s6], s20  }
0x9f: {  	_ =	swait.ge [sflag:s22], s20  }
0xa0: {  	s5 =	ssub.s32 $0x0, s20;
	[sflag:s22] =	ssyncset.done $0x0  }
0xa1: {  	[sflag:s22] =	ssyncadd.s32 s5;
	_ =	sdelay $0x1  }
0xa2: {  	s23 =	simm.s32 $0x1B8B  }
0xa3: {  	_ =	swait.ge [sflag:s23], $0x1  }
0xa4: {  	[sflag:s23] =	ssyncset.done $0x0  }
0xa5: {  	s25 =	simm.s32 $0x1B8E;
	s24 =	sld [smem:$0x3FFE];
	[sflag:s23] =	ssyncadd.s32 $0xFFFFFFFF  }
0xa6: {  	s26 =	simm.s32 $execute0_lowered;
	[smem:$0x3FD2] =	sst s25  }
0xa7: {  	s6 =	sshll.u32 s26, $0x1;
	_ =	strace $0x80000049;
	[dreg:$0x1] =	wrdreg $0xFFFFFFFF  }
0xa8: {  	s28 =	simm.s32 $_size_execute0_lowered;
	s4 =	sadd.s32 s4, s6;
	[dreg:$0x0] =	wrdreg $0x0  }
0xa9: {  	s6 =	sshll.u32 s28, $0x1;
	[dreg:$0x2] =	wrdreg s4  }
0xaa: {  	[dreg:$0x3] =	wrdreg s6  }
0xab: {  	[dreg:$0x4] =	wrdreg $0xC0  }
0xac: {  	_ =	task [dreg:s8], $0x5FFFF  }
0xad: {  	[dreg:$0x1] =	wrdreg $0xFFFFFFFF  }
0xae: {  	[dreg:$0x0] =	wrdreg $0x60  }
0xaf: {  	[dreg:$0x2] =	wrdreg s24  }
0xb0: {  	[dreg:$0x3] =	wrdreg s2  }
0xb1: {  	[dreg:$0x4] =	wrdreg s18  }
0xb2: {  	[dreg:$0x5] =	wrdreg $0x5A800  }
0xb3: {  	[dreg:$0x6] =	wrdreg $0xF6C00  }
0xb4: {  	[dreg:$0x7] =	wrdreg $0x9  }
0xb5: {  	_ =	task.clear_ibuf [dreg:s8], $0x8FFFF;
	_ =	strace $0x90000049  }
0xb6: {  	s29 =	simm.s32 $0x9;
	_ =	strace $0x8000004B  }
0xb7: {  	_ =	swait.ge [sflag:s29], $0x1  }
0xb8: {  	[sflag:s29] =	ssyncadd.s32 $0xFFFFFFFF  }
0xb9: {  	_ =	strace $0x9000004B  }
0xba: {  	_ =	sfence  }
0xbb: {  	s30 =	sld [smem:$0x0];
	_ =	sdelay $0x2  }
0xbc: {  	s31 =	sshll.u32 s1, $0xD;
	s1 =	sshrl.u32 s1, $0x2  }
0xbd: {  	s3 =	sand.u32 $0x4000, s31;
	s1 =	sadd.s32 s1, s30  }
0xbe: {  	s0 =	sor.u32 s3, s0;
	s1 =	sshll.u32 s1, $0x11  }
0xbf: {  	s0 =	sor.u32 s1, s0  }
0xc0: {  	s0 =	sadd.s32 $0x8F2B, s0  }
0xc1: {  	[sflag:s0] =	ssyncadd.remote.s32 $0x1  }
0xc2: {  	_ =	sfence.sel $0xFFFF  }
0xc3: {  	[dreg:$0x0] =	wrdreg $0xFFFFFFFF;
	(pc) =	sbr.abs _section_cstart, $3  }
0xc4: {  	[dreg:$0x1] =	wrdreg $0xFFFFFFFF  }
0xc5: {  	_ =	task.clear_ibuf [dreg:s8], $0x2FFFF;
	_ =	strace $0x9FFFFFFF  }
0xc6: {  	(tm) =	ssettm $0x7FFFFFFF  }
0xc7: {  	_ =	shalt  }
tec
execute0_lowered:
.L_overlay_start_1:
0x0: {  	(tag) =	ssettag $0x1  }
0x1: {  	s4 =	rddreg [dreg:$0x0]  }
0x2: {  	s1 =	rddreg [dreg:$0x1]  }
0x3: {  	s5 =	rddreg [dreg:$0x2]  }
0x4: {  	s2 =	rddreg [dreg:$0x3]  }
0x5: {  	s3 =	rddreg [dreg:$0x4]  }
0x6: {  	s13 =	simm.s32 $0x0;
	s0 =	srdreg.scid;
	s12 =	stileid.u32  }
0x7: {  	s28 =	simm.s32 $0x5;
	s29 =	simm.s32 $0x400;
	s30 =	simm.s32 $0x800  }
0x8: {  	s31 =	simm.s32 $0x80;
	[smem:$0x7FF] =	sst s13;
	s0 =	sand.u32 $0x1, s0  }
0x9: {  	s15 =	sadd.s32 $0x15E00, s4;
	s22 =	sadd.s32 $0x1FE00, s4;
	s7 =	sadd.s32 $0xBE00, s4  }
0xa: {  	s9 =	sadd.s32 $0x9C200, s2;
	_ =	strace $0x8000004A;
	[dreg:$0x9] =	wrdreg s7  }
0xb: {  	s11 =	sadd.s32 $0x27080, s3;
	s10 =	smul.u32 $0x5000, s12;
	[dreg:$0xc] =	wrdreg s9  }
0xc: {  	s4 =	sadd.s32 $0x1200, s4;
	s18 =	smul.u32 $0x2700, s12;
	[dreg:$0xd] =	wrdreg s11  }
0xd: {  	s17 =	sadd.s32 $0x9C000, s2;
	s19 =	smul.u32 $0x9C00, s12;
	[dreg:$0x7] =	wrdreg s15  }
0xe: {  	s20 =	sadd.s32 $0x27000, s3;
	s21 =	smul.u32 $0x27000, s12;
	[dreg:$0x8] =	wrdreg s22  }
0xf: {  	p0 =	sne.s32 s12, $0xF;
	s12 =	simm.s32 $0x780;
	[dreg:$0xa] =	wrdreg s17  }
0x10: {  	s6 =	ssub.s32 $0x2, s0;
	s26 =	smul.u32 $0x9C400, s0;
	[dreg:$0xb] =	wrdreg s20  }
0x11: {  	s8 =	smul.u32 $0x27100, s0;
	s25 =	sshrl.u32 s6, $0x1;
	[dreg:$0xe] =	wrdreg s10  }
0x12: {  	s24 =	sshrl.u32 s19, $0x2;
	s6 =	ssub.s32 s6, s25;
	s14 =	sshrl.u32 s26, $0x3  }
0x13: {  	s16 =	sshrl.u32 s8, $0x3;
	s8 =	sadd.s32 s18, s8;
	s23 =	sadd.s32 s19, s26  }
0x14: {  	s19 =	sadd.s32 s24, s3;
	s25 =	sshrl.u32 s21, $0x2;
	s24 =	simm.s32 $0x1  }
0x15: {  	s18 =	simm.s32 $0x4;
	s9 =	sadd.s32 s5, s14;
	s10 =	sadd.s32 s4, s16  }
0x16: {  	s6 =	smax.u32 s6, $0x1;
	s8 =	sshrl.u32 s8, $0x3;
	s7 =	sadd.s32 s25, s2  }
0x17: {  	s26 =	sshrl.u32 s23, $0x3;
	s23 =	simm.s32 $0x5800;
	[dreg:$0x13] =	wrdreg s6  }
0x18: {  	s25 =	simm.s32 $0x5A00;
	s11 =	sadd.s32 $0x13800, s9;
	[dreg:$0x14] =	wrdreg s7  }
0x19: {  	s16 =	simm.s32 $0x3000;
	s14 =	sadd.s32 $0x4E00, s10;
	[dreg:$0xf] =	wrdreg s11  }
0x1a: {  	s9 =	sadd.s32 $0x13840, s9;
	s10 =	sadd.s32 $0x4E10, s10;
	[dreg:$0x10] =	wrdreg s14  }
0x1b: {  	s21 =	sadd.s32 s8, s4;
	s4 =	sadd.s32 s26, s5;
	[dreg:$0x11] =	wrdreg s9  }
0x1c: {  	s26 =	simm.s32 $0x2;
	s7 =	simm.s32 $0x1000;
	[dreg:$0x12] =	wrdreg s10  }
0x1d: {  	v1 =	vimm.f32 $0.0e+00;
	vm0 =	vmmov $0x1;
	v0 =	vmov s0;
	[dreg:$0x15] =	wrdreg s4;
	s14 =	simm.s32 $0x3;
	s10 =	simm.s32 $0x700  }
.LBB2_1:
0x1e: {  	[tilespmem:$0x5800] =	vst v1  }
0x1f: {  	[tilespmem:$0x5810] =	vst v1  }
0x20: {  	[tilespmem:$0x5820] =	vst v1  }
0x21: {  	[tilespmem:$0x5830] =	vst v1  }
0x22: {  	[tilespmem:$0x5A00] =	vst v1  }
0x23: {  	[tilespmem:$0x5840] =	vst v1  }
0x24: {  	[tilespmem:$0x5850] =	vst v1  }
0x25: {  	[tilespmem:$0x5860] =	vst v1  }
0x26: {  	[tilespmem:$0x5870] =	vst v1  }
0x27: {  	[tilespmem:$0x5A10] =	vst v1  }
0x28: {  	[tilespmem:$0x5880] =	vst v1  }
0x29: {  	[tilespmem:$0x5890] =	vst v1  }
0x2a: {  	[tilespmem:$0x58A0] =	vst v1  }
0x2b: {  	[tilespmem:$0x58B0] =	vst v1  }
0x2c: {  	[tilespmem:$0x5A20] =	vst v1  }
0x2d: {  	[tilespmem:$0x58C0] =	vst v1  }
0x2e: {  	[tilespmem:$0x58D0] =	vst v1  }
0x2f: {  	[tilespmem:$0x58E0] =	vst v1  }
0x30: {  	[tilespmem:$0x58F0] =	vst v1  }
0x31: {  	[tilespmem:$0x5A30] =	vst v1  }
0x32: {  	[tilespmem:$0x5900] =	vst v1  }
0x33: {  	[tilespmem:$0x5910] =	vst v1  }
0x34: {  	[tilespmem:$0x5920] =	vst v1  }
0x35: {  	[tilespmem:$0x5930] =	vst v1  }
0x36: {  	[tilespmem:$0x5A40] =	vst v1  }
0x37: {  	[tilespmem:$0x5940] =	vst v1  }
0x38: {  	[tilespmem:$0x5950] =	vst v1  }
0x39: {  	[tilespmem:$0x5960] =	vst v1  }
0x3a: {  	[tilespmem:$0x5970] =	vst v1  }
0x3b: {  	[tilespmem:$0x5A50] =	vst v1  }
0x3c: {  	[tilespmem:$0x5980] =	vst v1  }
0x3d: {  	[tilespmem:$0x5990] =	vst v1  }
0x3e: {  	[tilespmem:$0x59A0] =	vst v1  }
0x3f: {  	[tilespmem:$0x59B0] =	vst v1  }
0x40: {  	[tilespmem:$0x5A60] =	vst v1  }
0x41: {  	[tilespmem:$0x59C0] =	vst v1  }
0x42: {  	[tilespmem:$0x59D0] =	vst v1  }
0x43: {  	[tilespmem:$0x59E0] =	vst v1  }
0x44: {  	[tilespmem:$0x59F0] =	vst v1  }
0x45: {  	[tilespmem:$0x5A70] =	vst v1;
	s5 =	rddreg [dreg:$0x14]  }
0x46: {  	[spmem:s5] =	stream.linear.scatter [tilespmem:s23], [sflag:$0x1], $0x200, $0x38;
	[tilespmem:$0x11DD0] =	vst v63  }
0x47: {  	_ =	swait.ge [sflag:s24], $0x200  }
0x48: {  	[sflag:s24] =	ssyncset.done $0x0  }
0x49: {  	s0 =	sadd.s32 $0x0, s19;
	[sflag:s24] =	ssyncadd.s32 $0xFFFFFE00  }
0x4a: {  	[spmem:s0] =	stream.linear.scatter [tilespmem:s25], [sflag:$0x2], $0x80, $0x38;
	[tilespmem:$0x11DD0] =	vst v63  }
0x4b: {  	_ =	swait.ge [sflag:s26], $0x80  }
0x4c: {  	s0 =	simm.s32 $0x200;
	[sflag:s26] =	ssyncset.done $0x0  }
.LBB2_2:
0x4d: {  	p1 =	sne.s32 s0, $0x9A00;
	[sflag:s26] =	ssyncadd.s32 $0xFFFFFF80;
	s5 =	sadd.s32 $0x200, s5  }
0x4e: {  	[spmem:s5] =	stream.linear.scatter [tilespmem:s23], [sflag:$0x1], $0x200, $0x38;
	[tilespmem:$0x11DD0] =	vst v63  }
0x4f: {  	s6 =	smov.u32 s0;
	s0 =	sadd.s32 $0x200, s0;
	_ =	swait.ge [sflag:s24], $0x200  }
.Ltmp0:
0x50: {  	s6 =	sshra.s32 s6, $0x2;
	[sflag:s24] =	ssyncset.done $0x0;
	(pc) =	sbr.rel @p1 .LBB2_2-.Ltmp0, $4  }
0x51: {  	s6 =	sadd.s32 s6, s19;
	[sflag:s24] =	ssyncadd.s32 $0xFFFFFE00  }
0x52: {  	[spmem:s6] =	stream.linear.scatter [tilespmem:s25], [sflag:$0x2], $0x80, $0x38;
	[tilespmem:$0x11DD0] =	vst v63  }
0x53: {  	_ =	swait.ge [sflag:s26], $0x80  }
0x54: {  	[sflag:s26] =	ssyncset.done $0x0  }
0x55: {  	[dreg:$0x6] =	wrdreg s13  }
0x56: {  	[sflag:s26] =	ssyncadd.s32 $0xFFFFFF80;
	s0 =	simm.s32 @!p0 $0x5800;
	s5 =	simm.s32 @!p0 $0x1  }
0x57: {  	[spmem:s17] =	stream.linear.scatter @!p0 [tilespmem:s0], [sflag:$0x1], $0x200, $0x38;
	[tilespmem:$0x11DD0] =	vst v63  }
0x58: {  	_ =	swait.ge @!p0 [sflag:s5], $0x200  }
0x59: {  	[sflag:s5] =	ssyncset.done @!p0 $0x0  }
0x5a: {  	s6 =	simm.s32 @!p0 $0x5A00;
	s8 =	simm.s32 @!p0 $0x2;
	[sflag:s5] =	ssyncadd.s32 @!p0 $0xFFFFFE00  }
0x5b: {  	[spmem:s20] =	stream.linear.scatter @!p0 [tilespmem:s6], [sflag:$0x2], $0x80, $0x38;
	[tilespmem:$0x11DD0] =	vst v63  }
0x5c: {  	_ =	swait.ge @!p0 [sflag:s8], $0x80  }
0x5d: {  	[sflag:s8] =	ssyncset.done @!p0 $0x0  }
0x5e: {  	s4 =	rddreg [dreg:$0xc];
	[sflag:s8] =	ssyncadd.s32 @!p0 $0xFFFFFF80  }
0x5f: {  	[spmem:s4] =	stream.linear.scatter @!p0 [tilespmem:s0], [sflag:$0x1], $0x200, $0x38;
	[tilespmem:$0x11DD0] =	vst v63  }
0x60: {  	_ =	swait.ge @!p0 [sflag:s5], $0x200  }
0x61: {  	[sflag:s5] =	ssyncset.done @!p0 $0x0  }
0x62: {  	s0 =	rddreg [dreg:$0xd];
	[sflag:s5] =	ssyncadd.s32 @!p0 $0xFFFFFE00  }
0x63: {  	[spmem:s0] =	stream.linear.scatter @!p0 [tilespmem:s6], [sflag:$0x2], $0x80, $0x38;
	[tilespmem:$0x11DD0] =	vst v63  }
0x64: {  	_ =	swait.ge @!p0 [sflag:s8], $0x80  }
0x65: {  	[sflag:s8] =	ssyncset.done @!p0 $0x0  }
0x66: {  	[sflag:s8] =	ssyncadd.s32 @!p0 $0xFFFFFF80  }
0x67: {  	[bflag:$0x0] =	sbarrier.arrive $0xFFFF  }
0x68: {  	s17 =	simm.s32 $0x0;
	s0 =	simm.s32 $0x0;
	s4 =	rddreg [dreg:$0x9]  }
.LBB2_4:
0x69: {  	s5 =	sshll.u32 s17, $0xA;
	s6 =	rddreg [dreg:$0xe]  }
0x6a: {  	s5 =	sadd.s32 s6, s5  }
0x6b: {  	s5 =	sshrl.u32 s5, $0x3  }
0x6c: {  	s9 =	sadd.s32 s15, s5  }
0x6d: {  	[tilespmem:s0], [sflag:$0x5] =	stream.linear.gather [hbm4b:s9+s0], $0x400, $0x38;
	[tilespmem:$0x11DD0] =	vst v63  }
0x6e: {  	_ =	swait.ge [sflag:s28], $0x400  }
0x6f: {  	[sflag:s28] =	ssyncset.done $0x0  }
0x70: {  	s11 =	sadd.s32 s22, s5;
	[sflag:s28] =	ssyncadd.s32 $0xFFFFFC00  }
0x71: {  	[tilespmem:s29], [sflag:$0x5] =	stream.linear.gather [hbm4b:s11+s0], $0x400, $0x38;
	[tilespmem:$0x11DD0] =	vst v63  }
0x72: {  	_ =	swait.ge [sflag:s28], $0x400  }
0x73: {  	[sflag:s28] =	ssyncset.done $0x0  }
0x74: {  	s5 =	sadd.s32 s4, s5;
	[sflag:s28] =	ssyncadd.s32 $0xFFFFFC00  }
0x75: {  	[tilespmem:s30], [sflag:$0x5] =	stream.linear.gather [hbm4b:s5+s0], $0x400, $0x38;
	[tilespmem:$0x11DD0] =	vst v63  }
0x76: {  	_ =	swait.ge [sflag:s28], $0x400  }
0x77: {  	[sflag:s28] =	ssyncset.done $0x0  }
0x78: {  	[sflag:s28] =	ssyncadd.s32 $0xFFFFFC00  }
0x79: {  	v2 =	vld [tilespmem:$0x0]  }
0x7a: {  	v3 =	vld [tilespmem:$0x10]  }
0x7b: {  	v4 =	vld [tilespmem:$0x20]  }
0x7c: {  	v5 =	vld [tilespmem:$0x30]  }
0x7d: {  	v6 =	vld [tilespmem:$0x40]  }
0x7e: {  	v7 =	vld [tilespmem:$0x50];
	v2 =	vshll.u32 v2, $0x1  }
0x7f: {  	v8 =	vld [tilespmem:$0x60];
	v3 =	vshll.u32 v3, $0x1;
	v2 =	vor.u32 v0, v2  }
0x80: {  	[tilespmem:$0xC00] =	vst v2;
	v2 =	vor.u32 v0, v3;
	v3 =	vshll.u32 v4, $0x1;
	v4 =	vld [tilespmem:$0x70]  }
0x81: {  	[tilespmem:$0xC10] =	vst v2;
	v2 =	vor.u32 v0, v3;
	v3 =	vshll.u32 v5, $0x1;
	v5 =	vld [tilespmem:$0x80]  }
0x82: {  	[tilespmem:$0xC20] =	vst v2;
	v2 =	vor.u32 v0, v3;
	v3 =	vshll.u32 v6, $0x1;
	v6 =	vld [tilespmem:$0x90]  }
0x83: {  	[tilespmem:$0xC30] =	vst v2;
	v2 =	vor.u32 v0, v3;
	v3 =	vshll.u32 v7, $0x1;
	v7 =	vld [tilespmem:$0xA0]  }
0x84: {  	v52 =	vld [tilespmem:$0xB0];
	[tilespmem:$0xC40] =	vst v2;
	v2 =	vor.u32 v0, v3;
	v3 =	vshll.u32 v8, $0x1  }
0x85: {  	[tilespmem:$0xC50] =	vst v2;
	v2 =	vor.u32 v0, v3;
	v3 =	vshll.u32 v4, $0x1;
	v4 =	vld [tilespmem:$0xC0]  }
0x86: {  	[tilespmem:$0xC60] =	vst v2;
	v2 =	vor.u32 v0, v3;
	v3 =	vshll.u32 v5, $0x1;
	v5 =	vld [tilespmem:$0xD0]  }
0x87: {  	[tilespmem:$0xC70] =	vst v2;
	v2 =	vor.u32 v0, v3;
	v3 =	vshll.u32 v6, $0x1;
	v6 =	vld [tilespmem:$0xE0]  }
0x88: {  	[tilespmem:$0xC80] =	vst v2;
	v2 =	vor.u32 v0, v3;
	v3 =	vshll.u32 v7, $0x1;
	v7 =	vld [tilespmem:$0xF0]  }
0x89: {  	v53 =	vld [tilespmem:$0x100];
	[tilespmem:$0xC90] =	vst v2;
	v2 =	vor.u32 v0, v3;
	v3 =	vshll.u32 v52, $0x1  }
0x8a: {  	[tilespmem:$0xCA0] =	vst v2;
	v2 =	vor.u32 v0, v3;
	v3 =	vshll.u32 v4, $0x1;
	v4 =	vld [tilespmem:$0x110]  }
0x8b: {  	[tilespmem:$0xCB0] =	vst v2;
	v2 =	vor.u32 v0, v3;
	v3 =	vshll.u32 v5, $0x1;
	v5 =	vld [tilespmem:$0x120]  }
0x8c: {  	[tilespmem:$0xCC0] =	vst v2;
	v2 =	vor.u32 v0, v3;
	v3 =	vshll.u32 v6, $0x1;
	v6 =	vld [tilespmem:$0x130]  }
0x8d: {  	[tilespmem:$0xCD0] =	vst v2;
	v2 =	vor.u32 v0, v3;
	v3 =	vshll.u32 v7, $0x1;
	v7 =	vld [tilespmem:$0x140]  }
0x8e: {  	v54 =	vld [tilespmem:$0x150];
	[tilespmem:$0xCE0] =	vst v2;
	v2 =	vor.u32 v0, v3;
	v3 =	vshll.u32 v53, $0x1  }
0x8f: {  	[tilespmem:$0xCF0] =	vst v2;
	v2 =	vor.u32 v0, v3;
	v3 =	vshll.u32 v4, $0x1;
	v4 =	vld [tilespmem:$0x160]  }
0x90: {  	[tilespmem:$0xD00] =	vst v2;
	v2 =	vor.u32 v0, v3;
	v3 =	vshll.u32 v5, $0x1;
	v5 =	vld [tilespmem:$0x170]  }
0x91: {  	[tilespmem:$0xD10] =	vst v2;
	v2 =	vor.u32 v0, v3;
	v3 =	vshll.u32 v6, $0x1;
	v6 =	vld [tilespmem:$0x180]  }
0x92: {  	[tilespmem:$0xD20] =	vst v2;
	v2 =	vor.u32 v0, v3;
	v3 =	vshll.u32 v7, $0x1;
	v7 =	vld [tilespmem:$0x190]  }
0x93: {  	v55 =	vld [tilespmem:$0x1A0];
	[tilespmem:$0xD30] =	vst v2;
	v2 =	vor.u32 v0, v3;
	v3 =	vshll.u32 v54, $0x1  }
0x94: {  	[tilespmem:$0xD40] =	vst v2;
	v2 =	vor.u32 v0, v3;
	v3 =	vshll.u32 v4, $0x1;
	v4 =	vld [tilespmem:$0x1B0]  }
0x95: {  	[tilespmem:$0xD50] =	vst v2;
	v2 =	vor.u32 v0, v3;
	v3 =	vshll.u32 v5, $0x1;
	v5 =	vld [tilespmem:$0x1C0]  }
0x96: {  	[tilespmem:$0xD60] =	vst v2;
	v2 =	vor.u32 v0, v3;
	v3 =	vshll.u32 v6, $0x1;
	v6 =	vld [tilespmem:$0x1D0]  }
0x97: {  	[tilespmem:$0xD70] =	vst v2;
	v2 =	vor.u32 v0, v3;
	v3 =	vshll.u32 v7, $0x1;
	v7 =	vld [tilespmem:$0x1E0]  }
0x98: {  	v56 =	vld [tilespmem:$0x1F0];
	[tilespmem:$0xD80] =	vst v2;
	v2 =	vor.u32 v0, v3;
	v3 =	vshll.u32 v55, $0x1  }
0x99: {  	[tilespmem:$0xD90] =	vst v2;
	v2 =	vor.u32 v0, v3;
	v3 =	vshll.u32 v4, $0x1;
	v4 =	vld [tilespmem:$0x200]  }
0x9a: {  	[tilespmem:$0xDA0] =	vst v2;
	v2 =	vor.u32 v0, v3;
	v3 =	vshll.u32 v5, $0x1;
	v5 =	vld [tilespmem:$0x210]  }
0x9b: {  	[tilespmem:$0xDB0] =	vst v2;
	v2 =	vor.u32 v0, v3;
	v3 =	vshll.u32 v6, $0x1;
	v6 =	vld [tilespmem:$0x220]  }
0x9c: {  	[tilespmem:$0xDC0] =	vst v2;
	v2 =	vor.u32 v0, v3;
	v3 =	vshll.u32 v7, $0x1;
	v7 =	vld [tilespmem:$0x230]  }
0x9d: {  	v57 =	vld [tilespmem:$0x240];
	[tilespmem:$0xDD0] =	vst v2;
	v2 =	vor.u32 v0, v3;
	v3 =	vshll.u32 v56, $0x1  }
0x9e: {  	[tilespmem:$0xDE0] =	vst v2;
	v2 =	vor.u32 v0, v3;
	v3 =	vshll.u32 v4, $0x1;
	v4 =	vld [tilespmem:$0x250]  }
0x9f: {  	[tilespmem:$0xDF0] =	vst v2;
	v2 =	vor.u32 v0, v3;
	v3 =	vshll.u32 v5, $0x1;
	v5 =	vld [tilespmem:$0x260]  }
0xa0: {  	[tilespmem:$0xE00] =	vst v2;
	v2 =	vor.u32 v0, v3;
	v3 =	vshll.u32 v6, $0x1;
	v6 =	vld [tilespmem:$0x270]  }
0xa1: {  	[tilespmem:$0xE10] =	vst v2;
	v2 =	vor.u32 v0, v3;
	v3 =	vshll.u32 v7, $0x1;
	v7 =	vld [tilespmem:$0x280]  }
0xa2: {  	v58 =	vld [tilespmem:$0x290];
	[tilespmem:$0xE20] =	vst v2;
	v2 =	vor.u32 v0, v3;
	v3 =	vshll.u32 v57, $0x1  }
0xa3: {  	[tilespmem:$0xE30] =	vst v2;
	v2 =	vor.u32 v0, v3;
	v3 =	vshll.u32 v4, $0x1;
	v4 =	vld [tilespmem:$0x2A0]  }
0xa4: {  	[tilespmem:$0xE40] =	vst v2;
	v2 =	vor.u32 v0, v3;
	v3 =	vshll.u32 v5, $0x1;
	v5 =	vld [tilespmem:$0x2B0]  }
0xa5: {  	[tilespmem:$0xE50] =	vst v2;
	v2 =	vor.u32 v0, v3;
	v3 =	vshll.u32 v6, $0x1;
	v6 =	vld [tilespmem:$0x2C0]  }
0xa6: {  	[tilespmem:$0xE60] =	vst v2;
	v2 =	vor.u32 v0, v3;
	v3 =	vshll.u32 v7, $0x1;
	v7 =	vld [tilespmem:$0x2D0]  }
0xa7: {  	v59 =	vld [tilespmem:$0x2E0];
	[tilespmem:$0xE70] =	vst v2;
	v2 =	vor.u32 v0, v3;
	v3 =	vshll.u32 v58, $0x1  }
0xa8: {  	[tilespmem:$0xE80] =	vst v2;
	v2 =	vor.u32 v0, v3;
	v3 =	vshll.u32 v4, $0x1;
	v4 =	vld [tilespmem:$0x2F0]  }
0xa9: {  	[tilespmem:$0xE90] =	vst v2;
	v2 =	vor.u32 v0, v3;
	v3 =	vshll.u32 v5, $0x1;
	v5 =	vld [tilespmem:$0x300]  }
0xaa: {  	[tilespmem:$0xEA0] =	vst v2;
	v2 =	vor.u32 v0, v3;
	v3 =	vshll.u32 v6, $0x1;
	v6 =	vld [tilespmem:$0x310]  }
0xab: {  	[tilespmem:$0xEB0] =	vst v2;
	v2 =	vor.u32 v0, v3;
	v3 =	vshll.u32 v7, $0x1;
	v7 =	vld [tilespmem:$0x320]  }
0xac: {  	v60 =	vld [tilespmem:$0x330];
	[tilespmem:$0xEC0] =	vst v2;
	v2 =	vor.u32 v0, v3;
	v3 =	vshll.u32 v59, $0x1  }
0xad: {  	[tilespmem:$0xED0] =	vst v2;
	v2 =	vor.u32 v0, v3;
	v3 =	vshll.u32 v4, $0x1;
	v4 =	vld [tilespmem:$0x340]  }
0xae: {  	[tilespmem:$0xEE0] =	vst v2;
	v2 =	vor.u32 v0, v3;
	v3 =	vshll.u32 v5, $0x1;
	v5 =	vld [tilespmem:$0x350]  }
0xaf: {  	[tilespmem:$0xEF0] =	vst v2;
	v2 =	vor.u32 v0, v3;
	v3 =	vshll.u32 v6, $0x1;
	v6 =	vld [tilespmem:$0x360]  }
0xb0: {  	[tilespmem:$0xF00] =	vst v2;
	v2 =	vor.u32 v0, v3;
	v3 =	vshll.u32 v7, $0x1;
	v7 =	vld [tilespmem:$0x370]  }
0xb1: {  	v61 =	vld [tilespmem:$0x380];
	[tilespmem:$0xF10] =	vst v2;
	v2 =	vor.u32 v0, v3;
	v3 =	vshll.u32 v60, $0x1  }
0xb2: {  	[tilespmem:$0xF20] =	vst v2;
	v2 =	vor.u32 v0, v3;
	v3 =	vshll.u32 v4, $0x1;
	v4 =	vld [tilespmem:$0x390]  }
0xb3: {  	[tilespmem:$0xF30] =	vst v2;
	v2 =	vor.u32 v0, v3;
	v3 =	vshll.u32 v5, $0x1;
	v5 =	vld [tilespmem:$0x3A0]  }
0xb4: {  	[tilespmem:$0xF40] =	vst v2;
	v2 =	vor.u32 v0, v3;
	v3 =	vshll.u32 v6, $0x1;
	v6 =	vld [tilespmem:$0x3B0]  }
0xb5: {  	[tilespmem:$0xF50] =	vst v2;
	v2 =	vor.u32 v0, v3;
	v3 =	vshll.u32 v7, $0x1;
	v7 =	vld [tilespmem:$0x3C0]  }
0xb6: {  	v62 =	vld [tilespmem:$0x3D0];
	[tilespmem:$0xF60] =	vst v2;
	v2 =	vor.u32 v0, v3;
	v3 =	vshll.u32 v61, $0x1  }
0xb7: {  	[tilespmem:$0xF70] =	vst v2;
	v2 =	vor.u32 v0, v3;
	v3 =	vshll.u32 v4, $0x1;
	v4 =	vld [tilespmem:$0x3E0]  }
0xb8: {  	[tilespmem:$0xF80] =	vst v2;
	v2 =	vor.u32 v0, v3;
	v3 =	vshll.u32 v5, $0x1;
	v5 =	vld [tilespmem:$0x3F0]  }
0xb9: {  	[tilespmem:$0xF90] =	vst v2;
	v2 =	vor.u32 v0, v3;
	v3 =	vshll.u32 v6, $0x1  }
0xba: {  	[tilespmem:$0xFA0] =	vst v2;
	v2 =	vor.u32 v0, v3;
	v3 =	vshll.u32 v7, $0x1  }
0xbb: {  	[tilespmem:$0xFB0] =	vst v2;
	v2 =	vor.u32 v0, v3;
	v3 =	vshll.u32 v62, $0x1  }
0xbc: {  	[tilespmem:$0xFC0] =	vst v2;
	v2 =	vor.u32 v0, v3;
	v3 =	vshll.u32 v4, $0x1  }
0xbd: {  	[tilespmem:$0xFD0] =	vst v2;
	v2 =	vor.u32 v0, v3;
	v3 =	vshll.u32 v5, $0x1  }
0xbe: {  	[tilespmem:$0xFE0] =	vst v2;
	v2 =	vor.u32 v0, v3  }
0xbf: {  	s13 =	simm.s32 $0xC00;
	[tilespmem:$0xFF0] =	vst v2  }
0xc0: {  	[tilespmem:s7], [sflag:$0x3] =	stream.indirect.gather [hbm4b:s1+s31], $0x40, s13, s31, $0xb8;
	[tilespmem:$0x11DD0] =	vst v63  }
0xc1: {  	_ =	swait.ge [sflag:s14], $0x2000  }
0xc2: {  	v2 =	vmov s0;
	[sflag:s14] =	ssyncset.done $0x0  }
0xc3: {  	s20 =	simm.s32 $0xC80;
	s5 =	simm.s32 $0x1020;
	[sflag:s14] =	ssyncadd.s32 $0xFFFFE000  }
0xc4: {  	[tilespmem:s16], [sflag:$0x3] =	stream.indirect.gather [hbm4b:s1+s31], $0x40, s20, s31, $0xb8;
	[tilespmem:$0x11DD0] =	vst v63  }
0xc5: {  	v4 =	vld [tilespmem:s5+$0x0]  }
0xc6: {  	v3 =	vld [tilespmem:s5+$0x10]  }
0xc7: {  	v6 =	vld.idx.msk [tilespmem:v2+s30+$0x0], $0xffff  }
0xc8: {  	v2 =	vld [tilespmem:s5+$0xFFFFFFE0]  }
0xc9: {  	v7 =	vld [tilespmem:s5+$0xFFFFFFF0];
	_ =	sdelay $0x2  }
0xca: {  	v63 =	vmul.f32 v3, v6  }
0xcb: {  	s8 =	simm.s32 $0x1;
	v5 =	vmul.f32 v2, v6  }
0xcc: {  	s6 =	simm.s32 $0x5000;
	s13 =	simm.s32 $0x1020;
	s20 =	simm.s32 $0x5000;
	v3 =	vmul.f32 v7, v6;
	v2 =	vmul.f32 v4, v6;
	v4 =	vnsel vm0, $0x0, v6;
	[tilespmem:s5+$0x10] =	vst v63  }
.LBB2_5:
0xcd: {  	p1 =	sne.s32 s8, $0x7F;
	[tilespmem:s5+$0xFFFFFFE0] =	vst v5;
	s6 =	sadd.s32 $0x10, s6;
	s13 =	sadd.s32 $0x40, s13  }
0xce: {  	v5 =	vmov s8;
	s8 =	sadd.s32 $0x1, s8;
	[tilespmem:s5+$0xFFFFFFF0] =	vst v3  }
0xcf: {  	[tilespmem:s5+$0x0] =	vst v2;
	s5 =	smov.u32 s13  }
0xd0: {  	[tilespmem:s20+$0x0] =	vst v4;
	s20 =	smov.u32 s6  }
0xd1: {  	v2 =	vld [tilespmem:s13+$0x0]  }
0xd2: {  	v3 =	vld [tilespmem:s13+$0x10]  }
0xd3: {  	v4 =	vld.idx.msk [tilespmem:v5+s30+$0x0], $0xffff  }
0xd4: {  	v5 =	vld [tilespmem:s13+$0xFFFFFFE0]  }
0xd5: {  	v6 =	vld [tilespmem:s13+$0xFFFFFFF0];
	_ =	sdelay $0x1  }
.Ltmp1:
0xd6: {  	(pc) =	sbr.rel @p1 .LBB2_5-.Ltmp1, $4  }
0xd7: {  	_ = 	snop  }
0xd8: {  	v7 =	vmul.f32 v3, v4;
	v5 =	vmul.f32 v5, v4  }
0xd9: {  	v2 =	vmul.f32 v2, v4;
	v3 =	vmul.f32 v6, v4  }
0xda: {  	v4 =	vnsel vm0, $0x0, v4;
	[tilespmem:s13+$0x10] =	vst v7  }
0xdb: {  	[tilespmem:s5+$0xFFFFFFE0] =	vst v5  }
0xdc: {  	[tilespmem:s5+$0xFFFFFFF0] =	vst v3  }
0xdd: {  	[tilespmem:s5+$0x0] =	vst v2  }
0xde: {  	[tilespmem:s20+$0x0] =	vst v4  }
0xdf: {  	[spmem:s2] =	stream.indirect.scatter.add.f32 [tilespmem:s7], [sflag:$0x1], $0x40, s29, s31, $0xb8;
	[tilespmem:$0x11DD0] =	vst v63  }
0xe0: {  	s20 =	simm.s32 $0x5000  }
0xe1: {  	[spmem:s3] =	stream.indirect.scatter.add.f32 [tilespmem:s20], [sflag:$0x4], $0x10, s29, s31, $0xb8;
	[tilespmem:$0x11DD0] =	vst v63  }
0xe2: {  	_ =	swait.ge [sflag:s14], $0x2000  }
0xe3: {  	s11 =	simm.s32 $0x0;
	[sflag:s14] =	ssyncset.done $0x0  }
0xe4: {  	v2 =	vmov s11;
	[sflag:s14] =	ssyncadd.s32 $0xFFFFE000  }
0xe5: {  	v2 =	vand.u32 $0x7F, v2;
	_ =	swait.ge [sflag:s24], $0x2000  }
0xe6: {  	v2 =	vor.u32 $0x80, v2;
	[sflag:s24] =	ssyncset.done $0x0  }
0xe7: {  	s13 =	simm.s32 $0xD00;
	v2 =	vbroadcast v2, $0x0;
	[sflag:s24] =	ssyncadd.s32 $0xFFFFE000  }
0xe8: {  	[tilespmem:s7], [sflag:$0x3] =	stream.indirect.gather [hbm4b:s1+s31], $0x40, s13, s31, $0xb8;
	[tilespmem:$0x11DD0] =	vst v63  }
0xe9: {  	_ =	swait.ge [sflag:s18], $0x800  }
0xea: {  	[sflag:s18] =	ssyncset.done $0x0  }
0xeb: {  	s5 =	simm.s32 $0x3020;
	[sflag:s18] =	ssyncadd.s32 $0xFFFFF800  }
0xec: {  	v3 =	vld [tilespmem:s5+$0xFFFFFFE0]  }
0xed: {  	v2 =	vld.idx.msk [tilespmem:v2+s30+$0x0], $0xffff  }
0xee: {  	s6 =	simm.s32 $0x1;
	v4 =	vld [tilespmem:s5+$0xFFFFFFF0]  }
0xef: {  	v5 =	vmov s6;
	v6 =	vld [tilespmem:s5+$0x0]  }
0xf0: {  	v5 =	vand.u32 $0x7F, v5  }
0xf1: {  	v8 =	vor.u32 $0x80, v5;
	v5 =	vld [tilespmem:s5+$0x10];
	_ =	sdelay $0x1  }
0xf2: {  	v7 =	vmul.f32 v3, v2;
	v4 =	vmul.f32 v4, v2  }
0xf3: {  	s9 =	simm.s32 $0x2;
	s8 =	simm.s32 $0x5000;
	s6 =	simm.s32 $0x3020;
	v3 =	vbroadcast v8, $0x0;
	v6 =	vmul.f32 v6, v2  }
.LBB2_7:
0xf4: {  	s20 =	sadd.s32 $0x10, s20  }
0xf5: {  	[tilespmem:s5+$0xFFFFFFE0] =	vst v7;
	v5 =	vmul.f32 v5, v2;
	s6 =	sadd.s32 $0x40, s6;
	s11 =	smov.u32 s9;
	s13 =	sadd.s32 $0x1, s9  }
0xf6: {  	p1 =	sne.s32 s9, $0x7F;
	[tilespmem:s5+$0x0] =	vst v6  }
0xf7: {  	v2 =	vnsel vm0, $0x0, v2;
	[tilespmem:s5+$0xFFFFFFF0] =	vst v4  }
0xf8: {  	[tilespmem:s5+$0x10] =	vst v5;
	s5 =	smov.u32 s6  }
0xf9: {  	[tilespmem:s8+$0x0] =	vst v2;
	s8 =	smov.u32 s20  }
0xfa: {  	v4 =	vld [tilespmem:s6+$0xFFFFFFE0]  }
0xfb: {  	v2 =	vld.idx.msk [tilespmem:v3+s30+$0x0], $0xffff  }
0xfc: {  	v3 =	vld [tilespmem:s6+$0xFFFFFFF0]  }
0xfd: {  	v6 =	vld [tilespmem:s6+$0x0]  }
.Ltmp2:
0xfe: {  	v5 =	vld [tilespmem:s6+$0x10];
	(pc) =	sbr.rel @p1 .LBB2_7-.Ltmp2, $4  }
0xff: {  	v7 =	vmov s11  }
0x100: {  	v7 =	vand.u32 $0x7F, v7  }
0x101: {  	v8 =	vor.u32 $0x80, v7;
	v7 =	vmul.f32 v4, v2;
	v4 =	vmul.f32 v3, v2  }
0x102: {  	s9 =	smov.u32 s13;
	v3 =	vbroadcast v8, $0x0;
	v6 =	vmul.f32 v6, v2  }
0x103: {  	[tilespmem:s5+$0xFFFFFFE0] =	vst v7  }
0x104: {  	v5 =	vmul.f32 v5, v2;
	[tilespmem:s5+$0xFFFFFFF0] =	vst v4  }
0x105: {  	[tilespmem:s5+$0x0] =	vst v6  }
0x106: {  	v2 =	vnsel vm0, $0x0, v2;
	[tilespmem:s5+$0x10] =	vst v5  }
0x107: {  	s13 =	sadd.s32 $0x40, s6;
	[tilespmem:s8+$0x0] =	vst v2  }
0x108: {  	v2 =	vld [tilespmem:s13+$0xFFFFFFE0]  }
0x109: {  	v3 =	vld.idx.msk [tilespmem:v3+s30+$0x0], $0xffff  }
0x10a: {  	v4 =	vld [tilespmem:s13+$0x0]  }
0x10b: {  	v5 =	vld [tilespmem:s13+$0xFFFFFFF0]  }
0x10c: {  	v6 =	vld [tilespmem:s13+$0x10];
	_ =	sdelay $0x1  }
0x10d: {  	v2 =	vmul.f32 v2, v3  }
0x10e: {  	v4 =	vmul.f32 v4, v3  }
0x10f: {  	v5 =	vmul.f32 v5, v3;
	[tilespmem:s13+$0xFFFFFFE0] =	vst v2  }
0x110: {  	v2 =	vmul.f32 v6, v3;
	[tilespmem:s13+$0x0] =	vst v4  }
0x111: {  	[tilespmem:s13+$0xFFFFFFF0] =	vst v5  }
0x112: {  	s20 =	sadd.s32 $0x10, s20;
	v3 =	vnsel vm0, $0x0, v3;
	[tilespmem:s13+$0x10] =	vst v2  }
0x113: {  	s8 =	simm.s32 $0x480;
	[tilespmem:s20+$0x0] =	vst v3  }
0x114: {  	[spmem:s2] =	stream.indirect.scatter.add.f32 [tilespmem:s16], [sflag:$0x2], $0x40, s8, s31, $0xb8;
	[tilespmem:$0x11DD0] =	vst v63  }
0x115: {  	s20 =	simm.s32 $0x5000  }
0x116: {  	[spmem:s3] =	stream.indirect.scatter.add.f32 [tilespmem:s20], [sflag:$0x4], $0x10, s8, s31, $0xb8;
	[tilespmem:$0x11DD0] =	vst v63  }
0x117: {  	_ =	swait.ge [sflag:s14], $0x2000  }
0x118: {  	s9 =	simm.s32 $0x0;
	[sflag:s14] =	ssyncset.done $0x0  }
0x119: {  	v2 =	vmov s9;
	[sflag:s14] =	ssyncadd.s32 $0xFFFFE000  }
0x11a: {  	v2 =	vand.u32 $0x7F, v2;
	_ =	swait.ge [sflag:s26], $0x2000  }
0x11b: {  	v2 =	vor.u32 $0x100, v2;
	[sflag:s26] =	ssyncset.done $0x0  }
0x11c: {  	s11 =	simm.s32 $0xD80;
	v2 =	vbroadcast v2, $0x0;
	[sflag:s26] =	ssyncadd.s32 $0xFFFFE000  }
0x11d: {  	[tilespmem:s16], [sflag:$0x3] =	stream.indirect.gather [hbm4b:s1+s31], $0x40, s11, s31, $0xb8;
	[tilespmem:$0x11DD0] =	vst v63  }
0x11e: {  	_ =	swait.ge [sflag:s18], $0x800  }
0x11f: {  	[sflag:s18] =	ssyncset.done $0x0  }
0x120: {  	s5 =	simm.s32 $0x1020;
	[sflag:s18] =	ssyncadd.s32 $0xFFFFF800  }
0x121: {  	v3 =	vld [tilespmem:s5+$0xFFFFFFE0]  }
0x122: {  	v2 =	vld.idx.msk [tilespmem:v2+s30+$0x0], $0xffff  }
0x123: {  	s13 =	simm.s32 $0x1;
	v4 =	vld [tilespmem:s5+$0xFFFFFFF0]  }
0x124: {  	v5 =	vmov s13;
	v6 =	vld [tilespmem:s5+$0x0]  }
0x125: {  	v5 =	vand.u32 $0x7F, v5  }
0x126: {  	v8 =	vor.u32 $0x100, v5;
	v5 =	vld [tilespmem:s5+$0x10];
	_ =	sdelay $0x1  }
0x127: {  	v7 =	vmul.f32 v3, v2;
	v4 =	vmul.f32 v4, v2  }
0x128: {  	s6 =	simm.s32 $0x1020;
	s9 =	simm.s32 $0x2;
	s8 =	simm.s32 $0x5000;
	v3 =	vbroadcast v8, $0x0;
	v6 =	vmul.f32 v6, v2  }
.LBB2_9:
0x129: {  	s20 =	sadd.s32 $0x10, s20  }
0x12a: {  	[tilespmem:s5+$0xFFFFFFE0] =	vst v7;
	v5 =	vmul.f32 v5, v2;
	s6 =	sadd.s32 $0x40, s6;
	s11 =	smov.u32 s9;
	s13 =	sadd.s32 $0x1, s9  }
0x12b: {  	p1 =	sne.s32 s9, $0x7F;
	[tilespmem:s5+$0x0] =	vst v6  }
0x12c: {  	v2 =	vnsel vm0, $0x0, v2;
	[tilespmem:s5+$0xFFFFFFF0] =	vst v4  }
0x12d: {  	[tilespmem:s5+$0x10] =	vst v5;
	s5 =	smov.u32 s6  }
0x12e: {  	[tilespmem:s8+$0x0] =	vst v2;
	s8 =	smov.u32 s20  }
0x12f: {  	v4 =	vld [tilespmem:s6+$0xFFFFFFE0]  }
0x130: {  	v2 =	vld.idx.msk [tilespmem:v3+s30+$0x0], $0xffff  }
0x131: {  	v3 =	vld [tilespmem:s6+$0xFFFFFFF0]  }
0x132: {  	v6 =	vld [tilespmem:s6+$0x0]  }
.Ltmp3:
0x133: {  	v5 =	vld [tilespmem:s6+$0x10];
	(pc) =	sbr.rel @p1 .LBB2_9-.Ltmp3, $4  }
0x134: {  	v7 =	vmov s11  }
0x135: {  	v7 =	vand.u32 $0x7F, v7  }
0x136: {  	v8 =	vor.u32 $0x100, v7;
	v7 =	vmul.f32 v4, v2;
	v4 =	vmul.f32 v3, v2  }
0x137: {  	s9 =	smov.u32 s13;
	v3 =	vbroadcast v8, $0x0;
	v6 =	vmul.f32 v6, v2  }
0x138: {  	[tilespmem:s5+$0xFFFFFFE0] =	vst v7  }
0x139: {  	v5 =	vmul.f32 v5, v2;
	[tilespmem:s5+$0xFFFFFFF0] =	vst v4  }
0x13a: {  	[tilespmem:s5+$0x0] =	vst v6  }
0x13b: {  	v2 =	vnsel vm0, $0x0, v2;
	[tilespmem:s5+$0x10] =	vst v5  }
0x13c: {  	s13 =	sadd.s32 $0x40, s6;
	[tilespmem:s8+$0x0] =	vst v2  }
0x13d: {  	v2 =	vld [tilespmem:s13+$0xFFFFFFE0]  }
0x13e: {  	v3 =	vld.idx.msk [tilespmem:v3+s30+$0x0], $0xffff  }
0x13f: {  	v4 =	vld [tilespmem:s13+$0x0]  }
0x140: {  	v5 =	vld [tilespmem:s13+$0xFFFFFFF0]  }
0x141: {  	v6 =	vld [tilespmem:s13+$0x10];
	_ =	sdelay $0x1  }
0x142: {  	v2 =	vmul.f32 v2, v3  }
0x143: {  	v4 =	vmul.f32 v4, v3  }
0x144: {  	v5 =	vmul.f32 v5, v3;
	[tilespmem:s13+$0xFFFFFFE0] =	vst v2  }
0x145: {  	v2 =	vmul.f32 v6, v3;
	[tilespmem:s13+$0x0] =	vst v4  }
0x146: {  	[tilespmem:s13+$0xFFFFFFF0] =	vst v5  }
0x147: {  	s20 =	sadd.s32 $0x10, s20;
	v3 =	vnsel vm0, $0x0, v3;
	[tilespmem:s13+$0x10] =	vst v2  }
0x148: {  	s8 =	simm.s32 $0x500;
	[tilespmem:s20+$0x0] =	vst v3  }
0x149: {  	[spmem:s2] =	stream.indirect.scatter.add.f32 [tilespmem:s7], [sflag:$0x1], $0x40, s8, s31, $0xb8;
	[tilespmem:$0x11DD0] =	vst v63  }
0x14a: {  	s20 =	simm.s32 $0x5000  }
0x14b: {  	[spmem:s3] =	stream.indirect.scatter.add.f32 [tilespmem:s20], [sflag:$0x4], $0x10, s8, s31, $0xb8;
	[tilespmem:$0x11DD0] =	vst v63  }
0x14c: {  	_ =	swait.ge [sflag:s14], $0x2000  }
0x14d: {  	s9 =	simm.s32 $0x0;
	[sflag:s14] =	ssyncset.done $0x0  }
0x14e: {  	v2 =	vmov s9;
	[sflag:s14] =	ssyncadd.s32 $0xFFFFE000  }
0x14f: {  	v2 =	vand.u32 $0x7F, v2;
	_ =	swait.ge [sflag:s24], $0x2000  }
0x150: {  	v2 =	vor.u32 $0x180, v2;
	[sflag:s24] =	ssyncset.done $0x0  }
0x151: {  	s11 =	simm.s32 $0xE00;
	v2 =	vbroadcast v2, $0x0;
	[sflag:s24] =	ssyncadd.s32 $0xFFFFE000  }
0x152: {  	[tilespmem:s7], [sflag:$0x3] =	stream.indirect.gather [hbm4b:s1+s31], $0x40, s11, s31, $0xb8;
	[tilespmem:$0x11DD0] =	vst v63  }
0x153: {  	_ =	swait.ge [sflag:s18], $0x800  }
0x154: {  	[sflag:s18] =	ssyncset.done $0x0  }
0x155: {  	s5 =	simm.s32 $0x3020;
	[sflag:s18] =	ssyncadd.s32 $0xFFFFF800  }
0x156: {  	v3 =	vld [tilespmem:s5+$0xFFFFFFE0]  }
0x157: {  	v2 =	vld.idx.msk [tilespmem:v2+s30+$0x0], $0xffff  }
0x158: {  	s13 =	simm.s32 $0x1;
	v4 =	vld [tilespmem:s5+$0xFFFFFFF0]  }
0x159: {  	v5 =	vmov s13;
	v6 =	vld [tilespmem:s5+$0x0]  }
0x15a: {  	v5 =	vand.u32 $0x7F, v5  }
0x15b: {  	v8 =	vor.u32 $0x180, v5;
	v5 =	vld [tilespmem:s5+$0x10];
	_ =	sdelay $0x1  }
0x15c: {  	v7 =	vmul.f32 v3, v2;
	v4 =	vmul.f32 v4, v2  }
0x15d: {  	s6 =	simm.s32 $0x3020;
	s9 =	simm.s32 $0x2;
	s8 =	simm.s32 $0x5000;
	v3 =	vbroadcast v8, $0x0;
	v6 =	vmul.f32 v6, v2  }
.LBB2_11:
0x15e: {  	s20 =	sadd.s32 $0x10, s20  }
0x15f: {  	[tilespmem:s5+$0xFFFFFFE0] =	vst v7;
	v5 =	vmul.f32 v5, v2;
	s6 =	sadd.s32 $0x40, s6;
	s11 =	smov.u32 s9;
	s13 =	sadd.s32 $0x1, s9  }
0x160: {  	p1 =	sne.s32 s9, $0x7F;
	[tilespmem:s5+$0x0] =	vst v6  }
0x161: {  	v2 =	vnsel vm0, $0x0, v2;
	[tilespmem:s5+$0xFFFFFFF0] =	vst v4  }
0x162: {  	[tilespmem:s5+$0x10] =	vst v5;
	s5 =	smov.u32 s6  }
0x163: {  	[tilespmem:s8+$0x0] =	vst v2;
	s8 =	smov.u32 s20  }
0x164: {  	v4 =	vld [tilespmem:s6+$0xFFFFFFE0]  }
0x165: {  	v2 =	vld.idx.msk [tilespmem:v3+s30+$0x0], $0xffff  }
0x166: {  	v3 =	vld [tilespmem:s6+$0xFFFFFFF0]  }
0x167: {  	v6 =	vld [tilespmem:s6+$0x0]  }
.Ltmp4:
0x168: {  	v5 =	vld [tilespmem:s6+$0x10];
	(pc) =	sbr.rel @p1 .LBB2_11-.Ltmp4, $4  }
0x169: {  	v7 =	vmov s11  }
0x16a: {  	v7 =	vand.u32 $0x7F, v7  }
0x16b: {  	v8 =	vor.u32 $0x180, v7;
	v7 =	vmul.f32 v4, v2;
	v4 =	vmul.f32 v3, v2  }
0x16c: {  	s9 =	smov.u32 s13;
	v3 =	vbroadcast v8, $0x0;
	v6 =	vmul.f32 v6, v2  }
0x16d: {  	[tilespmem:s5+$0xFFFFFFE0] =	vst v7  }
0x16e: {  	v5 =	vmul.f32 v5, v2;
	[tilespmem:s5+$0xFFFFFFF0] =	vst v4  }
0x16f: {  	[tilespmem:s5+$0x0] =	vst v6  }
0x170: {  	v2 =	vnsel vm0, $0x0, v2;
	[tilespmem:s5+$0x10] =	vst v5  }
0x171: {  	s13 =	sadd.s32 $0x40, s6;
	[tilespmem:s8+$0x0] =	vst v2  }
0x172: {  	v2 =	vld [tilespmem:s13+$0xFFFFFFE0]  }
0x173: {  	v3 =	vld.idx.msk [tilespmem:v3+s30+$0x0], $0xffff  }
0x174: {  	v4 =	vld [tilespmem:s13+$0x0]  }
0x175: {  	v5 =	vld [tilespmem:s13+$0xFFFFFFF0]  }
0x176: {  	v6 =	vld [tilespmem:s13+$0x10];
	_ =	sdelay $0x1  }
0x177: {  	v2 =	vmul.f32 v2, v3  }
0x178: {  	v4 =	vmul.f32 v4, v3  }
0x179: {  	v5 =	vmul.f32 v5, v3;
	[tilespmem:s13+$0xFFFFFFE0] =	vst v2  }
0x17a: {  	v2 =	vmul.f32 v6, v3;
	[tilespmem:s13+$0x0] =	vst v4  }
0x17b: {  	[tilespmem:s13+$0xFFFFFFF0] =	vst v5  }
0x17c: {  	s20 =	sadd.s32 $0x10, s20;
	v3 =	vnsel vm0, $0x0, v3;
	[tilespmem:s13+$0x10] =	vst v2  }
0x17d: {  	s8 =	simm.s32 $0x580;
	[tilespmem:s20+$0x0] =	vst v3  }
0x17e: {  	[spmem:s2] =	stream.indirect.scatter.add.f32 [tilespmem:s16], [sflag:$0x2], $0x40, s8, s31, $0xb8;
	[tilespmem:$0x11DD0] =	vst v63  }
0x17f: {  	s20 =	simm.s32 $0x5000  }
0x180: {  	[spmem:s3] =	stream.indirect.scatter.add.f32 [tilespmem:s20], [sflag:$0x4], $0x10, s8, s31, $0xb8;
	[tilespmem:$0x11DD0] =	vst v63  }
0x181: {  	_ =	swait.ge [sflag:s14], $0x2000  }
0x182: {  	s9 =	simm.s32 $0x0;
	[sflag:s14] =	ssyncset.done $0x0  }
0x183: {  	v2 =	vmov s9;
	[sflag:s14] =	ssyncadd.s32 $0xFFFFE000  }
0x184: {  	v2 =	vand.u32 $0x7F, v2;
	_ =	swait.ge [sflag:s26], $0x2000  }
0x185: {  	v2 =	vor.u32 $0x200, v2;
	[sflag:s26] =	ssyncset.done $0x0  }
0x186: {  	s11 =	simm.s32 $0xE80;
	v2 =	vbroadcast v2, $0x0;
	[sflag:s26] =	ssyncadd.s32 $0xFFFFE000  }
0x187: {  	[tilespmem:s16], [sflag:$0x3] =	stream.indirect.gather [hbm4b:s1+s31], $0x40, s11, s31, $0xb8;
	[tilespmem:$0x11DD0] =	vst v63  }
0x188: {  	_ =	swait.ge [sflag:s18], $0x800  }
0x189: {  	[sflag:s18] =	ssyncset.done $0x0  }
0x18a: {  	s5 =	simm.s32 $0x1020;
	[sflag:s18] =	ssyncadd.s32 $0xFFFFF800  }
0x18b: {  	v3 =	vld [tilespmem:s5+$0xFFFFFFE0]  }
0x18c: {  	v2 =	vld.idx.msk [tilespmem:v2+s30+$0x0], $0xffff  }
0x18d: {  	s13 =	simm.s32 $0x1;
	v4 =	vld [tilespmem:s5+$0xFFFFFFF0]  }
0x18e: {  	v5 =	vmov s13;
	v6 =	vld [tilespmem:s5+$0x0]  }
0x18f: {  	v5 =	vand.u32 $0x7F, v5  }
0x190: {  	v8 =	vor.u32 $0x200, v5;
	v5 =	vld [tilespmem:s5+$0x10];
	_ =	sdelay $0x1  }
0x191: {  	v7 =	vmul.f32 v3, v2;
	v4 =	vmul.f32 v4, v2  }
0x192: {  	s6 =	simm.s32 $0x1020;
	s9 =	simm.s32 $0x2;
	s8 =	simm.s32 $0x5000;
	v3 =	vbroadcast v8, $0x0;
	v6 =	vmul.f32 v6, v2  }
.LBB2_13:
0x193: {  	s20 =	sadd.s32 $0x10, s20  }
0x194: {  	[tilespmem:s5+$0xFFFFFFE0] =	vst v7;
	v5 =	vmul.f32 v5, v2;
	s6 =	sadd.s32 $0x40, s6;
	s11 =	smov.u32 s9;
	s13 =	sadd.s32 $0x1, s9  }
0x195: {  	p1 =	sne.s32 s9, $0x7F;
	[tilespmem:s5+$0x0] =	vst v6  }
0x196: {  	v2 =	vnsel vm0, $0x0, v2;
	[tilespmem:s5+$0xFFFFFFF0] =	vst v4  }
0x197: {  	[tilespmem:s5+$0x10] =	vst v5;
	s5 =	smov.u32 s6  }
0x198: {  	[tilespmem:s8+$0x0] =	vst v2;
	s8 =	smov.u32 s20  }
0x199: {  	v4 =	vld [tilespmem:s6+$0xFFFFFFE0]  }
0x19a: {  	v2 =	vld.idx.msk [tilespmem:v3+s30+$0x0], $0xffff  }
0x19b: {  	v3 =	vld [tilespmem:s6+$0xFFFFFFF0]  }
0x19c: {  	v6 =	vld [tilespmem:s6+$0x0]  }
.Ltmp5:
0x19d: {  	v5 =	vld [tilespmem:s6+$0x10];
	(pc) =	sbr.rel @p1 .LBB2_13-.Ltmp5, $4  }
0x19e: {  	v7 =	vmov s11  }
0x19f: {  	v7 =	vand.u32 $0x7F, v7  }
0x1a0: {  	v8 =	vor.u32 $0x200, v7;
	v7 =	vmul.f32 v4, v2;
	v4 =	vmul.f32 v3, v2  }
0x1a1: {  	s9 =	smov.u32 s13;
	v3 =	vbroadcast v8, $0x0;
	v6 =	vmul.f32 v6, v2  }
0x1a2: {  	[tilespmem:s5+$0xFFFFFFE0] =	vst v7  }
0x1a3: {  	v5 =	vmul.f32 v5, v2;
	[tilespmem:s5+$0xFFFFFFF0] =	vst v4  }
0x1a4: {  	[tilespmem:s5+$0x0] =	vst v6  }
0x1a5: {  	v2 =	vnsel vm0, $0x0, v2;
	[tilespmem:s5+$0x10] =	vst v5  }
0x1a6: {  	s13 =	sadd.s32 $0x40, s6;
	[tilespmem:s8+$0x0] =	vst v2  }
0x1a7: {  	v2 =	vld [tilespmem:s13+$0xFFFFFFE0]  }
0x1a8: {  	v3 =	vld.idx.msk [tilespmem:v3+s30+$0x0], $0xffff  }
0x1a9: {  	v4 =	vld [tilespmem:s13+$0x0]  }
0x1aa: {  	v5 =	vld [tilespmem:s13+$0xFFFFFFF0]  }
0x1ab: {  	v6 =	vld [tilespmem:s13+$0x10];
	_ =	sdelay $0x1  }
0x1ac: {  	v2 =	vmul.f32 v2, v3  }
0x1ad: {  	v4 =	vmul.f32 v4, v3  }
0x1ae: {  	v5 =	vmul.f32 v5, v3;
	[tilespmem:s13+$0xFFFFFFE0] =	vst v2  }
0x1af: {  	v2 =	vmul.f32 v6, v3;
	[tilespmem:s13+$0x0] =	vst v4  }
0x1b0: {  	[tilespmem:s13+$0xFFFFFFF0] =	vst v5  }
0x1b1: {  	s20 =	sadd.s32 $0x10, s20;
	v3 =	vnsel vm0, $0x0, v3;
	[tilespmem:s13+$0x10] =	vst v2  }
0x1b2: {  	s8 =	simm.s32 $0x600;
	[tilespmem:s20+$0x0] =	vst v3  }
0x1b3: {  	[spmem:s2] =	stream.indirect.scatter.add.f32 [tilespmem:s7], [sflag:$0x1], $0x40, s8, s31, $0xb8;
	[tilespmem:$0x11DD0] =	vst v63  }
0x1b4: {  	s20 =	simm.s32 $0x5000  }
0x1b5: {  	[spmem:s3] =	stream.indirect.scatter.add.f32 [tilespmem:s20], [sflag:$0x4], $0x10, s8, s31, $0xb8;
	[tilespmem:$0x11DD0] =	vst v63  }
0x1b6: {  	_ =	swait.ge [sflag:s14], $0x2000  }
0x1b7: {  	s9 =	simm.s32 $0x0;
	[sflag:s14] =	ssyncset.done $0x0  }
0x1b8: {  	v2 =	vmov s9;
	[sflag:s14] =	ssyncadd.s32 $0xFFFFE000  }
0x1b9: {  	v2 =	vand.u32 $0x7F, v2;
	_ =	swait.ge [sflag:s24], $0x2000  }
0x1ba: {  	v2 =	vor.u32 $0x280, v2;
	[sflag:s24] =	ssyncset.done $0x0  }
0x1bb: {  	s11 =	simm.s32 $0xF00;
	v2 =	vbroadcast v2, $0x0;
	[sflag:s24] =	ssyncadd.s32 $0xFFFFE000  }
0x1bc: {  	[tilespmem:s7], [sflag:$0x3] =	stream.indirect.gather [hbm4b:s1+s31], $0x40, s11, s31, $0xb8;
	[tilespmem:$0x11DD0] =	vst v63  }
0x1bd: {  	_ =	swait.ge [sflag:s18], $0x800  }
0x1be: {  	[sflag:s18] =	ssyncset.done $0x0  }
0x1bf: {  	s5 =	simm.s32 $0x3020;
	[sflag:s18] =	ssyncadd.s32 $0xFFFFF800  }
0x1c0: {  	v3 =	vld [tilespmem:s5+$0xFFFFFFE0]  }
0x1c1: {  	v2 =	vld.idx.msk [tilespmem:v2+s30+$0x0], $0xffff  }
0x1c2: {  	s13 =	simm.s32 $0x1;
	v4 =	vld [tilespmem:s5+$0xFFFFFFF0]  }
0x1c3: {  	v5 =	vmov s13;
	v6 =	vld [tilespmem:s5+$0x0]  }
0x1c4: {  	v5 =	vand.u32 $0x7F, v5  }
0x1c5: {  	v8 =	vor.u32 $0x280, v5;
	v5 =	vld [tilespmem:s5+$0x10];
	_ =	sdelay $0x1  }
0x1c6: {  	v7 =	vmul.f32 v3, v2;
	v4 =	vmul.f32 v4, v2  }
0x1c7: {  	s6 =	simm.s32 $0x3020;
	s9 =	simm.s32 $0x2;
	s8 =	simm.s32 $0x5000;
	v3 =	vbroadcast v8, $0x0;
	v6 =	vmul.f32 v6, v2  }
.LBB2_15:
0x1c8: {  	s20 =	sadd.s32 $0x10, s20  }
0x1c9: {  	[tilespmem:s5+$0xFFFFFFE0] =	vst v7;
	v5 =	vmul.f32 v5, v2;
	s6 =	sadd.s32 $0x40, s6;
	s11 =	smov.u32 s9;
	s13 =	sadd.s32 $0x1, s9  }
0x1ca: {  	p1 =	sne.s32 s9, $0x7F;
	[tilespmem:s5+$0x0] =	vst v6  }
0x1cb: {  	v2 =	vnsel vm0, $0x0, v2;
	[tilespmem:s5+$0xFFFFFFF0] =	vst v4  }
0x1cc: {  	[tilespmem:s5+$0x10] =	vst v5;
	s5 =	smov.u32 s6  }
0x1cd: {  	[tilespmem:s8+$0x0] =	vst v2;
	s8 =	smov.u32 s20  }
0x1ce: {  	v4 =	vld [tilespmem:s6+$0xFFFFFFE0]  }
0x1cf: {  	v2 =	vld.idx.msk [tilespmem:v3+s30+$0x0], $0xffff  }
0x1d0: {  	v3 =	vld [tilespmem:s6+$0xFFFFFFF0]  }
0x1d1: {  	v6 =	vld [tilespmem:s6+$0x0]  }
.Ltmp6:
0x1d2: {  	v5 =	vld [tilespmem:s6+$0x10];
	(pc) =	sbr.rel @p1 .LBB2_15-.Ltmp6, $4  }
0x1d3: {  	v7 =	vmov s11  }
0x1d4: {  	v7 =	vand.u32 $0x7F, v7  }
0x1d5: {  	v8 =	vor.u32 $0x280, v7;
	v7 =	vmul.f32 v4, v2;
	v4 =	vmul.f32 v3, v2  }
0x1d6: {  	s9 =	smov.u32 s13;
	v3 =	vbroadcast v8, $0x0;
	v6 =	vmul.f32 v6, v2  }
0x1d7: {  	[tilespmem:s5+$0xFFFFFFE0] =	vst v7  }
0x1d8: {  	v5 =	vmul.f32 v5, v2;
	[tilespmem:s5+$0xFFFFFFF0] =	vst v4  }
0x1d9: {  	[tilespmem:s5+$0x0] =	vst v6  }
0x1da: {  	v2 =	vnsel vm0, $0x0, v2;
	[tilespmem:s5+$0x10] =	vst v5  }
0x1db: {  	s13 =	sadd.s32 $0x40, s6;
	[tilespmem:s8+$0x0] =	vst v2  }
0x1dc: {  	v2 =	vld [tilespmem:s13+$0xFFFFFFE0]  }
0x1dd: {  	v3 =	vld.idx.msk [tilespmem:v3+s30+$0x0], $0xffff  }
0x1de: {  	v4 =	vld [tilespmem:s13+$0x0]  }
0x1df: {  	v5 =	vld [tilespmem:s13+$0xFFFFFFF0]  }
0x1e0: {  	v6 =	vld [tilespmem:s13+$0x10];
	_ =	sdelay $0x1  }
0x1e1: {  	v2 =	vmul.f32 v2, v3  }
0x1e2: {  	v4 =	vmul.f32 v4, v3  }
0x1e3: {  	v5 =	vmul.f32 v5, v3;
	[tilespmem:s13+$0xFFFFFFE0] =	vst v2  }
0x1e4: {  	v2 =	vmul.f32 v6, v3;
	[tilespmem:s13+$0x0] =	vst v4  }
0x1e5: {  	[tilespmem:s13+$0xFFFFFFF0] =	vst v5  }
0x1e6: {  	s20 =	sadd.s32 $0x10, s20;
	v3 =	vnsel vm0, $0x0, v3;
	[tilespmem:s13+$0x10] =	vst v2  }
0x1e7: {  	s8 =	simm.s32 $0x680;
	[tilespmem:s20+$0x0] =	vst v3  }
0x1e8: {  	[spmem:s2] =	stream.indirect.scatter.add.f32 [tilespmem:s16], [sflag:$0x2], $0x40, s8, s31, $0xb8;
	[tilespmem:$0x11DD0] =	vst v63  }
0x1e9: {  	s20 =	simm.s32 $0x5000  }
0x1ea: {  	[spmem:s3] =	stream.indirect.scatter.add.f32 [tilespmem:s20], [sflag:$0x4], $0x10, s8, s31, $0xb8;
	[tilespmem:$0x11DD0] =	vst v63  }
0x1eb: {  	_ =	swait.ge [sflag:s14], $0x2000  }
0x1ec: {  	s9 =	simm.s32 $0x0;
	[sflag:s14] =	ssyncset.done $0x0  }
0x1ed: {  	v2 =	vmov s9;
	[sflag:s14] =	ssyncadd.s32 $0xFFFFE000  }
0x1ee: {  	v2 =	vand.u32 $0x7F, v2;
	_ =	swait.ge [sflag:s26], $0x2000  }
0x1ef: {  	v2 =	vor.u32 $0x300, v2;
	[sflag:s26] =	ssyncset.done $0x0  }
0x1f0: {  	s11 =	simm.s32 $0xF80;
	v2 =	vbroadcast v2, $0x0;
	[sflag:s26] =	ssyncadd.s32 $0xFFFFE000  }
0x1f1: {  	[tilespmem:s16], [sflag:$0x3] =	stream.indirect.gather [hbm4b:s1+s31], $0x40, s11, s31, $0xb8;
	[tilespmem:$0x11DD0] =	vst v63  }
0x1f2: {  	_ =	swait.ge [sflag:s18], $0x800  }
0x1f3: {  	[sflag:s18] =	ssyncset.done $0x0  }
0x1f4: {  	s5 =	simm.s32 $0x1020;
	[sflag:s18] =	ssyncadd.s32 $0xFFFFF800  }
0x1f5: {  	v3 =	vld [tilespmem:s5+$0xFFFFFFE0]  }
0x1f6: {  	v2 =	vld.idx.msk [tilespmem:v2+s30+$0x0], $0xffff  }
0x1f7: {  	s13 =	simm.s32 $0x1;
	v4 =	vld [tilespmem:s5+$0xFFFFFFF0]  }
0x1f8: {  	v5 =	vmov s13;
	v6 =	vld [tilespmem:s5+$0x0]  }
0x1f9: {  	v5 =	vand.u32 $0x7F, v5  }
0x1fa: {  	v8 =	vor.u32 $0x300, v5;
	v5 =	vld [tilespmem:s5+$0x10];
	_ =	sdelay $0x1  }
0x1fb: {  	v7 =	vmul.f32 v3, v2;
	v4 =	vmul.f32 v4, v2  }
0x1fc: {  	s6 =	simm.s32 $0x1020;
	s9 =	simm.s32 $0x2;
	s8 =	simm.s32 $0x5000;
	v3 =	vbroadcast v8, $0x0;
	v6 =	vmul.f32 v6, v2  }
.LBB2_17:
0x1fd: {  	s20 =	sadd.s32 $0x10, s20  }
0x1fe: {  	[tilespmem:s5+$0xFFFFFFE0] =	vst v7;
	v5 =	vmul.f32 v5, v2;
	s6 =	sadd.s32 $0x40, s6;
	s11 =	smov.u32 s9;
	s13 =	sadd.s32 $0x1, s9  }
0x1ff: {  	p1 =	sne.s32 s9, $0x7F;
	[tilespmem:s5+$0x0] =	vst v6  }
0x200: {  	v2 =	vnsel vm0, $0x0, v2;
	[tilespmem:s5+$0xFFFFFFF0] =	vst v4  }
0x201: {  	[tilespmem:s5+$0x10] =	vst v5;
	s5 =	smov.u32 s6  }
0x202: {  	[tilespmem:s8+$0x0] =	vst v2;
	s8 =	smov.u32 s20  }
0x203: {  	v4 =	vld [tilespmem:s6+$0xFFFFFFE0]  }
0x204: {  	v2 =	vld.idx.msk [tilespmem:v3+s30+$0x0], $0xffff  }
0x205: {  	v3 =	vld [tilespmem:s6+$0xFFFFFFF0]  }
0x206: {  	v6 =	vld [tilespmem:s6+$0x0]  }
.Ltmp7:
0x207: {  	v5 =	vld [tilespmem:s6+$0x10];
	(pc) =	sbr.rel @p1 .LBB2_17-.Ltmp7, $4  }
0x208: {  	v7 =	vmov s11  }
0x209: {  	v7 =	vand.u32 $0x7F, v7  }
0x20a: {  	v8 =	vor.u32 $0x300, v7;
	v7 =	vmul.f32 v4, v2;
	v4 =	vmul.f32 v3, v2  }
0x20b: {  	s9 =	smov.u32 s13;
	v3 =	vbroadcast v8, $0x0;
	v6 =	vmul.f32 v6, v2  }
0x20c: {  	[tilespmem:s5+$0xFFFFFFE0] =	vst v7  }
0x20d: {  	v5 =	vmul.f32 v5, v2;
	[tilespmem:s5+$0xFFFFFFF0] =	vst v4  }
0x20e: {  	[tilespmem:s5+$0x0] =	vst v6  }
0x20f: {  	v2 =	vnsel vm0, $0x0, v2;
	[tilespmem:s5+$0x10] =	vst v5  }
0x210: {  	s6 =	sadd.s32 $0x40, s6;
	[tilespmem:s8+$0x0] =	vst v2  }
0x211: {  	v2 =	vld [tilespmem:s6+$0xFFFFFFE0]  }
0x212: {  	v3 =	vld.idx.msk [tilespmem:v3+s30+$0x0], $0xffff  }
0x213: {  	v4 =	vld [tilespmem:s6+$0x0]  }
0x214: {  	v5 =	vld [tilespmem:s6+$0xFFFFFFF0]  }
0x215: {  	v6 =	vld [tilespmem:s6+$0x10];
	_ =	sdelay $0x1  }
0x216: {  	v2 =	vmul.f32 v2, v3  }
0x217: {  	v4 =	vmul.f32 v4, v3  }
0x218: {  	v5 =	vmul.f32 v5, v3;
	[tilespmem:s6+$0xFFFFFFE0] =	vst v2  }
0x219: {  	v2 =	vmul.f32 v6, v3;
	[tilespmem:s6+$0x0] =	vst v4  }
0x21a: {  	[tilespmem:s6+$0xFFFFFFF0] =	vst v5  }
0x21b: {  	s9 =	sadd.s32 $0x10, s20;
	v3 =	vnsel vm0, $0x0, v3;
	[tilespmem:s6+$0x10] =	vst v2  }
0x21c: {  	s11 =	simm.s32 $0x0;
	[tilespmem:s9+$0x0] =	vst v3  }
0x21d: {  	[spmem:s2] =	stream.indirect.scatter.add.f32 [tilespmem:s7], [sflag:$0x1], $0x40, s10, s31, $0xb8;
	[tilespmem:$0x11DD0] =	vst v63  }
0x21e: {  	s20 =	simm.s32 $0x5000;
	v2 =	vmov s11  }
0x21f: {  	v2 =	vand.u32 $0x7F, v2;
	[spmem:s3] =	stream.indirect.scatter.add.f32 [tilespmem:s20], [sflag:$0x4], $0x10, s10, s31, $0xb8;
	[tilespmem:$0x11DD0] =	vst v63  }
0x220: {  	v2 =	vor.u32 $0x380, v2;
	_ =	swait.ge [sflag:s14], $0x2000  }
0x221: {  	v2 =	vbroadcast v2, $0x0;
	[sflag:s14] =	ssyncset.done $0x0  }
0x222: {  	[sflag:s14] =	ssyncadd.s32 $0xFFFFE000  }
0x223: {  	_ =	swait.ge [sflag:s18], $0x800  }
0x224: {  	[sflag:s18] =	ssyncset.done $0x0  }
0x225: {  	s5 =	simm.s32 $0x3020;
	[sflag:s18] =	ssyncadd.s32 $0xFFFFF800  }
0x226: {  	v3 =	vld [tilespmem:s5+$0xFFFFFFE0]  }
0x227: {  	v2 =	vld.idx.msk [tilespmem:v2+s30+$0x0], $0xffff  }
0x228: {  	s13 =	simm.s32 $0x1;
	v4 =	vld [tilespmem:s5+$0xFFFFFFF0]  }
0x229: {  	v5 =	vmov s13;
	v6 =	vld [tilespmem:s5+$0x0]  }
0x22a: {  	v5 =	vand.u32 $0x7F, v5  }
0x22b: {  	v8 =	vor.u32 $0x380, v5;
	v5 =	vld [tilespmem:s5+$0x10];
	_ =	sdelay $0x1  }
0x22c: {  	v7 =	vmul.f32 v3, v2;
	v4 =	vmul.f32 v4, v2  }
0x22d: {  	s8 =	simm.s32 $0x5000;
	s6 =	simm.s32 $0x3020;
	s9 =	simm.s32 $0x2;
	v3 =	vbroadcast v8, $0x0;
	v6 =	vmul.f32 v6, v2  }
.LBB2_19:
0x22e: {  	s20 =	sadd.s32 $0x10, s20  }
0x22f: {  	[tilespmem:s5+$0xFFFFFFE0] =	vst v7;
	v5 =	vmul.f32 v5, v2;
	s6 =	sadd.s32 $0x40, s6;
	s11 =	smov.u32 s9;
	s13 =	sadd.s32 $0x1, s9  }
0x230: {  	p1 =	sne.s32 s9, $0x7F;
	[tilespmem:s5+$0x0] =	vst v6  }
0x231: {  	v2 =	vnsel vm0, $0x0, v2;
	[tilespmem:s5+$0xFFFFFFF0] =	vst v4  }
0x232: {  	[tilespmem:s5+$0x10] =	vst v5;
	s5 =	smov.u32 s6  }
0x233: {  	[tilespmem:s8+$0x0] =	vst v2;
	s8 =	smov.u32 s20  }
0x234: {  	v4 =	vld [tilespmem:s6+$0xFFFFFFE0]  }
0x235: {  	v2 =	vld.idx.msk [tilespmem:v3+s30+$0x0], $0xffff  }
0x236: {  	v3 =	vld [tilespmem:s6+$0xFFFFFFF0]  }
0x237: {  	v6 =	vld [tilespmem:s6+$0x0]  }
.Ltmp8:
0x238: {  	v5 =	vld [tilespmem:s6+$0x10];
	(pc) =	sbr.rel @p1 .LBB2_19-.Ltmp8, $4  }
0x239: {  	v7 =	vmov s11  }
0x23a: {  	v7 =	vand.u32 $0x7F, v7  }
0x23b: {  	v8 =	vor.u32 $0x380, v7;
	v7 =	vmul.f32 v4, v2;
	v4 =	vmul.f32 v3, v2  }
0x23c: {  	s9 =	smov.u32 s13;
	v3 =	vbroadcast v8, $0x0;
	v6 =	vmul.f32 v6, v2  }
0x23d: {  	[tilespmem:s5+$0xFFFFFFE0] =	vst v7  }
0x23e: {  	v5 =	vmul.f32 v5, v2;
	[tilespmem:s5+$0xFFFFFFF0] =	vst v4  }
0x23f: {  	[tilespmem:s5+$0x0] =	vst v6  }
0x240: {  	v2 =	vnsel vm0, $0x0, v2;
	[tilespmem:s5+$0x10] =	vst v5  }
0x241: {  	s11 =	sadd.s32 $0x40, s6;
	[tilespmem:s8+$0x0] =	vst v2  }
0x242: {  	v2 =	vld [tilespmem:s11+$0xFFFFFFE0]  }
0x243: {  	v3 =	vld.idx.msk [tilespmem:v3+s30+$0x0], $0xffff  }
0x244: {  	v4 =	vld [tilespmem:s11+$0x0]  }
0x245: {  	v5 =	vld [tilespmem:s11+$0xFFFFFFF0]  }
0x246: {  	v6 =	vld [tilespmem:s11+$0x10];
	_ =	sdelay $0x1  }
0x247: {  	v2 =	vmul.f32 v2, v3  }
0x248: {  	v4 =	vmul.f32 v4, v3  }
0x249: {  	v5 =	vmul.f32 v5, v3;
	[tilespmem:s11+$0xFFFFFFE0] =	vst v2  }
0x24a: {  	v2 =	vmul.f32 v6, v3;
	[tilespmem:s11+$0x0] =	vst v4  }
0x24b: {  	[tilespmem:s11+$0xFFFFFFF0] =	vst v5  }
0x24c: {  	s13 =	sadd.s32 $0x10, s20;
	v3 =	vnsel vm0, $0x0, v3;
	[tilespmem:s11+$0x10] =	vst v2  }
0x24d: {  	[tilespmem:s13+$0x0] =	vst v3  }
0x24e: {  	[spmem:s2] =	stream.indirect.scatter.add.f32 [tilespmem:s16], [sflag:$0x2], $0x40, s12, s31, $0xb8;
	[tilespmem:$0x11DD0] =	vst v63  }
0x24f: {  	s20 =	simm.s32 $0x5000  }
0x250: {  	[spmem:s3] =	stream.indirect.scatter.add.f32 [tilespmem:s20], [sflag:$0x4], $0x10, s12, s31, $0xb8;
	[tilespmem:$0x11DD0] =	vst v63  }
0x251: {  	_ =	swait.ge [sflag:s24], $0x2000  }
0x252: {  	[sflag:s24] =	ssyncset.done $0x0  }
0x253: {  	s17 =	sadd.s32 $0x1, s17;
	[sflag:s24] =	ssyncadd.s32 $0xFFFFE000  }
0x254: {  	p1 =	sne.s32 s17, $0x14;
	_ =	swait.ge [sflag:s26], $0x2000  }
.Ltmp9:
0x255: {  	[sflag:s26] =	ssyncset.done $0x0;
	(pc) =	sbr.rel @p1 .LBB2_4-.Ltmp9, $4  }
0x256: {  	[sflag:s26] =	ssyncadd.s32 $0xFFFFE000  }
0x257: {  	_ =	swait.ge [sflag:s18], $0x800  }
0x258: {  	[sflag:s18] =	ssyncset.done $0x0  }
0x259: {  	[sflag:s18] =	ssyncadd.s32 $0xFFFFF800  }
0x25a: {  	s0 =	stileid.u32;
	[bflag:$0x0] =	sbarrier.arrive $0xFFFF  }
0x25b: {  	s5 =	sshll.u32 s0, $0x6;
	s4 =	rddreg [dreg:$0x14]  }
0x25c: {  	s15 =	rddreg [dreg:$0x15];
	s22 =	sshrl.u32 s4, $0x3;
	s6 =	sor.u32 $0x1C01, s5  }
0x25d: {  	[hbm:s15], [sflag:s6] =	dma.local [spmem:s22], $0x40  }
0x25e: {  	s9 =	sshrl.u32 s19, $0x3;
	s13 =	sadd.s32 $0x0, s21;
	_ =	swait.ge [sflag:s24], $0x40  }
0x25f: {  	s20 =	simm.s32 $0x20;
	s0 =	simm.s32 $0x10;
	[sflag:s24] =	ssyncset.done $0x0  }
0x260: {  	s11 =	sadd.s32 $0x200, s4;
	s8 =	sor.u32 $0x1C02, s5;
	[sflag:s24] =	ssyncadd.s32 $0xFFFFFFC0  }
0x261: {  	[hbm:s13], [sflag:s8] =	dma.local [spmem:s9], $0x10  }
0x262: {  	s17 =	sshrl.u32 s11, $0x3;
	s11 =	sadd.s32 $0x200, s11;
	_ =	swait.ge [sflag:s26], $0x10  }
0x263: {  	s13 =	sadd.s32 $0x80, s19;
	s9 =	sadd.s32 $0x40, s15;
	[sflag:s26] =	ssyncset.done $0x0  }
.LBB2_22:
0x264: {  	s22 =	sor.u32 $0x1C01, s5;
	[sflag:s26] =	ssyncadd.s32 $0xFFFFFFF0;
	s4 =	smov.u32 s17  }
0x265: {  	s17 =	sshrl.u32 s11, $0x3;
	s15 =	smov.u32 s0;
	s0 =	smov.u32 s20  }
0x266: {  	[hbm:s9], [sflag:s22] =	dma.local [spmem:s4], $0x40  }
0x267: {  	p1 =	sne.s32 s20, $0x4D0;
	s20 =	sadd.s32 $0x10, s20;
	_ =	swait.ge [sflag:s24], $0x40  }
.Ltmp10:
0x268: {  	s4 =	sshrl.u32 s13, $0x3;
	[sflag:s24] =	ssyncset.done $0x0;
	(pc) =	sbr.rel @p1 .LBB2_22-.Ltmp10, $4  }
0x269: {  	s15 =	sadd.s32 s15, s21;
	s22 =	sor.u32 $0x1C02, s5;
	[sflag:s24] =	ssyncadd.s32 $0xFFFFFFC0  }
0x26a: {  	[hbm:s15], [sflag:s22] =	dma.local [spmem:s4], $0x10  }
0x26b: {  	s13 =	sadd.s32 $0x80, s13;
	s9 =	sadd.s32 $0x40, s9;
	_ =	swait.ge [sflag:s26], $0x10  }
0x26c: {  	s11 =	sadd.s32 $0x200, s11;
	[sflag:s26] =	ssyncset.done $0x0  }
0x26d: {  	[sflag:s26] =	ssyncadd.s32 $0xFFFFFFF0  }
0x26e: {  	[hbm:s9], [sflag:s6] =	dma.local [spmem:s17], $0x40  }
0x26f: {  	_ =	swait.ge [sflag:s24], $0x40  }
0x270: {  	[sflag:s24] =	ssyncset.done $0x0  }
0x271: {  	s4 =	sshrl.u32 s13, $0x3;
	s0 =	sadd.s32 s0, s21;
	[sflag:s24] =	ssyncadd.s32 $0xFFFFFFC0  }
0x272: {  	[hbm:s0], [sflag:s8] =	dma.local [spmem:s4], $0x10  }
0x273: {  	_ =	swait.ge [sflag:s26], $0x10  }
0x274: {  	s4 =	simm.s32 @!p0 $0x1FC1;
	[sflag:s26] =	ssyncset.done $0x0;
	s17 =	rddreg [dreg:$0xa]  }
0x275: {  	s5 =	rddreg [dreg:$0xf];
	[sflag:s26] =	ssyncadd.s32 $0xFFFFFFF0;
	s0 =	sshrl.u32 @!p0 s17, $0x3  }
0x276: {  	[hbm:s5], [sflag:s4] =	dma.local @!p0 [spmem:s0], $0x40  }
0x277: {  	s0 =	simm.s32 @!p0 $0x1  }
0x278: {  	_ =	swait.ge @!p0 [sflag:s0], $0x40  }
0x279: {  	s6 =	simm.s32 @!p0 $0x1FC2;
	[sflag:s0] =	ssyncset.done @!p0 $0x0;
	s20 =	rddreg [dreg:$0xb]  }
0x27a: {  	s8 =	rddreg [dreg:$0x10];
	[sflag:s0] =	ssyncadd.s32 @!p0 $0xFFFFFFC0;
	s5 =	sshrl.u32 @!p0 s20, $0x3  }
0x27b: {  	[hbm:s8], [sflag:s6] =	dma.local @!p0 [spmem:s5], $0x10  }
0x27c: {  	s5 =	simm.s32 @!p0 $0x2  }
0x27d: {  	_ =	swait.ge @!p0 [sflag:s5], $0x10  }
0x27e: {  	[sflag:s5] =	ssyncset.done @!p0 $0x0;
	s8 =	rddreg [dreg:$0xc]  }
0x27f: {  	s9 =	rddreg [dreg:$0x11];
	[sflag:s5] =	ssyncadd.s32 @!p0 $0xFFFFFFF0;
	s8 =	sshrl.u32 @!p0 s8, $0x3  }
0x280: {  	[hbm:s9], [sflag:s4] =	dma.local @!p0 [spmem:s8], $0x40  }
0x281: {  	_ =	swait.ge @!p0 [sflag:s0], $0x40  }
0x282: {  	[sflag:s0] =	ssyncset.done @!p0 $0x0  }
0x283: {  	[sflag:s0] =	ssyncadd.s32 @!p0 $0xFFFFFFC0;
	s0 =	rddreg [dreg:$0xd]  }
0x284: {  	s4 =	rddreg [dreg:$0x12];
	s0 =	sshrl.u32 @!p0 s0, $0x3  }
0x285: {  	[hbm:s4], [sflag:s6] =	dma.local @!p0 [spmem:s0], $0x10  }
0x286: {  	_ =	swait.ge @!p0 [sflag:s5], $0x10  }
0x287: {  	s15 =	rddreg [dreg:$0x6]  }
0x288: {  	s22 =	rddreg [dreg:$0x13];
	s13 =	sadd.s32 $0x1, s15  }
0x289: {  	p1 =	sne.s32 s13, s22  }
.Ltmp11:
0x28a: {  	_ = 	snop;
	(pc) =	sbr.rel @p1 .LBB2_1-.Ltmp11, $3  }
0x28b: {  	_ =	sdelay $0x1  }
0x28c: {  	[sflag:s5] =	ssyncset.done @!p0 $0x0;
	s15 =	rddreg [dreg:$0x7]  }
0x28d: {  	[sflag:s5] =	ssyncadd.s32 @!p0 $0xFFFFFFF0;
	s22 =	rddreg [dreg:$0x8]  }
0x28e: {  	_ =	sfence.sel $0x180000  }
0x28f: {  	[bflag:$0x0] =	sbarrier.arrive $0xFFFF  }
0x290: {  	_ =	strace $0x9000004A  }
0x291: {  	s0 =	stileid.u32;
	[bflag:$0x2] =	sbarrier.arrive $0xFFFF  }
0x292: {  	p0 =	sne.s32 s0, $0x0;
	s0 =	rddreg [dreg:$0x5]  }
0x293: {  	s0 =	sadd.s32 @!p0 $0x100000, s0  }
0x294: {  	[sflag:s0] =	ssyncadd.tile.s32 @!p0 $0x1;
	_ =	shalt  }
.Lfunc_end2:
_tile_overlayer_lowered:
.L_overlay_start_2:
0x295: {  	(tag) =	ssettag $0x2  }
0x296: {  	s0 =	rddreg [dreg:$0x0];
	s2 =	stileid.u32  }
0x297: {  	s1 =	rddreg [dreg:$0x1];
	p0 =	sne.s32 s2, $0x0  }
0x298: {  	s3 =	rddreg [dreg:$0x2];
	[bflag:$0x3] =	sbarrier.arrive $0xFFFF;
	s2 =	simm.s32 @!p0 $0x1C05  }
0x299: {  	[timem:s3], [sflag:s2] =	dma.local @!p0 [hbm:s0], s1  }
0x29a: {  	s0 =	simm.s32 @!p0 $0x5  }
0x29b: {  	_ =	swait.ge @!p0 [sflag:s0], s1  }
0x29c: {  	s1 =	ssub.s32 @!p0 $0x0, s1;
	[sflag:s0] =	ssyncset.done @!p0 $0x0  }
0x29d: {  	[sflag:s0] =	ssyncadd.s32 @!p0 s1  }
0x29e: {  	[bflag:$0x3] =	sbarrier.arrive $0xFFFF  }
0x29f: {  	_ =	shalt  }

</sc_bundles>
